<compile_context>
chip_gen: v7x
topology: tpu7x:2x2x1
jax: 0.10.2.dev20260603
libtpu: 0.0.44.dev20260713+nightly
codegen_flags: <defaults>
</compile_context>

<pallas_src>
import functools

import jax
import jax.numpy as jnp
from jax import lax
from jax.experimental import pallas as pl
from jax.experimental.pallas import tpu as pltpu
from jax.experimental.pallas import tpu_sc as plsc

B, S, D, H, L, K = 8, 1024, 64, 4, 2, 8192
DK = D // H
FF = 4 * D
N = B * S


def _rowsum(x):
    w = x.shape[1]
    if w > 128:
        acc = x[:, 0:128]
        for t in range(1, w // 128):
            acc = acc + x[:, t * 128:(t + 1) * 128]
    else:
        acc = x
    ng = acc.shape[1] // 8
    part = acc[:, 0:8]
    for j in range(1, ng):
        part = part + acc[:, j * 8:(j + 1) * 8]
    part = part[:, 0:4] + part[:, 4:8]
    part = part[:, 0:2] + part[:, 2:4]
    part = part[:, 0:1] + part[:, 1:2]
    return part


def _ln(x, g, b):
    m = _rowsum(x) / jnp.float32(x.shape[1])
    c = x - m
    v = _rowsum(c * c) / jnp.float32(x.shape[1])
    return c / jnp.sqrt(v + 1e-5) * g + b


def _softmax(s):
    m = jnp.max(s, axis=-1, keepdims=True)
    e = jnp.exp(s - m)
    return e / _rowsum(e)


def _encoder_body(x_ref, wq_ref, bq_ref, wk_ref, bk_ref, wv_ref, bv_ref,
                  wo_ref, bo_ref, ln1g_ref, ln1b_ref, w1_ref, b1_ref,
                  w2_ref, b2_ref, ln2g_ref, ln2b_ref, out_ref):
    h = x_ref[0]
    scale = jnp.float32(1.0) / jnp.sqrt(jnp.float32(DK))
    for l in range(L):
        q = jnp.dot(h, wq_ref[l]) + bq_ref[l]
        k = jnp.dot(h, wk_ref[l]) + bk_ref[l]
        v = jnp.dot(h, wv_ref[l]) + bv_ref[l]
        ctx_heads = []
        for hh in range(H):
            sl = slice(hh * DK, (hh + 1) * DK)
            s = lax.dot_general(q[:, sl], k[:, sl],
                                (((1,), (1,)), ((), ()))) * scale
            aw = _softmax(s)
            ctx_heads.append(jnp.dot(aw, v[:, sl]))
        ctx = jnp.concatenate(ctx_heads, axis=1)
        attn = jnp.dot(ctx, wo_ref[l]) + bo_ref[l]
        h = _ln(h + attn, ln1g_ref[l], ln1b_ref[l])
        ffp = jnp.dot(h, w1_ref[l]) + b1_ref[l]
        ff = ffp * 0.5 * (1.0 + lax.erf(ffp * jnp.float32(0.7071067811865476)))
        ff = jnp.dot(ff, w2_ref[l]) + b2_ref[l]
        h = _ln(h + ff, ln2g_ref[l], ln2b_ref[l])
    out_ref[0] = h


def _run_encoder(x, wq, bq, wk, bk, wv, bv, wo, bo,
                 ln1_g, ln1_b, w1, b1, w2, b2, ln2_g, ln2_b):
    full = lambda *shape: pl.BlockSpec(shape, lambda i: (0,) * len(shape))
    return pl.pallas_call(
        _encoder_body,
        grid=(B,),
        in_specs=[
            pl.BlockSpec((1, S, D), lambda i: (i, 0, 0)),
            full(L, D, D), full(L, D), full(L, D, D), full(L, D),
            full(L, D, D), full(L, D), full(L, D, D), full(L, D),
            full(L, D), full(L, D),
            full(L, D, FF), full(L, FF), full(L, FF, D), full(L, D),
            full(L, D), full(L, D),
        ],
        out_specs=pl.BlockSpec((1, S, D), lambda i: (i, 0, 0)),
        out_shape=jax.ShapeDtypeStruct((B, S, D), jnp.float32),
        compiler_params=pltpu.CompilerParams(
            dimension_semantics=("arbitrary",)),
    )(x, wq, bq, wk, bk, wv, bv, wo, bo, ln1_g, ln1_b, w1, b1, w2, b2,
      ln2_g, ln2_b)


_RT = 1024
_KT = 1024


_CC = 2048


def _vq_body(flat_ref, cb_ref, idx_ref, cnt_ref):
    rows = flat_ref[...]
    x2 = _rowsum(rows * rows)
    best = jnp.full((_RT,), jnp.inf, jnp.float32)
    barg = jnp.zeros((_RT,), jnp.int32)
    for c in range(K // _CC):
        cmin = jnp.full((_RT,), jnp.inf, jnp.float32)
        carg = jnp.zeros((_RT,), jnp.int32)
        for t in range(_CC // _KT):
            base = c * _CC + t * _KT
            cb_t = cb_ref[pl.ds(base, _KT), :]
            c2 = _rowsum(cb_t * cb_t)[:, 0]
            mm = lax.dot_general(rows, cb_t, (((1,), (1,)), ((), ())))
            dist = (x2 + c2[None, :]) - 2.0 * mm
            tmin = jnp.min(dist, axis=1)
            li = lax.broadcasted_iota(jnp.int32, (_RT, _KT), 1)
            targ = jnp.min(
                jnp.where(dist == tmin[:, None], li, jnp.int32(2**30)),
                axis=1) + base
            upd = tmin < cmin
            carg = jnp.where(upd, targ, carg)
            cmin = jnp.where(upd, tmin, cmin)
        bq = best.astype(jnp.bfloat16).astype(jnp.float32)
        upd = cmin < bq
        barg = jnp.where(upd, carg, barg)
        best = jnp.where(upd, cmin, best)
    idx_ref[0, 0] = barg
    for t in range(K // _KT):
        ci = lax.broadcasted_iota(jnp.int32, (_RT, _KT), 1) + t * _KT
        eq = (barg[:, None] == ci).astype(jnp.float32)
        cnt_ref[0, 0, pl.ds(t * _KT, _KT)] = jnp.sum(eq, axis=0)


def _run_vq(flat, codebook):
    idx3, counts = pl.pallas_call(
        _vq_body,
        grid=(N // _RT,),
        in_specs=[
            pl.BlockSpec((_RT, D), lambda i: (i, 0)),
            pl.BlockSpec((K, D), lambda i: (0, 0)),
        ],
        out_specs=[
            pl.BlockSpec((1, 1, _RT), lambda i: (i, 0, 0)),
            pl.BlockSpec((1, 1, K), lambda i: (i, 0, 0)),
        ],
        out_shape=[
            jax.ShapeDtypeStruct((N // _RT, 1, _RT), jnp.int32),
            jax.ShapeDtypeStruct((N // _RT, 1, K), jnp.float32),
        ],
        compiler_params=pltpu.CompilerParams(
            dimension_semantics=("arbitrary",)),
    )(flat, codebook)
    return idx3.reshape(N), counts.reshape(N // _RT, K)


_DP = 128


def _make_sc_gather():
    info = plsc.get_sparse_core_info()
    nw = info.num_cores * info.num_subcores
    b_per_w = N // nw
    chunks = -(-b_per_w // 128)
    chunk = b_per_w // chunks
    mesh = plsc.VectorSubcoreMesh(core_axis_name="c", subcore_axis_name="s")

    @functools.partial(
        pl.kernel, mesh=mesh,
        out_type=jax.ShapeDtypeStruct((N, _DP), jnp.float32),
        scratch_types=[
            pltpu.VMEM((chunks, chunk), jnp.int32),
            pltpu.VMEM((b_per_w, _DP), jnp.float32),
            pltpu.SemaphoreType.DMA,
        ],
    )
    def sc_gather(cb_hbm, idx_hbm, out_hbm, idx_v, rows_v, sem):
        wid = lax.axis_index("s") * info.num_cores + lax.axis_index("c")
        base = wid * b_per_w
        for j in range(chunks):
            pltpu.sync_copy(idx_hbm.at[pl.ds(base + j * chunk, chunk)],
                            idx_v.at[j])
        descs = [
            pltpu.async_copy(cb_hbm.at[idx_v.at[j]],
                             rows_v.at[pl.ds(j * chunk, chunk)], sem)
            for j in range(chunks)
        ]
        for dsc in descs:
            dsc.wait()
        pltpu.sync_copy(rows_v, out_hbm.at[pl.ds(base, b_per_w)])

    return sc_gather


def _epilogue_body(h_ref, q_ref, cnt_ref, qst_ref, loss_ref, perp_ref):
    hh = h_ref[...]
    qq = q_ref[:, :D]
    d = qq - hh
    qst_ref[...] = hh + d
    m = jnp.mean(d * d)
    loss_ref[...] = jnp.broadcast_to(m + 0.25 * m, (1, 1))
    counts = jnp.sum(cnt_ref[...], axis=0)
    avg = counts / jnp.float32(N)
    perp = jnp.exp(-jnp.sum(avg * jnp.log(avg + 1e-10)))
    perp_ref[...] = jnp.broadcast_to(perp, (1, 1))


def _run_epilogue(flat, quant, counts):
    return pl.pallas_call(
        _epilogue_body,
        out_shape=[
            jax.ShapeDtypeStruct((N, D), jnp.float32),
            jax.ShapeDtypeStruct((1, 1), jnp.float32),
            jax.ShapeDtypeStruct((1, 1), jnp.float32),
        ],
    )(flat, quant, counts)


def kernel(x, wq, bq, wk, bk, wv, bv, wo, bo, ln1_g, ln1_b, w1, b1, w2, b2,
           ln2_g, ln2_b, codebook):
    h = _run_encoder(x, wq, bq, wk, bk, wv, bv, wo, bo,
                     ln1_g, ln1_b, w1, b1, w2, b2, ln2_g, ln2_b)
    flat = h.reshape(N, D)
    idx, counts = _run_vq(flat, codebook)
    cb_pad = jnp.pad(codebook, ((0, 0), (0, _DP - D)))
    quant = _make_sc_gather()(cb_pad, idx)
    qst, loss, perp = _run_epilogue(flat, quant, counts)
    return (qst.reshape(B, S, D), loss.reshape(()), perp.reshape(()), idx)

# --- scband reference (transcript-rebuilt; emitter-appended) ---
"""Pipeline reference for scband-vqvaeencoder-4260607558144 (READ-ONLY COPY).

The authoritative reference and input builder live on the scoring server;
editing this copy changes nothing except your own understanding.
"""

import jax, jax.numpy as jnp
import numpy as np

B, S, D, H, L, K = 8, 1024, 64, 4, 2, 8192
DK = D // H
FF = 4 * D


def setup_inputs(seed=0) -> dict:
    key = jax.random.key(seed)
    ks = jax.random.split(key, 12)
    sc = 0.02
    inp = {
        'x': jax.random.normal(ks[0], (B, S, D), dtype=jnp.float32),
        'wq': jax.random.normal(ks[1], (L, D, D), dtype=jnp.float32) * sc,
        'bq': jnp.zeros((L, D), dtype=jnp.float32),
        'wk': jax.random.normal(ks[2], (L, D, D), dtype=jnp.float32) * sc,
        'bk': jnp.zeros((L, D), dtype=jnp.float32),
        'wv': jax.random.normal(ks[3], (L, D, D), dtype=jnp.float32) * sc,
        'bv': jnp.zeros((L, D), dtype=jnp.float32),
        'wo': jax.random.normal(ks[4], (L, D, D), dtype=jnp.float32) * sc,
        'bo': jnp.zeros((L, D), dtype=jnp.float32),
        'ln1_g': jnp.ones((L, D), dtype=jnp.float32),
        'ln1_b': jnp.zeros((L, D), dtype=jnp.float32),
        'w1': jax.random.normal(ks[5], (L, D, FF), dtype=jnp.float32) * sc,
        'b1': jnp.zeros((L, FF), dtype=jnp.float32),
        'w2': jax.random.normal(ks[6], (L, FF, D), dtype=jnp.float32) * sc,
        'b2': jnp.zeros((L, D), dtype=jnp.float32),
        'ln2_g': jnp.ones((L, D), dtype=jnp.float32),
        'ln2_b': jnp.zeros((L, D), dtype=jnp.float32),
        'codebook': jax.random.uniform(ks[7], (K, D), dtype=jnp.float32, minval=-1.0 / K, maxval=1.0 / K),
    }
    return inp


def _layernorm(x, g, b):
    m = jnp.mean(x, axis=-1, keepdims=True)
    v = jnp.var(x, axis=-1, keepdims=True)
    return (x - m) / jnp.sqrt(v + 1e-5) * g + b


def reference(x, wq, bq, wk, bk, wv, bv, wo, bo, ln1_g, ln1_b, w1, b1, w2, b2, ln2_g, ln2_b, codebook):
    h = x
    scale = 1.0 / jnp.sqrt(jnp.float32(DK))
    for l in range(L):
        q = (h @ wq[l] + bq[l]).reshape(B, S, H, DK).transpose(0, 2, 1, 3)
        k = (h @ wk[l] + bk[l]).reshape(B, S, H, DK).transpose(0, 2, 1, 3)
        v = (h @ wv[l] + bv[l]).reshape(B, S, H, DK).transpose(0, 2, 1, 3)
        scores = jnp.einsum('bhqd,bhkd->bhqk', q, k) * scale
        aw = jax.nn.softmax(scores, axis=-1)
        ctx = jnp.einsum('bhqk,bhkd->bhqd', aw, v).transpose(0, 2, 1, 3).reshape(B, S, D)
        attn_out = ctx @ wo[l] + bo[l]
        h = _layernorm(h + attn_out, ln1_g[l], ln1_b[l])
        ff = jax.nn.gelu(h @ w1[l] + b1[l], approximate=False) @ w2[l] + b2[l]
        h = _layernorm(h + ff, ln2_g[l], ln2_b[l])
    # Vector quantization (L2 nearest-code, straight-through)
    flat = h.reshape(-1, D)
    dist = (jnp.sum(flat ** 2, axis=1, keepdims=True)
            + jnp.sum(codebook ** 2, axis=1)
            - 2.0 * flat @ codebook.T)
    idx = jnp.argmin(dist, axis=1)
    quant = jnp.take(codebook, idx, axis=0).reshape(B, S, D)
    e_latent = jnp.mean((jax.lax.stop_gradient(quant) - h) ** 2)
    q_latent = jnp.mean((quant - jax.lax.stop_gradient(h)) ** 2)
    loss = q_latent + 0.25 * e_latent
    quant_st = h + jax.lax.stop_gradient(quant - h)
    counts = jnp.bincount(idx, length=K).astype(jnp.float32)
    avg_probs = counts / jnp.float32(idx.shape[0])
    perplexity = jnp.exp(-jnp.sum(avg_probs * jnp.log(avg_probs + 1e-10)))
    return (quant_st, loss, perplexity, idx)

if __name__ == "__main__":
    import jax
    _d = setup_inputs()
    print(jax.jit(kernel)(*tuple(_d.values())))

</pallas_src>

<mosaic_0001>
#map = affine_map<(d0, d1) -> (0, 0)>
#map1 = affine_map<(d0, d1) -> (0)>
module attributes {stable_mosaic.version = 14 : i64} {
  func.func @sc_gather(%arg0: i32, %arg1: i32, %arg2: memref<8192x128xf32, #tpu.memory_space<hbm>>, %arg3: memref<8192xi32, #tpu.memory_space<hbm>>, %arg4: memref<8192x128xf32, #tpu.memory_space<hbm>>, %arg5: memref<2x128xi32, #tpu.memory_space<vmem>>, %arg6: memref<256x128xf32, #tpu.memory_space<vmem>>, %arg7: memref<!tpu.dma_semaphore, #tpu.memory_space<semaphore_mem>>) attributes {dimension_semantics = [#tpu.dimension_semantics<core_parallel>, #tpu.dimension_semantics<subcore_parallel>], iteration_bounds = array<i64: 2, 16>, scalar_prefetch = 0 : i64, scratch_operands = 3 : i64, tpu.core_type = #tpu.core_type<sc_vector_subcore>, window_params = [{transform_indices = #map}, {transform_indices = #map1}, {transform_indices = #map}]} {
    %mul3A = arith.constant 2 : i32
    %mul3A_0 = arith.muli %arg1, %mul3A : i32
    %add3A = arith.addi %mul3A_0, %arg0 : i32
    %mul3A_1 = arith.constant 256 : i32
    %mul3A_2 = arith.muli %add3A, %mul3A_1 : i32
    %add3A_3 = arith.constant 0 : i32
    %add3A_4 = arith.addi %mul3A_2, %add3A_3 : i32
    %run_scoped3A = arith.constant 0 : i32
    "tpu.region"() ({
      %run_scoped3A_46 = tpu.sem_alloc : memref<!tpu.dma_semaphore, #tpu.memory_space<semaphore_mem>>
      %dma_start3A_47 = arith.constant 0 : i32
      %dma_start3A_48 = tpu.memref_slice %arg5[%run_scoped3A, %dma_start3A_47] : memref<2x128xi32, #tpu.memory_space<vmem>> -> memref<1x128xi32, #tpu.memory_space<vmem>>
      %dma_start3A_49 = tpu.memref_squeeze %dma_start3A_48 : memref<1x128xi32, #tpu.memory_space<vmem>> -> memref<128xi32, #tpu.memory_space<vmem>>
      %dma_start3A_50 = tpu.memref_slice %arg3[%add3A_4] : memref<8192xi32, #tpu.memory_space<hbm>> -> memref<128xi32, #tpu.memory_space<hbm>>
      %dma_start3A_51 = arith.constant 0 : i32
      %dma_start3A_52 = tpu.memref_slice %arg5[%run_scoped3A, %dma_start3A_51] : memref<2x128xi32, #tpu.memory_space<vmem>> -> memref<1x128xi32, #tpu.memory_space<vmem>>
      %dma_start3A_53 = tpu.memref_squeeze %dma_start3A_52 : memref<1x128xi32, #tpu.memory_space<vmem>> -> memref<128xi32, #tpu.memory_space<vmem>>
      %dma_start3A_54 = tpu.memref_slice %arg3[%add3A_4] : memref<8192xi32, #tpu.memory_space<hbm>> -> memref<128xi32, #tpu.memory_space<hbm>>
      tpu.enqueue_dma source(%dma_start3A_54 : memref<128xi32, #tpu.memory_space<hbm>>) target(%dma_start3A_53 : memref<128xi32, #tpu.memory_space<vmem>>) target_semaphore(%run_scoped3A_46 : memref<!tpu.dma_semaphore, #tpu.memory_space<semaphore_mem>>)
      %dma_wait3A_55 = arith.constant 0 : i32
      %dma_wait3A_56 = tpu.memref_slice %arg5[%run_scoped3A, %dma_wait3A_55] : memref<2x128xi32, #tpu.memory_space<vmem>> -> memref<1x128xi32, #tpu.memory_space<vmem>>
      %dma_wait3A_57 = tpu.memref_squeeze %dma_wait3A_56 : memref<1x128xi32, #tpu.memory_space<vmem>> -> memref<128xi32, #tpu.memory_space<vmem>>
      %dma_wait3A_58 = tpu.memref_slice %arg3[%add3A_4] : memref<8192xi32, #tpu.memory_space<hbm>> -> memref<128xi32, #tpu.memory_space<hbm>>
      %dma_wait3A_59 = arith.constant 0 : i32
      %dma_wait3A_60 = tpu.memref_slice %arg5[%run_scoped3A, %dma_wait3A_59] : memref<2x128xi32, #tpu.memory_space<vmem>> -> memref<1x128xi32, #tpu.memory_space<vmem>>
      %dma_wait3A_61 = tpu.memref_squeeze %dma_wait3A_60 : memref<1x128xi32, #tpu.memory_space<vmem>> -> memref<128xi32, #tpu.memory_space<vmem>>
      %dma_wait3A_62 = tpu.memref_slice %arg3[%add3A_4] : memref<8192xi32, #tpu.memory_space<hbm>> -> memref<128xi32, #tpu.memory_space<hbm>>
      tpu.wait_dma2 semaphore(%run_scoped3A_46 : memref<!tpu.dma_semaphore, #tpu.memory_space<semaphore_mem>>) src(%dma_wait3A_62 : memref<128xi32, #tpu.memory_space<hbm>>) dst(%dma_wait3A_61 : memref<128xi32, #tpu.memory_space<vmem>>)
      tpu.yield
    }) : () -> ()
    %add3A_5 = arith.constant 128 : i32
    %add3A_6 = arith.addi %mul3A_2, %add3A_5 : i32
    %run_scoped3A_7 = arith.constant 1 : i32
    "tpu.region"() ({
      %run_scoped3A_46 = tpu.sem_alloc : memref<!tpu.dma_semaphore, #tpu.memory_space<semaphore_mem>>
      %dma_start3A_47 = arith.constant 0 : i32
      %dma_start3A_48 = tpu.memref_slice %arg5[%run_scoped3A_7, %dma_start3A_47] : memref<2x128xi32, #tpu.memory_space<vmem>> -> memref<1x128xi32, #tpu.memory_space<vmem>>
      %dma_start3A_49 = tpu.memref_squeeze %dma_start3A_48 : memref<1x128xi32, #tpu.memory_space<vmem>> -> memref<128xi32, #tpu.memory_space<vmem>>
      %dma_start3A_50 = tpu.memref_slice %arg3[%add3A_6] : memref<8192xi32, #tpu.memory_space<hbm>> -> memref<128xi32, #tpu.memory_space<hbm>>
      %dma_start3A_51 = arith.constant 0 : i32
      %dma_start3A_52 = tpu.memref_slice %arg5[%run_scoped3A_7, %dma_start3A_51] : memref<2x128xi32, #tpu.memory_space<vmem>> -> memref<1x128xi32, #tpu.memory_space<vmem>>
      %dma_start3A_53 = tpu.memref_squeeze %dma_start3A_52 : memref<1x128xi32, #tpu.memory_space<vmem>> -> memref<128xi32, #tpu.memory_space<vmem>>
      %dma_start3A_54 = tpu.memref_slice %arg3[%add3A_6] : memref<8192xi32, #tpu.memory_space<hbm>> -> memref<128xi32, #tpu.memory_space<hbm>>
      tpu.enqueue_dma source(%dma_start3A_54 : memref<128xi32, #tpu.memory_space<hbm>>) target(%dma_start3A_53 : memref<128xi32, #tpu.memory_space<vmem>>) target_semaphore(%run_scoped3A_46 : memref<!tpu.dma_semaphore, #tpu.memory_space<semaphore_mem>>)
      %dma_wait3A_55 = arith.constant 0 : i32
      %dma_wait3A_56 = tpu.memref_slice %arg5[%run_scoped3A_7, %dma_wait3A_55] : memref<2x128xi32, #tpu.memory_space<vmem>> -> memref<1x128xi32, #tpu.memory_space<vmem>>
      %dma_wait3A_57 = tpu.memref_squeeze %dma_wait3A_56 : memref<1x128xi32, #tpu.memory_space<vmem>> -> memref<128xi32, #tpu.memory_space<vmem>>
      %dma_wait3A_58 = tpu.memref_slice %arg3[%add3A_6] : memref<8192xi32, #tpu.memory_space<hbm>> -> memref<128xi32, #tpu.memory_space<hbm>>
      %dma_wait3A_59 = arith.constant 0 : i32
      %dma_wait3A_60 = tpu.memref_slice %arg5[%run_scoped3A_7, %dma_wait3A_59] : memref<2x128xi32, #tpu.memory_space<vmem>> -> memref<1x128xi32, #tpu.memory_space<vmem>>
      %dma_wait3A_61 = tpu.memref_squeeze %dma_wait3A_60 : memref<1x128xi32, #tpu.memory_space<vmem>> -> memref<128xi32, #tpu.memory_space<vmem>>
      %dma_wait3A_62 = tpu.memref_slice %arg3[%add3A_6] : memref<8192xi32, #tpu.memory_space<hbm>> -> memref<128xi32, #tpu.memory_space<hbm>>
      tpu.wait_dma2 semaphore(%run_scoped3A_46 : memref<!tpu.dma_semaphore, #tpu.memory_space<semaphore_mem>>) src(%dma_wait3A_62 : memref<128xi32, #tpu.memory_space<hbm>>) dst(%dma_wait3A_61 : memref<128xi32, #tpu.memory_space<vmem>>)
      tpu.yield
    }) : () -> ()
    %dma_start3A = arith.constant 0 : i32
    %dma_start3A_8 = arith.constant 0 : i32
    %dma_start3A_9 = arith.constant 0 : i32
    %dma_start3A_10 = tpu.memref_slice %arg6[%dma_start3A_8, %dma_start3A_9] : memref<256x128xf32, #tpu.memory_space<vmem>> -> memref<128x128xf32, #tpu.memory_space<vmem>>
    %dma_start3A_11 = arith.constant 0 : i32
    %dma_start3A_12 = tpu.memref_slice %arg5[%dma_start3A, %dma_start3A_11] : memref<2x128xi32, #tpu.memory_space<vmem>> -> memref<1x128xi32, #tpu.memory_space<vmem>>
    %dma_start3A_13 = tpu.memref_squeeze %dma_start3A_12 : memref<1x128xi32, #tpu.memory_space<vmem>> -> memref<128xi32, #tpu.memory_space<vmem>>
    %dma_start3A_14 = arith.constant 0 : i32
    %dma_start3A_15 = arith.constant 0 : i32
    %dma_start3A_16 = tpu.memref_slice %arg2[%dma_start3A_14, %dma_start3A_15] : memref<8192x128xf32, #tpu.memory_space<hbm>> -> memref<8192x128xf32, #tpu.memory_space<hbm>>
    tpu.enqueue_indirect_dma source(%dma_start3A_16 : memref<8192x128xf32, #tpu.memory_space<hbm>>) target(%dma_start3A_10 : memref<128x128xf32, #tpu.memory_space<vmem>>) offsets(%dma_start3A_13 : memref<128xi32, #tpu.memory_space<vmem>>) semaphore(%arg7 : memref<!tpu.dma_semaphore, #tpu.memory_space<semaphore_mem>>)
    %dma_start3A_17 = arith.constant 1 : i32
    %dma_start3A_18 = arith.constant 128 : i32
    %dma_start3A_19 = arith.constant 0 : i32
    %dma_start3A_20 = tpu.memref_slice %arg6[%dma_start3A_18, %dma_start3A_19] : memref<256x128xf32, #tpu.memory_space<vmem>> -> memref<128x128xf32, #tpu.memory_space<vmem>>
    %dma_start3A_21 = arith.constant 0 : i32
    %dma_start3A_22 = tpu.memref_slice %arg5[%dma_start3A_17, %dma_start3A_21] : memref<2x128xi32, #tpu.memory_space<vmem>> -> memref<1x128xi32, #tpu.memory_space<vmem>>
    %dma_start3A_23 = tpu.memref_squeeze %dma_start3A_22 : memref<1x128xi32, #tpu.memory_space<vmem>> -> memref<128xi32, #tpu.memory_space<vmem>>
    %dma_start3A_24 = arith.constant 0 : i32
    %dma_start3A_25 = arith.constant 0 : i32
    %dma_start3A_26 = tpu.memref_slice %arg2[%dma_start3A_24, %dma_start3A_25] : memref<8192x128xf32, #tpu.memory_space<hbm>> -> memref<8192x128xf32, #tpu.memory_space<hbm>>
    tpu.enqueue_indirect_dma source(%dma_start3A_26 : memref<8192x128xf32, #tpu.memory_space<hbm>>) target(%dma_start3A_20 : memref<128x128xf32, #tpu.memory_space<vmem>>) offsets(%dma_start3A_23 : memref<128xi32, #tpu.memory_space<vmem>>) semaphore(%arg7 : memref<!tpu.dma_semaphore, #tpu.memory_space<semaphore_mem>>)
    %dma_wait3A = arith.constant 0 : i32
    %dma_wait3A_27 = arith.constant 0 : i32
    %dma_wait3A_28 = arith.constant 0 : i32
    %dma_wait3A_29 = tpu.memref_slice %arg6[%dma_wait3A_27, %dma_wait3A_28] : memref<256x128xf32, #tpu.memory_space<vmem>> -> memref<128x128xf32, #tpu.memory_space<vmem>>
    %dma_wait3A_30 = arith.constant 0 : i32
    %dma_wait3A_31 = tpu.memref_slice %arg5[%dma_wait3A, %dma_wait3A_30] : memref<2x128xi32, #tpu.memory_space<vmem>> -> memref<1x128xi32, #tpu.memory_space<vmem>>
    %dma_wait3A_32 = tpu.memref_squeeze %dma_wait3A_31 : memref<1x128xi32, #tpu.memory_space<vmem>> -> memref<128xi32, #tpu.memory_space<vmem>>
    %dma_wait3A_33 = arith.constant 0 : i32
    %dma_wait3A_34 = arith.constant 0 : i32
    %dma_wait3A_35 = tpu.memref_slice %arg2[%dma_wait3A_33, %dma_wait3A_34] : memref<8192x128xf32, #tpu.memory_space<hbm>> -> memref<8192x128xf32, #tpu.memory_space<hbm>>
    tpu.wait_indirect_dma semaphore(%arg7 : memref<!tpu.dma_semaphore, #tpu.memory_space<semaphore_mem>>) src(%dma_wait3A_35 : memref<8192x128xf32, #tpu.memory_space<hbm>>) dst(%dma_wait3A_29 : memref<128x128xf32, #tpu.memory_space<vmem>>)
    %dma_wait3A_36 = arith.constant 1 : i32
    %dma_wait3A_37 = arith.constant 128 : i32
    %dma_wait3A_38 = arith.constant 0 : i32
    %dma_wait3A_39 = tpu.memref_slice %arg6[%dma_wait3A_37, %dma_wait3A_38] : memref<256x128xf32, #tpu.memory_space<vmem>> -> memref<128x128xf32, #tpu.memory_space<vmem>>
    %dma_wait3A_40 = arith.constant 0 : i32
    %dma_wait3A_41 = tpu.memref_slice %arg5[%dma_wait3A_36, %dma_wait3A_40] : memref<2x128xi32, #tpu.memory_space<vmem>> -> memref<1x128xi32, #tpu.memory_space<vmem>>
    %dma_wait3A_42 = tpu.memref_squeeze %dma_wait3A_41 : memref<1x128xi32, #tpu.memory_space<vmem>> -> memref<128xi32, #tpu.memory_space<vmem>>
    %dma_wait3A_43 = arith.constant 0 : i32
    %dma_wait3A_44 = arith.constant 0 : i32
    %dma_wait3A_45 = tpu.memref_slice %arg2[%dma_wait3A_43, %dma_wait3A_44] : memref<8192x128xf32, #tpu.memory_space<hbm>> -> memref<8192x128xf32, #tpu.memory_space<hbm>>
    tpu.wait_indirect_dma semaphore(%arg7 : memref<!tpu.dma_semaphore, #tpu.memory_space<semaphore_mem>>) src(%dma_wait3A_45 : memref<8192x128xf32, #tpu.memory_space<hbm>>) dst(%dma_wait3A_39 : memref<128x128xf32, #tpu.memory_space<vmem>>)
    "tpu.region"() ({
      %run_scoped3A_46 = tpu.sem_alloc : memref<!tpu.dma_semaphore, #tpu.memory_space<semaphore_mem>>
      %dma_start3A_47 = arith.constant 0 : i32
      %dma_start3A_48 = tpu.memref_slice %arg4[%mul3A_2, %dma_start3A_47] : memref<8192x128xf32, #tpu.memory_space<hbm>> -> memref<256x128xf32, #tpu.memory_space<hbm>>
      %dma_start3A_49 = arith.constant 0 : i32
      %dma_start3A_50 = tpu.memref_slice %arg4[%mul3A_2, %dma_start3A_49] : memref<8192x128xf32, #tpu.memory_space<hbm>> -> memref<256x128xf32, #tpu.memory_space<hbm>>
      tpu.enqueue_dma source(%arg6 : memref<256x128xf32, #tpu.memory_space<vmem>>) target(%dma_start3A_50 : memref<256x128xf32, #tpu.memory_space<hbm>>) target_semaphore(%run_scoped3A_46 : memref<!tpu.dma_semaphore, #tpu.memory_space<semaphore_mem>>)
      %dma_wait3A_51 = arith.constant 0 : i32
      %dma_wait3A_52 = tpu.memref_slice %arg4[%mul3A_2, %dma_wait3A_51] : memref<8192x128xf32, #tpu.memory_space<hbm>> -> memref<256x128xf32, #tpu.memory_space<hbm>>
      %dma_wait3A_53 = arith.constant 0 : i32
      %dma_wait3A_54 = tpu.memref_slice %arg4[%mul3A_2, %dma_wait3A_53] : memref<8192x128xf32, #tpu.memory_space<hbm>> -> memref<256x128xf32, #tpu.memory_space<hbm>>
      tpu.wait_dma2 semaphore(%run_scoped3A_46 : memref<!tpu.dma_semaphore, #tpu.memory_space<semaphore_mem>>) src(%arg6 : memref<256x128xf32, #tpu.memory_space<vmem>>) dst(%dma_wait3A_54 : memref<256x128xf32, #tpu.memory_space<hbm>>)
      tpu.yield
    }) : () -> ()
    return
  }
}

module attributes {stable_mosaic.version = 14 : i64} {
  func.func @_encoder_body(%arg0: i32, %arg1: memref<1x1024x64xf32, #tpu.memory_space<vmem>>, %arg2: memref<2x64x64xf32, #tpu.memory_space<vmem>>, %arg3: memref<2x64xf32, #tpu.memory_space<vmem>>, %arg4: memref<2x64x64xf32, #tpu.memory_space<vmem>>, %arg5: memref<2x64xf32, #tpu.memory_space<vmem>>, %arg6: memref<2x64x64xf32, #tpu.memory_space<vmem>>, %arg7: memref<2x64xf32, #tpu.memory_space<vmem>>, %arg8: memref<2x64x64xf32, #tpu.memory_space<vmem>>, %arg9: memref<2x64xf32, #tpu.memory_space<vmem>>, %arg10: memref<2x64xf32, #tpu.memory_space<vmem>>, %arg11: memref<2x64xf32, #tpu.memory_space<vmem>>, %arg12: memref<2x64x256xf32, #tpu.memory_space<vmem>>, %arg13: memref<2x256xf32, #tpu.memory_space<vmem>>, %arg14: memref<2x256x64xf32, #tpu.memory_space<vmem>>, %arg15: memref<2x64xf32, #tpu.memory_space<vmem>>, %arg16: memref<2x64xf32, #tpu.memory_space<vmem>>, %arg17: memref<2x64xf32, #tpu.memory_space<vmem>>, %arg18: memref<1x1024x64xf32, #tpu.memory_space<vmem>>) attributes {dimension_semantics = [#tpu.dimension_semantics<arbitrary>], iteration_bounds = array<i64: 8>, scalar_prefetch = 0 : i64, scratch_operands = 0 : i64, tpu.core_type = #tpu.core_type<tc>, window_params = [{transform_indices = @transform_0, window_bounds = array<i64: 1, 1024, 64>}, {pipeline_mode = #tpu.pipeline_mode<synchronous>, transform_indices = @transform_1, window_bounds = array<i64: 2, 64, 64>}, {pipeline_mode = #tpu.pipeline_mode<synchronous>, transform_indices = @transform_2, window_bounds = array<i64: 2, 64>}, {pipeline_mode = #tpu.pipeline_mode<synchronous>, transform_indices = @transform_3, window_bounds = array<i64: 2, 64, 64>}, {pipeline_mode = #tpu.pipeline_mode<synchronous>, transform_indices = @transform_4, window_bounds = array<i64: 2, 64>}, {pipeline_mode = #tpu.pipeline_mode<synchronous>, transform_indices = @transform_5, window_bounds = array<i64: 2, 64, 64>}, {pipeline_mode = #tpu.pipeline_mode<synchronous>, transform_indices = @transform_6, window_bounds = array<i64: 2, 64>}, {pipeline_mode = #tpu.pipeline_mode<synchronous>, transform_indices = @transform_7, window_bounds = array<i64: 2, 64, 64>}, {pipeline_mode = #tpu.pipeline_mode<synchronous>, transform_indices = @transform_8, window_bounds = array<i64: 2, 64>}, {pipeline_mode = #tpu.pipeline_mode<synchronous>, transform_indices = @transform_9, window_bounds = array<i64: 2, 64>}, {pipeline_mode = #tpu.pipeline_mode<synchronous>, transform_indices = @transform_10, window_bounds = array<i64: 2, 64>}, {pipeline_mode = #tpu.pipeline_mode<synchronous>, transform_indices = @transform_11, window_bounds = array<i64: 2, 64, 256>}, {pipeline_mode = #tpu.pipeline_mode<synchronous>, transform_indices = @transform_12, window_bounds = array<i64: 2, 256>}, {pipeline_mode = #tpu.pipeline_mode<synchronous>, transform_indices = @transform_13, window_bounds = array<i64: 2, 256, 64>}, {pipeline_mode = #tpu.pipeline_mode<synchronous>, transform_indices = @transform_14, window_bounds = array<i64: 2, 64>}, {pipeline_mode = #tpu.pipeline_mode<synchronous>, transform_indices = @transform_15, window_bounds = array<i64: 2, 64>}, {pipeline_mode = #tpu.pipeline_mode<synchronous>, transform_indices = @transform_16, window_bounds = array<i64: 2, 64>}, {transform_indices = @transform_17, window_bounds = array<i64: 1, 1024, 64>}]} {
    %get3A = arith.constant 0 : index
    %get3A_0 = arith.constant 0 : index
    %get3A_1 = arith.constant 0 : index
    %get3A_2 = vector.load %arg1[%get3A, %get3A_0, %get3A_1] : memref<1x1024x64xf32, #tpu.memory_space<vmem>>, vector<1x1024x64xf32>
    %get3A_3 = vector.shape_cast %get3A_2 : vector<1x1024x64xf32> to vector<1024x64xf32>
    %sqrt3A = arith.constant 1.600000e+01 : f32
    %sqrt3A_4 = math.sqrt %sqrt3A : f32
    %div3A = arith.constant 1.000000e+00 : f32
    %div3A_5 = arith.divf %div3A, %sqrt3A_4 : f32
    %get3A_6 = arith.constant 0 : index
    %get3A_7 = arith.constant 0 : index
    %get3A_8 = arith.constant 0 : index
    %get3A_9 = vector.load %arg2[%get3A_6, %get3A_7, %get3A_8] : memref<2x64x64xf32, #tpu.memory_space<vmem>>, vector<1x64x64xf32>
    %get3A_10 = vector.shape_cast %get3A_9 : vector<1x64x64xf32> to vector<64x64xf32>
    %dot_general3A = arith.constant dense<0.000000e+00> : vector<1024x64xf32>
    %dot_general3A_11 = tpu.matmul %get3A_3, %get3A_10, %dot_general3A {dimension_numbers = #tpu.dot_dimension_numbers<[1], [0], [0], [1], [0, 0, 1, 1], [], []>, transpose_lhs_hint = false} : vector<1024x64xf32>, vector<64x64xf32>, vector<1024x64xf32> -> vector<1024x64xf32>
    %get3A_12 = arith.constant 0 : index
    %get3A_13 = arith.constant 0 : index
    %get3A_14 = vector.load %arg3[%get3A_12, %get3A_13] : memref<2x64xf32, #tpu.memory_space<vmem>>, vector<1x64xf32>
    %get3A_15 = vector.shape_cast %get3A_14 : vector<1x64xf32> to vector<64xf32>
    %broadcast_in_dim3A = vector.shape_cast %get3A_15 : vector<64xf32> to vector<1x64xf32>
    %add3A = vector.broadcast %broadcast_in_dim3A : vector<1x64xf32> to vector<1024x64xf32>
    %add3A_16 = arith.addf %dot_general3A_11, %add3A : vector<1024x64xf32>
    %get3A_17 = arith.constant 0 : index
    %get3A_18 = arith.constant 0 : index
    %get3A_19 = arith.constant 0 : index
    %get3A_20 = vector.load %arg4[%get3A_17, %get3A_18, %get3A_19] : memref<2x64x64xf32, #tpu.memory_space<vmem>>, vector<1x64x64xf32>
    %get3A_21 = vector.shape_cast %get3A_20 : vector<1x64x64xf32> to vector<64x64xf32>
    %dot_general3A_22 = arith.constant dense<0.000000e+00> : vector<1024x64xf32>
    %dot_general3A_23 = tpu.matmul %get3A_3, %get3A_21, %dot_general3A_22 {dimension_numbers = #tpu.dot_dimension_numbers<[1], [0], [0], [1], [0, 0, 1, 1], [], []>, transpose_lhs_hint = false} : vector<1024x64xf32>, vector<64x64xf32>, vector<1024x64xf32> -> vector<1024x64xf32>
    %get3A_24 = arith.constant 0 : index
    %get3A_25 = arith.constant 0 : index
    %get3A_26 = vector.load %arg5[%get3A_24, %get3A_25] : memref<2x64xf32, #tpu.memory_space<vmem>>, vector<1x64xf32>
    %get3A_27 = vector.shape_cast %get3A_26 : vector<1x64xf32> to vector<64xf32>
    %broadcast_in_dim3A_28 = vector.shape_cast %get3A_27 : vector<64xf32> to vector<1x64xf32>
    %add3A_29 = vector.broadcast %broadcast_in_dim3A_28 : vector<1x64xf32> to vector<1024x64xf32>
    %add3A_30 = arith.addf %dot_general3A_23, %add3A_29 : vector<1024x64xf32>
    %get3A_31 = arith.constant 0 : index
    %get3A_32 = arith.constant 0 : index
    %get3A_33 = arith.constant 0 : index
    %get3A_34 = vector.load %arg6[%get3A_31, %get3A_32, %get3A_33] : memref<2x64x64xf32, #tpu.memory_space<vmem>>, vector<1x64x64xf32>
    %get3A_35 = vector.shape_cast %get3A_34 : vector<1x64x64xf32> to vector<64x64xf32>
    %dot_general3A_36 = arith.constant dense<0.000000e+00> : vector<1024x64xf32>
    %dot_general3A_37 = tpu.matmul %get3A_3, %get3A_35, %dot_general3A_36 {dimension_numbers = #tpu.dot_dimension_numbers<[1], [0], [0], [1], [0, 0, 1, 1], [], []>, transpose_lhs_hint = false} : vector<1024x64xf32>, vector<64x64xf32>, vector<1024x64xf32> -> vector<1024x64xf32>
    %get3A_38 = arith.constant 0 : index
    %get3A_39 = arith.constant 0 : index
    %get3A_40 = vector.load %arg7[%get3A_38, %get3A_39] : memref<2x64xf32, #tpu.memory_space<vmem>>, vector<1x64xf32>
    %get3A_41 = vector.shape_cast %get3A_40 : vector<1x64xf32> to vector<64xf32>
    %broadcast_in_dim3A_42 = vector.shape_cast %get3A_41 : vector<64xf32> to vector<1x64xf32>
    %add3A_43 = vector.broadcast %broadcast_in_dim3A_42 : vector<1x64xf32> to vector<1024x64xf32>
    %add3A_44 = arith.addf %dot_general3A_37, %add3A_43 : vector<1024x64xf32>
    %slice3A = vector.extract_strided_slice %add3A_16 {offsets = [0, 0], sizes = [1024, 16], strides = [1, 1]} : vector<1024x64xf32> to vector<1024x16xf32>
    %slice3A_45 = vector.extract_strided_slice %add3A_30 {offsets = [0, 0], sizes = [1024, 16], strides = [1, 1]} : vector<1024x64xf32> to vector<1024x16xf32>
    %dot_general3A_46 = arith.constant dense<0.000000e+00> : vector<1024x1024xf32>
    %dot_general3A_47 = tpu.matmul %slice3A, %slice3A_45, %dot_general3A_46 {dimension_numbers = #tpu.dot_dimension_numbers<[1], [1], [0], [0], [0, 0, 1, 0], [], []>, transpose_lhs_hint = false} : vector<1024x16xf32>, vector<1024x16xf32>, vector<1024x1024xf32> -> vector<1024x1024xf32>
    %mul3A = vector.broadcast %div3A_5 : f32 to vector<1024x1024xf32>
    %mul3A_48 = arith.mulf %dot_general3A_47, %mul3A : vector<1024x1024xf32>
    %reduce_max3A = arith.constant dense<0xFF800000> : vector<1024xf32>
    %reduce_max3A_49 = vector.multi_reduction <maximumf>, %mul3A_48, %reduce_max3A [1] : vector<1024x1024xf32> to vector<1024xf32>
    %broadcast_in_dim3A_50 = vector.shape_cast %reduce_max3A_49 : vector<1024xf32> to vector<1024x1xf32>
    %sub3A = vector.broadcast %broadcast_in_dim3A_50 : vector<1024x1xf32> to vector<1024x1024xf32>
    %sub3A_51 = arith.subf %mul3A_48, %sub3A : vector<1024x1024xf32>
    %exp3A = math.exp %sub3A_51 : vector<1024x1024xf32>
    %slice3A_52 = vector.extract_strided_slice %exp3A {offsets = [0, 0], sizes = [1024, 128], strides = [1, 1]} : vector<1024x1024xf32> to vector<1024x128xf32>
    %slice3A_53 = vector.extract_strided_slice %exp3A {offsets = [0, 128], sizes = [1024, 128], strides = [1, 1]} : vector<1024x1024xf32> to vector<1024x128xf32>
    %add3A_54 = arith.addf %slice3A_52, %slice3A_53 : vector<1024x128xf32>
    %slice3A_55 = vector.extract_strided_slice %exp3A {offsets = [0, 256], sizes = [1024, 128], strides = [1, 1]} : vector<1024x1024xf32> to vector<1024x128xf32>
    %add3A_56 = arith.addf %add3A_54, %slice3A_55 : vector<1024x128xf32>
    %slice3A_57 = vector.extract_strided_slice %exp3A {offsets = [0, 384], sizes = [1024, 128], strides = [1, 1]} : vector<1024x1024xf32> to vector<1024x128xf32>
    %add3A_58 = arith.addf %add3A_56, %slice3A_57 : vector<1024x128xf32>
    %slice3A_59 = vector.extract_strided_slice %exp3A {offsets = [0, 512], sizes = [1024, 128], strides = [1, 1]} : vector<1024x1024xf32> to vector<1024x128xf32>
    %add3A_60 = arith.addf %add3A_58, %slice3A_59 : vector<1024x128xf32>
    %slice3A_61 = vector.extract_strided_slice %exp3A {offsets = [0, 640], sizes = [1024, 128], strides = [1, 1]} : vector<1024x1024xf32> to vector<1024x128xf32>
    %add3A_62 = arith.addf %add3A_60, %slice3A_61 : vector<1024x128xf32>
    %slice3A_63 = vector.extract_strided_slice %exp3A {offsets = [0, 768], sizes = [1024, 128], strides = [1, 1]} : vector<1024x1024xf32> to vector<1024x128xf32>
    %add3A_64 = arith.addf %add3A_62, %slice3A_63 : vector<1024x128xf32>
    %slice3A_65 = vector.extract_strided_slice %exp3A {offsets = [0, 896], sizes = [1024, 128], strides = [1, 1]} : vector<1024x1024xf32> to vector<1024x128xf32>
    %add3A_66 = arith.addf %add3A_64, %slice3A_65 : vector<1024x128xf32>
    %slice3A_67 = vector.extract_strided_slice %add3A_66 {offsets = [0, 0], sizes = [1024, 8], strides = [1, 1]} : vector<1024x128xf32> to vector<1024x8xf32>
    %slice3A_68 = vector.extract_strided_slice %add3A_66 {offsets = [0, 8], sizes = [1024, 8], strides = [1, 1]} : vector<1024x128xf32> to vector<1024x8xf32>
    %add3A_69 = arith.addf %slice3A_67, %slice3A_68 : vector<1024x8xf32>
    %slice3A_70 = vector.extract_strided_slice %add3A_66 {offsets = [0, 16], sizes = [1024, 8], strides = [1, 1]} : vector<1024x128xf32> to vector<1024x8xf32>
    %add3A_71 = arith.addf %add3A_69, %slice3A_70 : vector<1024x8xf32>
    %slice3A_72 = vector.extract_strided_slice %add3A_66 {offsets = [0, 24], sizes = [1024, 8], strides = [1, 1]} : vector<1024x128xf32> to vector<1024x8xf32>
    %add3A_73 = arith.addf %add3A_71, %slice3A_72 : vector<1024x8xf32>
    %slice3A_74 = vector.extract_strided_slice %add3A_66 {offsets = [0, 32], sizes = [1024, 8], strides = [1, 1]} : vector<1024x128xf32> to vector<1024x8xf32>
    %add3A_75 = arith.addf %add3A_73, %slice3A_74 : vector<1024x8xf32>
    %slice3A_76 = vector.extract_strided_slice %add3A_66 {offsets = [0, 40], sizes = [1024, 8], strides = [1, 1]} : vector<1024x128xf32> to vector<1024x8xf32>
    %add3A_77 = arith.addf %add3A_75, %slice3A_76 : vector<1024x8xf32>
    %slice3A_78 = vector.extract_strided_slice %add3A_66 {offsets = [0, 48], sizes = [1024, 8], strides = [1, 1]} : vector<1024x128xf32> to vector<1024x8xf32>
    %add3A_79 = arith.addf %add3A_77, %slice3A_78 : vector<1024x8xf32>
    %slice3A_80 = vector.extract_strided_slice %add3A_66 {offsets = [0, 56], sizes = [1024, 8], strides = [1, 1]} : vector<1024x128xf32> to vector<1024x8xf32>
    %add3A_81 = arith.addf %add3A_79, %slice3A_80 : vector<1024x8xf32>
    %slice3A_82 = vector.extract_strided_slice %add3A_66 {offsets = [0, 64], sizes = [1024, 8], strides = [1, 1]} : vector<1024x128xf32> to vector<1024x8xf32>
    %add3A_83 = arith.addf %add3A_81, %slice3A_82 : vector<1024x8xf32>
    %slice3A_84 = vector.extract_strided_slice %add3A_66 {offsets = [0, 72], sizes = [1024, 8], strides = [1, 1]} : vector<1024x128xf32> to vector<1024x8xf32>
    %add3A_85 = arith.addf %add3A_83, %slice3A_84 : vector<1024x8xf32>
    %slice3A_86 = vector.extract_strided_slice %add3A_66 {offsets = [0, 80], sizes = [1024, 8], strides = [1, 1]} : vector<1024x128xf32> to vector<1024x8xf32>
    %add3A_87 = arith.addf %add3A_85, %slice3A_86 : vector<1024x8xf32>
    %slice3A_88 = vector.extract_strided_slice %add3A_66 {offsets = [0, 88], sizes = [1024, 8], strides = [1, 1]} : vector<1024x128xf32> to vector<1024x8xf32>
    %add3A_89 = arith.addf %add3A_87, %slice3A_88 : vector<1024x8xf32>
    %slice3A_90 = vector.extract_strided_slice %add3A_66 {offsets = [0, 96], sizes = [1024, 8], strides = [1, 1]} : vector<1024x128xf32> to vector<1024x8xf32>
    %add3A_91 = arith.addf %add3A_89, %slice3A_90 : vector<1024x8xf32>
    %slice3A_92 = vector.extract_strided_slice %add3A_66 {offsets = [0, 104], sizes = [1024, 8], strides = [1, 1]} : vector<1024x128xf32> to vector<1024x8xf32>
    %add3A_93 = arith.addf %add3A_91, %slice3A_92 : vector<1024x8xf32>
    %slice3A_94 = vector.extract_strided_slice %add3A_66 {offsets = [0, 112], sizes = [1024, 8], strides = [1, 1]} : vector<1024x128xf32> to vector<1024x8xf32>
    %add3A_95 = arith.addf %add3A_93, %slice3A_94 : vector<1024x8xf32>
    %slice3A_96 = vector.extract_strided_slice %add3A_66 {offsets = [0, 120], sizes = [1024, 8], strides = [1, 1]} : vector<1024x128xf32> to vector<1024x8xf32>
    %add3A_97 = arith.addf %add3A_95, %slice3A_96 : vector<1024x8xf32>
    %slice3A_98 = vector.extract_strided_slice %add3A_97 {offsets = [0, 0], sizes = [1024, 4], strides = [1, 1]} : vector<1024x8xf32> to vector<1024x4xf32>
    %slice3A_99 = vector.extract_strided_slice %add3A_97 {offsets = [0, 4], sizes = [1024, 4], strides = [1, 1]} : vector<1024x8xf32> to vector<1024x4xf32>
    %add3A_100 = arith.addf %slice3A_98, %slice3A_99 : vector<1024x4xf32>
    %slice3A_101 = vector.extract_strided_slice %add3A_100 {offsets = [0, 0], sizes = [1024, 2], strides = [1, 1]} : vector<1024x4xf32> to vector<1024x2xf32>
    %slice3A_102 = vector.extract_strided_slice %add3A_100 {offsets = [0, 2], sizes = [1024, 2], strides = [1, 1]} : vector<1024x4xf32> to vector<1024x2xf32>
    %add3A_103 = arith.addf %slice3A_101, %slice3A_102 : vector<1024x2xf32>
    %slice3A_104 = vector.extract_strided_slice %add3A_103 {offsets = [0, 0], sizes = [1024, 1], strides = [1, 1]} : vector<1024x2xf32> to vector<1024x1xf32>
    %slice3A_105 = vector.extract_strided_slice %add3A_103 {offsets = [0, 1], sizes = [1024, 1], strides = [1, 1]} : vector<1024x2xf32> to vector<1024x1xf32>
    %add3A_106 = arith.addf %slice3A_104, %slice3A_105 : vector<1024x1xf32>
    %div3A_107 = vector.broadcast %add3A_106 : vector<1024x1xf32> to vector<1024x1024xf32>
    %div3A_108 = arith.divf %exp3A, %div3A_107 : vector<1024x1024xf32>
    %slice3A_109 = vector.extract_strided_slice %add3A_44 {offsets = [0, 0], sizes = [1024, 16], strides = [1, 1]} : vector<1024x64xf32> to vector<1024x16xf32>
    %dot_general3A_110 = arith.constant dense<0.000000e+00> : vector<1024x16xf32>
    %dot_general3A_111 = tpu.matmul %div3A_108, %slice3A_109, %dot_general3A_110 {dimension_numbers = #tpu.dot_dimension_numbers<[1], [0], [0], [1], [0, 0, 1, 1], [], []>, transpose_lhs_hint = false} : vector<1024x1024xf32>, vector<1024x16xf32>, vector<1024x16xf32> -> vector<1024x16xf32>
    %slice3A_112 = vector.extract_strided_slice %add3A_16 {offsets = [0, 16], sizes = [1024, 16], strides = [1, 1]} : vector<1024x64xf32> to vector<1024x16xf32>
    %slice3A_113 = vector.extract_strided_slice %add3A_30 {offsets = [0, 16], sizes = [1024, 16], strides = [1, 1]} : vector<1024x64xf32> to vector<1024x16xf32>
    %dot_general3A_114 = arith.constant dense<0.000000e+00> : vector<1024x1024xf32>
    %dot_general3A_115 = tpu.matmul %slice3A_112, %slice3A_113, %dot_general3A_114 {dimension_numbers = #tpu.dot_dimension_numbers<[1], [1], [0], [0], [0, 0, 1, 0], [], []>, transpose_lhs_hint = false} : vector<1024x16xf32>, vector<1024x16xf32>, vector<1024x1024xf32> -> vector<1024x1024xf32>
    %mul3A_116 = vector.broadcast %div3A_5 : f32 to vector<1024x1024xf32>
    %mul3A_117 = arith.mulf %dot_general3A_115, %mul3A_116 : vector<1024x1024xf32>
    %reduce_max3A_118 = arith.constant dense<0xFF800000> : vector<1024xf32>
    %reduce_max3A_119 = vector.multi_reduction <maximumf>, %mul3A_117, %reduce_max3A_118 [1] : vector<1024x1024xf32> to vector<1024xf32>
    %broadcast_in_dim3A_120 = vector.shape_cast %reduce_max3A_119 : vector<1024xf32> to vector<1024x1xf32>
    %sub3A_121 = vector.broadcast %broadcast_in_dim3A_120 : vector<1024x1xf32> to vector<1024x1024xf32>
    %sub3A_122 = arith.subf %mul3A_117, %sub3A_121 : vector<1024x1024xf32>
    %exp3A_123 = math.exp %sub3A_122 : vector<1024x1024xf32>
    %slice3A_124 = vector.extract_strided_slice %exp3A_123 {offsets = [0, 0], sizes = [1024, 128], strides = [1, 1]} : vector<1024x1024xf32> to vector<1024x128xf32>
    %slice3A_125 = vector.extract_strided_slice %exp3A_123 {offsets = [0, 128], sizes = [1024, 128], strides = [1, 1]} : vector<1024x1024xf32> to vector<1024x128xf32>
    %add3A_126 = arith.addf %slice3A_124, %slice3A_125 : vector<1024x128xf32>
    %slice3A_127 = vector.extract_strided_slice %exp3A_123 {offsets = [0, 256], sizes = [1024, 128], strides = [1, 1]} : vector<1024x1024xf32> to vector<1024x128xf32>
    %add3A_128 = arith.addf %add3A_126, %slice3A_127 : vector<1024x128xf32>
    %slice3A_129 = vector.extract_strided_slice %exp3A_123 {offsets = [0, 384], sizes = [1024, 128], strides = [1, 1]} : vector<1024x1024xf32> to vector<1024x128xf32>
    %add3A_130 = arith.addf %add3A_128, %slice3A_129 : vector<1024x128xf32>
    %slice3A_131 = vector.extract_strided_slice %exp3A_123 {offsets = [0, 512], sizes = [1024, 128], strides = [1, 1]} : vector<1024x1024xf32> to vector<1024x128xf32>
    %add3A_132 = arith.addf %add3A_130, %slice3A_131 : vector<1024x128xf32>
    %slice3A_133 = vector.extract_strided_slice %exp3A_123 {offsets = [0, 640], sizes = [1024, 128], strides = [1, 1]} : vector<1024x1024xf32> to vector<1024x128xf32>
    %add3A_134 = arith.addf %add3A_132, %slice3A_133 : vector<1024x128xf32>
    %slice3A_135 = vector.extract_strided_slice %exp3A_123 {offsets = [0, 768], sizes = [1024, 128], strides = [1, 1]} : vector<1024x1024xf32> to vector<1024x128xf32>
    %add3A_136 = arith.addf %add3A_134, %slice3A_135 : vector<1024x128xf32>
    %slice3A_137 = vector.extract_strided_slice %exp3A_123 {offsets = [0, 896], sizes = [1024, 128], strides = [1, 1]} : vector<1024x1024xf32> to vector<1024x128xf32>
    %add3A_138 = arith.addf %add3A_136, %slice3A_137 : vector<1024x128xf32>
    %slice3A_139 = vector.extract_strided_slice %add3A_138 {offsets = [0, 0], sizes = [1024, 8], strides = [1, 1]} : vector<1024x128xf32> to vector<1024x8xf32>
    %slice3A_140 = vector.extract_strided_slice %add3A_138 {offsets = [0, 8], sizes = [1024, 8], strides = [1, 1]} : vector<1024x128xf32> to vector<1024x8xf32>
    %add3A_141 = arith.addf %slice3A_139, %slice3A_140 : vector<1024x8xf32>
    %slice3A_142 = vector.extract_strided_slice %add3A_138 {offsets = [0, 16], sizes = [1024, 8], strides = [1, 1]} : vector<1024x128xf32> to vector<1024x8xf32>
    %add3A_143 = arith.addf %add3A_141, %slice3A_142 : vector<1024x8xf32>
    %slice3A_144 = vector.extract_strided_slice %add3A_138 {offsets = [0, 24], sizes = [1024, 8], strides = [1, 1]} : vector<1024x128xf32> to vector<1024x8xf32>
    %add3A_145 = arith.addf %add3A_143, %slice3A_144 : vector<1024x8xf32>
    %slice3A_146 = vector.extract_strided_slice %add3A_138 {offsets = [0, 32], sizes = [1024, 8], strides = [1, 1]} : vector<1024x128xf32> to vector<1024x8xf32>
    %add3A_147 = arith.addf %add3A_145, %slice3A_146 : vector<1024x8xf32>
    %slice3A_148 = vector.extract_strided_slice %add3A_138 {offsets = [0, 40], sizes = [1024, 8], strides = [1, 1]} : vector<1024x128xf32> to vector<1024x8xf32>
    %add3A_149 = arith.addf %add3A_147, %slice3A_148 : vector<1024x8xf32>
    %slice3A_150 = vector.extract_strided_slice %add3A_138 {offsets = [0, 48], sizes = [1024, 8], strides = [1, 1]} : vector<1024x128xf32> to vector<1024x8xf32>
    %add3A_151 = arith.addf %add3A_149, %slice3A_150 : vector<1024x8xf32>
    %slice3A_152 = vector.extract_strided_slice %add3A_138 {offsets = [0, 56], sizes = [1024, 8], strides = [1, 1]} : vector<1024x128xf32> to vector<1024x8xf32>
    %add3A_153 = arith.addf %add3A_151, %slice3A_152 : vector<1024x8xf32>
    %slice3A_154 = vector.extract_strided_slice %add3A_138 {offsets = [0, 64], sizes = [1024, 8], strides = [1, 1]} : vector<1024x128xf32> to vector<1024x8xf32>
    %add3A_155 = arith.addf %add3A_153, %slice3A_154 : vector<1024x8xf32>
    %slice3A_156 = vector.extract_strided_slice %add3A_138 {offsets = [0, 72], sizes = [1024, 8], strides = [1, 1]} : vector<1024x128xf32> to vector<1024x8xf32>
    %add3A_157 = arith.addf %add3A_155, %slice3A_156 : vector<1024x8xf32>
    %slice3A_158 = vector.extract_strided_slice %add3A_138 {offsets = [0, 80], sizes = [1024, 8], strides = [1, 1]} : vector<1024x128xf32> to vector<1024x8xf32>
    %add3A_159 = arith.addf %add3A_157, %slice3A_158 : vector<1024x8xf32>
    %slice3A_160 = vector.extract_strided_slice %add3A_138 {offsets = [0, 88], sizes = [1024, 8], strides = [1, 1]} : vector<1024x128xf32> to vector<1024x8xf32>
    %add3A_161 = arith.addf %add3A_159, %slice3A_160 : vector<1024x8xf32>
    %slice3A_162 = vector.extract_strided_slice %add3A_138 {offsets = [0, 96], sizes = [1024, 8], strides = [1, 1]} : vector<1024x128xf32> to vector<1024x8xf32>
    %add3A_163 = arith.addf %add3A_161, %slice3A_162 : vector<1024x8xf32>
    %slice3A_164 = vector.extract_strided_slice %add3A_138 {offsets = [0, 104], sizes = [1024, 8], strides = [1, 1]} : vector<1024x128xf32> to vector<1024x8xf32>
    %add3A_165 = arith.addf %add3A_163, %slice3A_164 : vector<1024x8xf32>
    %slice3A_166 = vector.extract_strided_slice %add3A_138 {offsets = [0, 112], sizes = [1024, 8], strides = [1, 1]} : vector<1024x128xf32> to vector<1024x8xf32>
    %add3A_167 = arith.addf %add3A_165, %slice3A_166 : vector<1024x8xf32>
    %slice3A_168 = vector.extract_strided_slice %add3A_138 {offsets = [0, 120], sizes = [1024, 8], strides = [1, 1]} : vector<1024x128xf32> to vector<1024x8xf32>
    %add3A_169 = arith.addf %add3A_167, %slice3A_168 : vector<1024x8xf32>
    %slice3A_170 = vector.extract_strided_slice %add3A_169 {offsets = [0, 0], sizes = [1024, 4], strides = [1, 1]} : vector<1024x8xf32> to vector<1024x4xf32>
    %slice3A_171 = vector.extract_strided_slice %add3A_169 {offsets = [0, 4], sizes = [1024, 4], strides = [1, 1]} : vector<1024x8xf32> to vector<1024x4xf32>
    %add3A_172 = arith.addf %slice3A_170, %slice3A_171 : vector<1024x4xf32>
    %slice3A_173 = vector.extract_strided_slice %add3A_172 {offsets = [0, 0], sizes = [1024, 2], strides = [1, 1]} : vector<1024x4xf32> to vector<1024x2xf32>
    %slice3A_174 = vector.extract_strided_slice %add3A_172 {offsets = [0, 2], sizes = [1024, 2], strides = [1, 1]} : vector<1024x4xf32> to vector<1024x2xf32>
    %add3A_175 = arith.addf %slice3A_173, %slice3A_174 : vector<1024x2xf32>
    %slice3A_176 = vector.extract_strided_slice %add3A_175 {offsets = [0, 0], sizes = [1024, 1], strides = [1, 1]} : vector<1024x2xf32> to vector<1024x1xf32>
    %slice3A_177 = vector.extract_strided_slice %add3A_175 {offsets = [0, 1], sizes = [1024, 1], strides = [1, 1]} : vector<1024x2xf32> to vector<1024x1xf32>
    %add3A_178 = arith.addf %slice3A_176, %slice3A_177 : vector<1024x1xf32>
    %div3A_179 = vector.broadcast %add3A_178 : vector<1024x1xf32> to vector<1024x1024xf32>
    %div3A_180 = arith.divf %exp3A_123, %div3A_179 : vector<1024x1024xf32>
    %slice3A_181 = vector.extract_strided_slice %add3A_44 {offsets = [0, 16], sizes = [1024, 16], strides = [1, 1]} : vector<1024x64xf32> to vector<1024x16xf32>
    %dot_general3A_182 = arith.constant dense<0.000000e+00> : vector<1024x16xf32>
    %dot_general3A_183 = tpu.matmul %div3A_180, %slice3A_181, %dot_general3A_182 {dimension_numbers = #tpu.dot_dimension_numbers<[1], [0], [0], [1], [0, 0, 1, 1], [], []>, transpose_lhs_hint = false} : vector<1024x1024xf32>, vector<1024x16xf32>, vector<1024x16xf32> -> vector<1024x16xf32>
    %slice3A_184 = vector.extract_strided_slice %add3A_16 {offsets = [0, 32], sizes = [1024, 16], strides = [1, 1]} : vector<1024x64xf32> to vector<1024x16xf32>
    %slice3A_185 = vector.extract_strided_slice %add3A_30 {offsets = [0, 32], sizes = [1024, 16], strides = [1, 1]} : vector<1024x64xf32> to vector<1024x16xf32>
    %dot_general3A_186 = arith.constant dense<0.000000e+00> : vector<1024x1024xf32>
    %dot_general3A_187 = tpu.matmul %slice3A_184, %slice3A_185, %dot_general3A_186 {dimension_numbers = #tpu.dot_dimension_numbers<[1], [1], [0], [0], [0, 0, 1, 0], [], []>, transpose_lhs_hint = false} : vector<1024x16xf32>, vector<1024x16xf32>, vector<1024x1024xf32> -> vector<1024x1024xf32>
    %mul3A_188 = vector.broadcast %div3A_5 : f32 to vector<1024x1024xf32>
    %mul3A_189 = arith.mulf %dot_general3A_187, %mul3A_188 : vector<1024x1024xf32>
    %reduce_max3A_190 = arith.constant dense<0xFF800000> : vector<1024xf32>
    %reduce_max3A_191 = vector.multi_reduction <maximumf>, %mul3A_189, %reduce_max3A_190 [1] : vector<1024x1024xf32> to vector<1024xf32>
    %broadcast_in_dim3A_192 = vector.shape_cast %reduce_max3A_191 : vector<1024xf32> to vector<1024x1xf32>
    %sub3A_193 = vector.broadcast %broadcast_in_dim3A_192 : vector<1024x1xf32> to vector<1024x1024xf32>
    %sub3A_194 = arith.subf %mul3A_189, %sub3A_193 : vector<1024x1024xf32>
    %exp3A_195 = math.exp %sub3A_194 : vector<1024x1024xf32>
    %slice3A_196 = vector.extract_strided_slice %exp3A_195 {offsets = [0, 0], sizes = [1024, 128], strides = [1, 1]} : vector<1024x1024xf32> to vector<1024x128xf32>
    %slice3A_197 = vector.extract_strided_slice %exp3A_195 {offsets = [0, 128], sizes = [1024, 128], strides = [1, 1]} : vector<1024x1024xf32> to vector<1024x128xf32>
    %add3A_198 = arith.addf %slice3A_196, %slice3A_197 : vector<1024x128xf32>
    %slice3A_199 = vector.extract_strided_slice %exp3A_195 {offsets = [0, 256], sizes = [1024, 128], strides = [1, 1]} : vector<1024x1024xf32> to vector<1024x128xf32>
    %add3A_200 = arith.addf %add3A_198, %slice3A_199 : vector<1024x128xf32>
    %slice3A_201 = vector.extract_strided_slice %exp3A_195 {offsets = [0, 384], sizes = [1024, 128], strides = [1, 1]} : vector<1024x1024xf32> to vector<1024x128xf32>
    %add3A_202 = arith.addf %add3A_200, %slice3A_201 : vector<1024x128xf32>
    %slice3A_203 = vector.extract_strided_slice %exp3A_195 {offsets = [0, 512], sizes = [1024, 128], strides = [1, 1]} : vector<1024x1024xf32> to vector<1024x128xf32>
    %add3A_204 = arith.addf %add3A_202, %slice3A_203 : vector<1024x128xf32>
    %slice3A_205 = vector.extract_strided_slice %exp3A_195 {offsets = [0, 640], sizes = [1024, 128], strides = [1, 1]} : vector<1024x1024xf32> to vector<1024x128xf32>
    %add3A_206 = arith.addf %add3A_204, %slice3A_205 : vector<1024x128xf32>
    %slice3A_207 = vector.extract_strided_slice %exp3A_195 {offsets = [0, 768], sizes = [1024, 128], strides = [1, 1]} : vector<1024x1024xf32> to vector<1024x128xf32>
    %add3A_208 = arith.addf %add3A_206, %slice3A_207 : vector<1024x128xf32>
    %slice3A_209 = vector.extract_strided_slice %exp3A_195 {offsets = [0, 896], sizes = [1024, 128], strides = [1, 1]} : vector<1024x1024xf32> to vector<1024x128xf32>
    %add3A_210 = arith.addf %add3A_208, %slice3A_209 : vector<1024x128xf32>
    %slice3A_211 = vector.extract_strided_slice %add3A_210 {offsets = [0, 0], sizes = [1024, 8], strides = [1, 1]} : vector<1024x128xf32> to vector<1024x8xf32>
    %slice3A_212 = vector.extract_strided_slice %add3A_210 {offsets = [0, 8], sizes = [1024, 8], strides = [1, 1]} : vector<1024x128xf32> to vector<1024x8xf32>
    %add3A_213 = arith.addf %slice3A_211, %slice3A_212 : vector<1024x8xf32>
    %slice3A_214 = vector.extract_strided_slice %add3A_210 {offsets = [0, 16], sizes = [1024, 8], strides = [1, 1]} : vector<1024x128xf32> to vector<1024x8xf32>
    %add3A_215 = arith.addf %add3A_213, %slice3A_214 : vector<1024x8xf32>
    %slice3A_216 = vector.extract_strided_slice %add3A_210 {offsets = [0, 24], sizes = [1024, 8], strides = [1, 1]} : vector<1024x128xf32> to vector<1024x8xf32>
    %add3A_217 = arith.addf %add3A_215, %slice3A_216 : vector<1024x8xf32>
    %slice3A_218 = vector.extract_strided_slice %add3A_210 {offsets = [0, 32], sizes = [1024, 8], strides = [1, 1]} : vector<1024x128xf32> to vector<1024x8xf32>
    %add3A_219 = arith.addf %add3A_217, %slice3A_218 : vector<1024x8xf32>
    %slice3A_220 = vector.extract_strided_slice %add3A_210 {offsets = [0, 40], sizes = [1024, 8], strides = [1, 1]} : vector<1024x128xf32> to vector<1024x8xf32>
    %add3A_221 = arith.addf %add3A_219, %slice3A_220 : vector<1024x8xf32>
    %slice3A_222 = vector.extract_strided_slice %add3A_210 {offsets = [0, 48], sizes = [1024, 8], strides = [1, 1]} : vector<1024x128xf32> to vector<1024x8xf32>
    %add3A_223 = arith.addf %add3A_221, %slice3A_222 : vector<1024x8xf32>
    %slice3A_224 = vector.extract_strided_slice %add3A_210 {offsets = [0, 56], sizes = [1024, 8], strides = [1, 1]} : vector<1024x128xf32> to vector<1024x8xf32>
    %add3A_225 = arith.addf %add3A_223, %slice3A_224 : vector<1024x8xf32>
    %slice3A_226 = vector.extract_strided_slice %add3A_210 {offsets = [0, 64], sizes = [1024, 8], strides = [1, 1]} : vector<1024x128xf32> to vector<1024x8xf32>
    %add3A_227 = arith.addf %add3A_225, %slice3A_226 : vector<1024x8xf32>
    %slice3A_228 = vector.extract_strided_slice %add3A_210 {offsets = [0, 72], sizes = [1024, 8], strides = [1, 1]} : vector<1024x128xf32> to vector<1024x8xf32>
    %add3A_229 = arith.addf %add3A_227, %slice3A_228 : vector<1024x8xf32>
    %slice3A_230 = vector.extract_strided_slice %add3A_210 {offsets = [0, 80], sizes = [1024, 8], strides = [1, 1]} : vector<1024x128xf32> to vector<1024x8xf32>
    %add3A_231 = arith.addf %add3A_229, %slice3A_230 : vector<1024x8xf32>
    %slice3A_232 = vector.extract_strided_slice %add3A_210 {offsets = [0, 88], sizes = [1024, 8], strides = [1, 1]} : vector<1024x128xf32> to vector<1024x8xf32>
    %add3A_233 = arith.addf %add3A_231, %slice3A_232 : vector<1024x8xf32>
    %slice3A_234 = vector.extract_strided_slice %add3A_210 {offsets = [0, 96], sizes = [1024, 8], strides = [1, 1]} : vector<1024x128xf32> to vector<1024x8xf32>
    %add3A_235 = arith.addf %add3A_233, %slice3A_234 : vector<1024x8xf32>
    %slice3A_236 = vector.extract_strided_slice %add3A_210 {offsets = [0, 104], sizes = [1024, 8], strides = [1, 1]} : vector<1024x128xf32> to vector<1024x8xf32>
    %add3A_237 = arith.addf %add3A_235, %slice3A_236 : vector<1024x8xf32>
    %slice3A_238 = vector.extract_strided_slice %add3A_210 {offsets = [0, 112], sizes = [1024, 8], strides = [1, 1]} : vector<1024x128xf32> to vector<1024x8xf32>
    %add3A_239 = arith.addf %add3A_237, %slice3A_238 : vector<1024x8xf32>
    %slice3A_240 = vector.extract_strided_slice %add3A_210 {offsets = [0, 120], sizes = [1024, 8], strides = [1, 1]} : vector<1024x128xf32> to vector<1024x8xf32>
    %add3A_241 = arith.addf %add3A_239, %slice3A_240 : vector<1024x8xf32>
    %slice3A_242 = vector.extract_strided_slice %add3A_241 {offsets = [0, 0], sizes = [1024, 4], strides = [1, 1]} : vector<1024x8xf32> to vector<1024x4xf32>
    %slice3A_243 = vector.extract_strided_slice %add3A_241 {offsets = [0, 4], sizes = [1024, 4], strides = [1, 1]} : vector<1024x8xf32> to vector<1024x4xf32>
    %add3A_244 = arith.addf %slice3A_242, %slice3A_243 : vector<1024x4xf32>
    %slice3A_245 = vector.extract_strided_slice %add3A_244 {offsets = [0, 0], sizes = [1024, 2], strides = [1, 1]} : vector<1024x4xf32> to vector<1024x2xf32>
    %slice3A_246 = vector.extract_strided_slice %add3A_244 {offsets = [0, 2], sizes = [1024, 2], strides = [1, 1]} : vector<1024x4xf32> to vector<1024x2xf32>
    %add3A_247 = arith.addf %slice3A_245, %slice3A_246 : vector<1024x2xf32>
    %slice3A_248 = vector.extract_strided_slice %add3A_247 {offsets = [0, 0], sizes = [1024, 1], strides = [1, 1]} : vector<1024x2xf32> to vector<1024x1xf32>
    %slice3A_249 = vector.extract_strided_slice %add3A_247 {offsets = [0, 1], sizes = [1024, 1], strides = [1, 1]} : vector<1024x2xf32> to vector<1024x1xf32>
    %add3A_250 = arith.addf %slice3A_248, %slice3A_249 : vector<1024x1xf32>
    %div3A_251 = vector.broadcast %add3A_250 : vector<1024x1xf32> to vector<1024x1024xf32>
    %div3A_252 = arith.divf %exp3A_195, %div3A_251 : vector<1024x1024xf32>
    %slice3A_253 = vector.extract_strided_slice %add3A_44 {offsets = [0, 32], sizes = [1024, 16], strides = [1, 1]} : vector<1024x64xf32> to vector<1024x16xf32>
    %dot_general3A_254 = arith.constant dense<0.000000e+00> : vector<1024x16xf32>
    %dot_general3A_255 = tpu.matmul %div3A_252, %slice3A_253, %dot_general3A_254 {dimension_numbers = #tpu.dot_dimension_numbers<[1], [0], [0], [1], [0, 0, 1, 1], [], []>, transpose_lhs_hint = false} : vector<1024x1024xf32>, vector<1024x16xf32>, vector<1024x16xf32> -> vector<1024x16xf32>
    %slice3A_256 = vector.extract_strided_slice %add3A_16 {offsets = [0, 48], sizes = [1024, 16], strides = [1, 1]} : vector<1024x64xf32> to vector<1024x16xf32>
    %slice3A_257 = vector.extract_strided_slice %add3A_30 {offsets = [0, 48], sizes = [1024, 16], strides = [1, 1]} : vector<1024x64xf32> to vector<1024x16xf32>
    %dot_general3A_258 = arith.constant dense<0.000000e+00> : vector<1024x1024xf32>
    %dot_general3A_259 = tpu.matmul %slice3A_256, %slice3A_257, %dot_general3A_258 {dimension_numbers = #tpu.dot_dimension_numbers<[1], [1], [0], [0], [0, 0, 1, 0], [], []>, transpose_lhs_hint = false} : vector<1024x16xf32>, vector<1024x16xf32>, vector<1024x1024xf32> -> vector<1024x1024xf32>
    %mul3A_260 = vector.broadcast %div3A_5 : f32 to vector<1024x1024xf32>
    %mul3A_261 = arith.mulf %dot_general3A_259, %mul3A_260 : vector<1024x1024xf32>
    %reduce_max3A_262 = arith.constant dense<0xFF800000> : vector<1024xf32>
    %reduce_max3A_263 = vector.multi_reduction <maximumf>, %mul3A_261, %reduce_max3A_262 [1] : vector<1024x1024xf32> to vector<1024xf32>
    %broadcast_in_dim3A_264 = vector.shape_cast %reduce_max3A_263 : vector<1024xf32> to vector<1024x1xf32>
    %sub3A_265 = vector.broadcast %broadcast_in_dim3A_264 : vector<1024x1xf32> to vector<1024x1024xf32>
    %sub3A_266 = arith.subf %mul3A_261, %sub3A_265 : vector<1024x1024xf32>
    %exp3A_267 = math.exp %sub3A_266 : vector<1024x1024xf32>
    %slice3A_268 = vector.extract_strided_slice %exp3A_267 {offsets = [0, 0], sizes = [1024, 128], strides = [1, 1]} : vector<1024x1024xf32> to vector<1024x128xf32>
    %slice3A_269 = vector.extract_strided_slice %exp3A_267 {offsets = [0, 128], sizes = [1024, 128], strides = [1, 1]} : vector<1024x1024xf32> to vector<1024x128xf32>
    %add3A_270 = arith.addf %slice3A_268, %slice3A_269 : vector<1024x128xf32>
    %slice3A_271 = vector.extract_strided_slice %exp3A_267 {offsets = [0, 256], sizes = [1024, 128], strides = [1, 1]} : vector<1024x1024xf32> to vector<1024x128xf32>
    %add3A_272 = arith.addf %add3A_270, %slice3A_271 : vector<1024x128xf32>
    %slice3A_273 = vector.extract_strided_slice %exp3A_267 {offsets = [0, 384], sizes = [1024, 128], strides = [1, 1]} : vector<1024x1024xf32> to vector<1024x128xf32>
    %add3A_274 = arith.addf %add3A_272, %slice3A_273 : vector<1024x128xf32>
    %slice3A_275 = vector.extract_strided_slice %exp3A_267 {offsets = [0, 512], sizes = [1024, 128], strides = [1, 1]} : vector<1024x1024xf32> to vector<1024x128xf32>
    %add3A_276 = arith.addf %add3A_274, %slice3A_275 : vector<1024x128xf32>
    %slice3A_277 = vector.extract_strided_slice %exp3A_267 {offsets = [0, 640], sizes = [1024, 128], strides = [1, 1]} : vector<1024x1024xf32> to vector<1024x128xf32>
    %add3A_278 = arith.addf %add3A_276, %slice3A_277 : vector<1024x128xf32>
    %slice3A_279 = vector.extract_strided_slice %exp3A_267 {offsets = [0, 768], sizes = [1024, 128], strides = [1, 1]} : vector<1024x1024xf32> to vector<1024x128xf32>
    %add3A_280 = arith.addf %add3A_278, %slice3A_279 : vector<1024x128xf32>
    %slice3A_281 = vector.extract_strided_slice %exp3A_267 {offsets = [0, 896], sizes = [1024, 128], strides = [1, 1]} : vector<1024x1024xf32> to vector<1024x128xf32>
    %add3A_282 = arith.addf %add3A_280, %slice3A_281 : vector<1024x128xf32>
    %slice3A_283 = vector.extract_strided_slice %add3A_282 {offsets = [0, 0], sizes = [1024, 8], strides = [1, 1]} : vector<1024x128xf32> to vector<1024x8xf32>
    %slice3A_284 = vector.extract_strided_slice %add3A_282 {offsets = [0, 8], sizes = [1024, 8], strides = [1, 1]} : vector<1024x128xf32> to vector<1024x8xf32>
    %add3A_285 = arith.addf %slice3A_283, %slice3A_284 : vector<1024x8xf32>
    %slice3A_286 = vector.extract_strided_slice %add3A_282 {offsets = [0, 16], sizes = [1024, 8], strides = [1, 1]} : vector<1024x128xf32> to vector<1024x8xf32>
    %add3A_287 = arith.addf %add3A_285, %slice3A_286 : vector<1024x8xf32>
    %slice3A_288 = vector.extract_strided_slice %add3A_282 {offsets = [0, 24], sizes = [1024, 8], strides = [1, 1]} : vector<1024x128xf32> to vector<1024x8xf32>
    %add3A_289 = arith.addf %add3A_287, %slice3A_288 : vector<1024x8xf32>
    %slice3A_290 = vector.extract_strided_slice %add3A_282 {offsets = [0, 32], sizes = [1024, 8], strides = [1, 1]} : vector<1024x128xf32> to vector<1024x8xf32>
    %add3A_291 = arith.addf %add3A_289, %slice3A_290 : vector<1024x8xf32>
    %slice3A_292 = vector.extract_strided_slice %add3A_282 {offsets = [0, 40], sizes = [1024, 8], strides = [1, 1]} : vector<1024x128xf32> to vector<1024x8xf32>
    %add3A_293 = arith.addf %add3A_291, %slice3A_292 : vector<1024x8xf32>
    %slice3A_294 = vector.extract_strided_slice %add3A_282 {offsets = [0, 48], sizes = [1024, 8], strides = [1, 1]} : vector<1024x128xf32> to vector<1024x8xf32>
    %add3A_295 = arith.addf %add3A_293, %slice3A_294 : vector<1024x8xf32>
    %slice3A_296 = vector.extract_strided_slice %add3A_282 {offsets = [0, 56], sizes = [1024, 8], strides = [1, 1]} : vector<1024x128xf32> to vector<1024x8xf32>
    %add3A_297 = arith.addf %add3A_295, %slice3A_296 : vector<1024x8xf32>
    %slice3A_298 = vector.extract_strided_slice %add3A_282 {offsets = [0, 64], sizes = [1024, 8], strides = [1, 1]} : vector<1024x128xf32> to vector<1024x8xf32>
    %add3A_299 = arith.addf %add3A_297, %slice3A_298 : vector<1024x8xf32>
    %slice3A_300 = vector.extract_strided_slice %add3A_282 {offsets = [0, 72], sizes = [1024, 8], strides = [1, 1]} : vector<1024x128xf32> to vector<1024x8xf32>
    %add3A_301 = arith.addf %add3A_299, %slice3A_300 : vector<1024x8xf32>
    %slice3A_302 = vector.extract_strided_slice %add3A_282 {offsets = [0, 80], sizes = [1024, 8], strides = [1, 1]} : vector<1024x128xf32> to vector<1024x8xf32>
    %add3A_303 = arith.addf %add3A_301, %slice3A_302 : vector<1024x8xf32>
    %slice3A_304 = vector.extract_strided_slice %add3A_282 {offsets = [0, 88], sizes = [1024, 8], strides = [1, 1]} : vector<1024x128xf32> to vector<1024x8xf32>
    %add3A_305 = arith.addf %add3A_303, %slice3A_304 : vector<1024x8xf32>
    %slice3A_306 = vector.extract_strided_slice %add3A_282 {offsets = [0, 96], sizes = [1024, 8], strides = [1, 1]} : vector<1024x128xf32> to vector<1024x8xf32>
    %add3A_307 = arith.addf %add3A_305, %slice3A_306 : vector<1024x8xf32>
    %slice3A_308 = vector.extract_strided_slice %add3A_282 {offsets = [0, 104], sizes = [1024, 8], strides = [1, 1]} : vector<1024x128xf32> to vector<1024x8xf32>
    %add3A_309 = arith.addf %add3A_307, %slice3A_308 : vector<1024x8xf32>
    %slice3A_310 = vector.extract_strided_slice %add3A_282 {offsets = [0, 112], sizes = [1024, 8], strides = [1, 1]} : vector<1024x128xf32> to vector<1024x8xf32>
    %add3A_311 = arith.addf %add3A_309, %slice3A_310 : vector<1024x8xf32>
    %slice3A_312 = vector.extract_strided_slice %add3A_282 {offsets = [0, 120], sizes = [1024, 8], strides = [1, 1]} : vector<1024x128xf32> to vector<1024x8xf32>
    %add3A_313 = arith.addf %add3A_311, %slice3A_312 : vector<1024x8xf32>
    %slice3A_314 = vector.extract_strided_slice %add3A_313 {offsets = [0, 0], sizes = [1024, 4], strides = [1, 1]} : vector<1024x8xf32> to vector<1024x4xf32>
    %slice3A_315 = vector.extract_strided_slice %add3A_313 {offsets = [0, 4], sizes = [1024, 4], strides = [1, 1]} : vector<1024x8xf32> to vector<1024x4xf32>
    %add3A_316 = arith.addf %slice3A_314, %slice3A_315 : vector<1024x4xf32>
    %slice3A_317 = vector.extract_strided_slice %add3A_316 {offsets = [0, 0], sizes = [1024, 2], strides = [1, 1]} : vector<1024x4xf32> to vector<1024x2xf32>
    %slice3A_318 = vector.extract_strided_slice %add3A_316 {offsets = [0, 2], sizes = [1024, 2], strides = [1, 1]} : vector<1024x4xf32> to vector<1024x2xf32>
    %add3A_319 = arith.addf %slice3A_317, %slice3A_318 : vector<1024x2xf32>
    %slice3A_320 = vector.extract_strided_slice %add3A_319 {offsets = [0, 0], sizes = [1024, 1], strides = [1, 1]} : vector<1024x2xf32> to vector<1024x1xf32>
    %slice3A_321 = vector.extract_strided_slice %add3A_319 {offsets = [0, 1], sizes = [1024, 1], strides = [1, 1]} : vector<1024x2xf32> to vector<1024x1xf32>
    %add3A_322 = arith.addf %slice3A_320, %slice3A_321 : vector<1024x1xf32>
    %div3A_323 = vector.broadcast %add3A_322 : vector<1024x1xf32> to vector<1024x1024xf32>
    %div3A_324 = arith.divf %exp3A_267, %div3A_323 : vector<1024x1024xf32>
    %slice3A_325 = vector.extract_strided_slice %add3A_44 {offsets = [0, 48], sizes = [1024, 16], strides = [1, 1]} : vector<1024x64xf32> to vector<1024x16xf32>
    %dot_general3A_326 = arith.constant dense<0.000000e+00> : vector<1024x16xf32>
    %dot_general3A_327 = tpu.matmul %div3A_324, %slice3A_325, %dot_general3A_326 {dimension_numbers = #tpu.dot_dimension_numbers<[1], [0], [0], [1], [0, 0, 1, 1], [], []>, transpose_lhs_hint = false} : vector<1024x1024xf32>, vector<1024x16xf32>, vector<1024x16xf32> -> vector<1024x16xf32>
    %concatenate3A = tpu.concatenate %dot_general3A_111, %dot_general3A_183, %dot_general3A_255, %dot_general3A_327 in 1 : vector<1024x16xf32>, vector<1024x16xf32>, vector<1024x16xf32>, vector<1024x16xf32> -> vector<1024x64xf32>
    %get3A_328 = arith.constant 0 : index
    %get3A_329 = arith.constant 0 : index
    %get3A_330 = arith.constant 0 : index
    %get3A_331 = vector.load %arg8[%get3A_328, %get3A_329, %get3A_330] : memref<2x64x64xf32, #tpu.memory_space<vmem>>, vector<1x64x64xf32>
    %get3A_332 = vector.shape_cast %get3A_331 : vector<1x64x64xf32> to vector<64x64xf32>
    %dot_general3A_333 = arith.constant dense<0.000000e+00> : vector<1024x64xf32>
    %dot_general3A_334 = tpu.matmul %concatenate3A, %get3A_332, %dot_general3A_333 {dimension_numbers = #tpu.dot_dimension_numbers<[1], [0], [0], [1], [0, 0, 1, 1], [], []>, transpose_lhs_hint = false} : vector<1024x64xf32>, vector<64x64xf32>, vector<1024x64xf32> -> vector<1024x64xf32>
    %get3A_335 = arith.constant 0 : index
    %get3A_336 = arith.constant 0 : index
    %get3A_337 = vector.load %arg9[%get3A_335, %get3A_336] : memref<2x64xf32, #tpu.memory_space<vmem>>, vector<1x64xf32>
    %get3A_338 = vector.shape_cast %get3A_337 : vector<1x64xf32> to vector<64xf32>
    %broadcast_in_dim3A_339 = vector.shape_cast %get3A_338 : vector<64xf32> to vector<1x64xf32>
    %add3A_340 = vector.broadcast %broadcast_in_dim3A_339 : vector<1x64xf32> to vector<1024x64xf32>
    %add3A_341 = arith.addf %dot_general3A_334, %add3A_340 : vector<1024x64xf32>
    %add3A_342 = arith.addf %get3A_3, %add3A_341 : vector<1024x64xf32>
    %get3A_343 = arith.constant 0 : index
    %get3A_344 = arith.constant 0 : index
    %get3A_345 = vector.load %arg10[%get3A_343, %get3A_344] : memref<2x64xf32, #tpu.memory_space<vmem>>, vector<1x64xf32>
    %get3A_346 = vector.shape_cast %get3A_345 : vector<1x64xf32> to vector<64xf32>
    %get3A_347 = arith.constant 0 : index
    %get3A_348 = arith.constant 0 : index
    %get3A_349 = vector.load %arg11[%get3A_347, %get3A_348] : memref<2x64xf32, #tpu.memory_space<vmem>>, vector<1x64xf32>
    %get3A_350 = vector.shape_cast %get3A_349 : vector<1x64xf32> to vector<64xf32>
    %slice3A_351 = vector.extract_strided_slice %add3A_342 {offsets = [0, 0], sizes = [1024, 8], strides = [1, 1]} : vector<1024x64xf32> to vector<1024x8xf32>
    %slice3A_352 = vector.extract_strided_slice %add3A_342 {offsets = [0, 8], sizes = [1024, 8], strides = [1, 1]} : vector<1024x64xf32> to vector<1024x8xf32>
    %add3A_353 = arith.addf %slice3A_351, %slice3A_352 : vector<1024x8xf32>
    %slice3A_354 = vector.extract_strided_slice %add3A_342 {offsets = [0, 16], sizes = [1024, 8], strides = [1, 1]} : vector<1024x64xf32> to vector<1024x8xf32>
    %add3A_355 = arith.addf %add3A_353, %slice3A_354 : vector<1024x8xf32>
    %slice3A_356 = vector.extract_strided_slice %add3A_342 {offsets = [0, 24], sizes = [1024, 8], strides = [1, 1]} : vector<1024x64xf32> to vector<1024x8xf32>
    %add3A_357 = arith.addf %add3A_355, %slice3A_356 : vector<1024x8xf32>
    %slice3A_358 = vector.extract_strided_slice %add3A_342 {offsets = [0, 32], sizes = [1024, 8], strides = [1, 1]} : vector<1024x64xf32> to vector<1024x8xf32>
    %add3A_359 = arith.addf %add3A_357, %slice3A_358 : vector<1024x8xf32>
    %slice3A_360 = vector.extract_strided_slice %add3A_342 {offsets = [0, 40], sizes = [1024, 8], strides = [1, 1]} : vector<1024x64xf32> to vector<1024x8xf32>
    %add3A_361 = arith.addf %add3A_359, %slice3A_360 : vector<1024x8xf32>
    %slice3A_362 = vector.extract_strided_slice %add3A_342 {offsets = [0, 48], sizes = [1024, 8], strides = [1, 1]} : vector<1024x64xf32> to vector<1024x8xf32>
    %add3A_363 = arith.addf %add3A_361, %slice3A_362 : vector<1024x8xf32>
    %slice3A_364 = vector.extract_strided_slice %add3A_342 {offsets = [0, 56], sizes = [1024, 8], strides = [1, 1]} : vector<1024x64xf32> to vector<1024x8xf32>
    %add3A_365 = arith.addf %add3A_363, %slice3A_364 : vector<1024x8xf32>
    %slice3A_366 = vector.extract_strided_slice %add3A_365 {offsets = [0, 0], sizes = [1024, 4], strides = [1, 1]} : vector<1024x8xf32> to vector<1024x4xf32>
    %slice3A_367 = vector.extract_strided_slice %add3A_365 {offsets = [0, 4], sizes = [1024, 4], strides = [1, 1]} : vector<1024x8xf32> to vector<1024x4xf32>
    %add3A_368 = arith.addf %slice3A_366, %slice3A_367 : vector<1024x4xf32>
    %slice3A_369 = vector.extract_strided_slice %add3A_368 {offsets = [0, 0], sizes = [1024, 2], strides = [1, 1]} : vector<1024x4xf32> to vector<1024x2xf32>
    %slice3A_370 = vector.extract_strided_slice %add3A_368 {offsets = [0, 2], sizes = [1024, 2], strides = [1, 1]} : vector<1024x4xf32> to vector<1024x2xf32>
    %add3A_371 = arith.addf %slice3A_369, %slice3A_370 : vector<1024x2xf32>
    %slice3A_372 = vector.extract_strided_slice %add3A_371 {offsets = [0, 0], sizes = [1024, 1], strides = [1, 1]} : vector<1024x2xf32> to vector<1024x1xf32>
    %slice3A_373 = vector.extract_strided_slice %add3A_371 {offsets = [0, 1], sizes = [1024, 1], strides = [1, 1]} : vector<1024x2xf32> to vector<1024x1xf32>
    %add3A_374 = arith.addf %slice3A_372, %slice3A_373 : vector<1024x1xf32>
    %div3A_375 = arith.constant 6.400000e+01 : f32
    %div3A_376 = vector.broadcast %div3A_375 : f32 to vector<1024x1xf32>
    %div3A_377 = arith.divf %add3A_374, %div3A_376 : vector<1024x1xf32>
    %sub3A_378 = vector.broadcast %div3A_377 : vector<1024x1xf32> to vector<1024x64xf32>
    %sub3A_379 = arith.subf %add3A_342, %sub3A_378 : vector<1024x64xf32>
    %mul3A_380 = arith.mulf %sub3A_379, %sub3A_379 : vector<1024x64xf32>
    %slice3A_381 = vector.extract_strided_slice %mul3A_380 {offsets = [0, 0], sizes = [1024, 8], strides = [1, 1]} : vector<1024x64xf32> to vector<1024x8xf32>
    %slice3A_382 = vector.extract_strided_slice %mul3A_380 {offsets = [0, 8], sizes = [1024, 8], strides = [1, 1]} : vector<1024x64xf32> to vector<1024x8xf32>
    %add3A_383 = arith.addf %slice3A_381, %slice3A_382 : vector<1024x8xf32>
    %slice3A_384 = vector.extract_strided_slice %mul3A_380 {offsets = [0, 16], sizes = [1024, 8], strides = [1, 1]} : vector<1024x64xf32> to vector<1024x8xf32>
    %add3A_385 = arith.addf %add3A_383, %slice3A_384 : vector<1024x8xf32>
    %slice3A_386 = vector.extract_strided_slice %mul3A_380 {offsets = [0, 24], sizes = [1024, 8], strides = [1, 1]} : vector<1024x64xf32> to vector<1024x8xf32>
    %add3A_387 = arith.addf %add3A_385, %slice3A_386 : vector<1024x8xf32>
    %slice3A_388 = vector.extract_strided_slice %mul3A_380 {offsets = [0, 32], sizes = [1024, 8], strides = [1, 1]} : vector<1024x64xf32> to vector<1024x8xf32>
    %add3A_389 = arith.addf %add3A_387, %slice3A_388 : vector<1024x8xf32>
    %slice3A_390 = vector.extract_strided_slice %mul3A_380 {offsets = [0, 40], sizes = [1024, 8], strides = [1, 1]} : vector<1024x64xf32> to vector<1024x8xf32>
    %add3A_391 = arith.addf %add3A_389, %slice3A_390 : vector<1024x8xf32>
    %slice3A_392 = vector.extract_strided_slice %mul3A_380 {offsets = [0, 48], sizes = [1024, 8], strides = [1, 1]} : vector<1024x64xf32> to vector<1024x8xf32>
    %add3A_393 = arith.addf %add3A_391, %slice3A_392 : vector<1024x8xf32>
    %slice3A_394 = vector.extract_strided_slice %mul3A_380 {offsets = [0, 56], sizes = [1024, 8], strides = [1, 1]} : vector<1024x64xf32> to vector<1024x8xf32>
    %add3A_395 = arith.addf %add3A_393, %slice3A_394 : vector<1024x8xf32>
    %slice3A_396 = vector.extract_strided_slice %add3A_395 {offsets = [0, 0], sizes = [1024, 4], strides = [1, 1]} : vector<1024x8xf32> to vector<1024x4xf32>
    %slice3A_397 = vector.extract_strided_slice %add3A_395 {offsets = [0, 4], sizes = [1024, 4], strides = [1, 1]} : vector<1024x8xf32> to vector<1024x4xf32>
    %add3A_398 = arith.addf %slice3A_396, %slice3A_397 : vector<1024x4xf32>
    %slice3A_399 = vector.extract_strided_slice %add3A_398 {offsets = [0, 0], sizes = [1024, 2], strides = [1, 1]} : vector<1024x4xf32> to vector<1024x2xf32>
    %slice3A_400 = vector.extract_strided_slice %add3A_398 {offsets = [0, 2], sizes = [1024, 2], strides = [1, 1]} : vector<1024x4xf32> to vector<1024x2xf32>
    %add3A_401 = arith.addf %slice3A_399, %slice3A_400 : vector<1024x2xf32>
    %slice3A_402 = vector.extract_strided_slice %add3A_401 {offsets = [0, 0], sizes = [1024, 1], strides = [1, 1]} : vector<1024x2xf32> to vector<1024x1xf32>
    %slice3A_403 = vector.extract_strided_slice %add3A_401 {offsets = [0, 1], sizes = [1024, 1], strides = [1, 1]} : vector<1024x2xf32> to vector<1024x1xf32>
    %add3A_404 = arith.addf %slice3A_402, %slice3A_403 : vector<1024x1xf32>
    %div3A_405 = arith.constant 6.400000e+01 : f32
    %div3A_406 = vector.broadcast %div3A_405 : f32 to vector<1024x1xf32>
    %div3A_407 = arith.divf %add3A_404, %div3A_406 : vector<1024x1xf32>
    %add3A_408 = arith.constant 9.99999974E-6 : f32
    %add3A_409 = vector.broadcast %add3A_408 : f32 to vector<1024x1xf32>
    %add3A_410 = arith.addf %div3A_407, %add3A_409 : vector<1024x1xf32>
    %sqrt3A_411 = math.sqrt %add3A_410 : vector<1024x1xf32>
    %div3A_412 = vector.broadcast %sqrt3A_411 : vector<1024x1xf32> to vector<1024x64xf32>
    %div3A_413 = arith.divf %sub3A_379, %div3A_412 : vector<1024x64xf32>
    %broadcast_in_dim3A_414 = vector.shape_cast %get3A_346 : vector<64xf32> to vector<1x64xf32>
    %mul3A_415 = vector.broadcast %broadcast_in_dim3A_414 : vector<1x64xf32> to vector<1024x64xf32>
    %mul3A_416 = arith.mulf %div3A_413, %mul3A_415 : vector<1024x64xf32>
    %broadcast_in_dim3A_417 = vector.shape_cast %get3A_350 : vector<64xf32> to vector<1x64xf32>
    %add3A_418 = vector.broadcast %broadcast_in_dim3A_417 : vector<1x64xf32> to vector<1024x64xf32>
    %add3A_419 = arith.addf %mul3A_416, %add3A_418 : vector<1024x64xf32>
    %get3A_420 = arith.constant 0 : index
    %get3A_421 = arith.constant 0 : index
    %get3A_422 = arith.constant 0 : index
    %get3A_423 = vector.load %arg12[%get3A_420, %get3A_421, %get3A_422] : memref<2x64x256xf32, #tpu.memory_space<vmem>>, vector<1x64x256xf32>
    %get3A_424 = vector.shape_cast %get3A_423 : vector<1x64x256xf32> to vector<64x256xf32>
    %dot_general3A_425 = arith.constant dense<0.000000e+00> : vector<1024x256xf32>
    %dot_general3A_426 = tpu.matmul %add3A_419, %get3A_424, %dot_general3A_425 {dimension_numbers = #tpu.dot_dimension_numbers<[1], [0], [0], [1], [0, 0, 1, 1], [], []>, transpose_lhs_hint = false} : vector<1024x64xf32>, vector<64x256xf32>, vector<1024x256xf32> -> vector<1024x256xf32>
    %get3A_427 = arith.constant 0 : index
    %get3A_428 = arith.constant 0 : index
    %get3A_429 = vector.load %arg13[%get3A_427, %get3A_428] : memref<2x256xf32, #tpu.memory_space<vmem>>, vector<1x256xf32>
    %get3A_430 = vector.shape_cast %get3A_429 : vector<1x256xf32> to vector<256xf32>
    %broadcast_in_dim3A_431 = vector.shape_cast %get3A_430 : vector<256xf32> to vector<1x256xf32>
    %add3A_432 = vector.broadcast %broadcast_in_dim3A_431 : vector<1x256xf32> to vector<1024x256xf32>
    %add3A_433 = arith.addf %dot_general3A_426, %add3A_432 : vector<1024x256xf32>
    %mul3A_434 = arith.constant 5.000000e-01 : f32
    %mul3A_435 = vector.broadcast %mul3A_434 : f32 to vector<1024x256xf32>
    %mul3A_436 = arith.mulf %add3A_433, %mul3A_435 : vector<1024x256xf32>
    %mul3A_437 = arith.constant 0.707106769 : f32
    %mul3A_438 = vector.broadcast %mul3A_437 : f32 to vector<1024x256xf32>
    %mul3A_439 = arith.mulf %add3A_433, %mul3A_438 : vector<1024x256xf32>
    %erf3A = math.erf %mul3A_439 : vector<1024x256xf32>
    %add3A_440 = arith.constant 1.000000e+00 : f32
    %add3A_441 = vector.broadcast %add3A_440 : f32 to vector<1024x256xf32>
    %add3A_442 = arith.addf %add3A_441, %erf3A : vector<1024x256xf32>
    %mul3A_443 = arith.mulf %mul3A_436, %add3A_442 : vector<1024x256xf32>
    %get3A_444 = arith.constant 0 : index
    %get3A_445 = arith.constant 0 : index
    %get3A_446 = arith.constant 0 : index
    %get3A_447 = vector.load %arg14[%get3A_444, %get3A_445, %get3A_446] : memref<2x256x64xf32, #tpu.memory_space<vmem>>, vector<1x256x64xf32>
    %get3A_448 = vector.shape_cast %get3A_447 : vector<1x256x64xf32> to vector<256x64xf32>
    %dot_general3A_449 = arith.constant dense<0.000000e+00> : vector<1024x64xf32>
    %dot_general3A_450 = tpu.matmul %mul3A_443, %get3A_448, %dot_general3A_449 {dimension_numbers = #tpu.dot_dimension_numbers<[1], [0], [0], [1], [0, 0, 1, 1], [], []>, transpose_lhs_hint = false} : vector<1024x256xf32>, vector<256x64xf32>, vector<1024x64xf32> -> vector<1024x64xf32>
    %get3A_451 = arith.constant 0 : index
    %get3A_452 = arith.constant 0 : index
    %get3A_453 = vector.load %arg15[%get3A_451, %get3A_452] : memref<2x64xf32, #tpu.memory_space<vmem>>, vector<1x64xf32>
    %get3A_454 = vector.shape_cast %get3A_453 : vector<1x64xf32> to vector<64xf32>
    %broadcast_in_dim3A_455 = vector.shape_cast %get3A_454 : vector<64xf32> to vector<1x64xf32>
    %add3A_456 = vector.broadcast %broadcast_in_dim3A_455 : vector<1x64xf32> to vector<1024x64xf32>
    %add3A_457 = arith.addf %dot_general3A_450, %add3A_456 : vector<1024x64xf32>
    %add3A_458 = arith.addf %add3A_419, %add3A_457 : vector<1024x64xf32>
    %get3A_459 = arith.constant 0 : index
    %get3A_460 = arith.constant 0 : index
    %get3A_461 = vector.load %arg16[%get3A_459, %get3A_460] : memref<2x64xf32, #tpu.memory_space<vmem>>, vector<1x64xf32>
    %get3A_462 = vector.shape_cast %get3A_461 : vector<1x64xf32> to vector<64xf32>
    %get3A_463 = arith.constant 0 : index
    %get3A_464 = arith.constant 0 : index
    %get3A_465 = vector.load %arg17[%get3A_463, %get3A_464] : memref<2x64xf32, #tpu.memory_space<vmem>>, vector<1x64xf32>
    %get3A_466 = vector.shape_cast %get3A_465 : vector<1x64xf32> to vector<64xf32>
    %slice3A_467 = vector.extract_strided_slice %add3A_458 {offsets = [0, 0], sizes = [1024, 8], strides = [1, 1]} : vector<1024x64xf32> to vector<1024x8xf32>
    %slice3A_468 = vector.extract_strided_slice %add3A_458 {offsets = [0, 8], sizes = [1024, 8], strides = [1, 1]} : vector<1024x64xf32> to vector<1024x8xf32>
    %add3A_469 = arith.addf %slice3A_467, %slice3A_468 : vector<1024x8xf32>
    %slice3A_470 = vector.extract_strided_slice %add3A_458 {offsets = [0, 16], sizes = [1024, 8], strides = [1, 1]} : vector<1024x64xf32> to vector<1024x8xf32>
    %add3A_471 = arith.addf %add3A_469, %slice3A_470 : vector<1024x8xf32>
    %slice3A_472 = vector.extract_strided_slice %add3A_458 {offsets = [0, 24], sizes = [1024, 8], strides = [1, 1]} : vector<1024x64xf32> to vector<1024x8xf32>
    %add3A_473 = arith.addf %add3A_471, %slice3A_472 : vector<1024x8xf32>
    %slice3A_474 = vector.extract_strided_slice %add3A_458 {offsets = [0, 32], sizes = [1024, 8], strides = [1, 1]} : vector<1024x64xf32> to vector<1024x8xf32>
    %add3A_475 = arith.addf %add3A_473, %slice3A_474 : vector<1024x8xf32>
    %slice3A_476 = vector.extract_strided_slice %add3A_458 {offsets = [0, 40], sizes = [1024, 8], strides = [1, 1]} : vector<1024x64xf32> to vector<1024x8xf32>
    %add3A_477 = arith.addf %add3A_475, %slice3A_476 : vector<1024x8xf32>
    %slice3A_478 = vector.extract_strided_slice %add3A_458 {offsets = [0, 48], sizes = [1024, 8], strides = [1, 1]} : vector<1024x64xf32> to vector<1024x8xf32>
    %add3A_479 = arith.addf %add3A_477, %slice3A_478 : vector<1024x8xf32>
    %slice3A_480 = vector.extract_strided_slice %add3A_458 {offsets = [0, 56], sizes = [1024, 8], strides = [1, 1]} : vector<1024x64xf32> to vector<1024x8xf32>
    %add3A_481 = arith.addf %add3A_479, %slice3A_480 : vector<1024x8xf32>
    %slice3A_482 = vector.extract_strided_slice %add3A_481 {offsets = [0, 0], sizes = [1024, 4], strides = [1, 1]} : vector<1024x8xf32> to vector<1024x4xf32>
    %slice3A_483 = vector.extract_strided_slice %add3A_481 {offsets = [0, 4], sizes = [1024, 4], strides = [1, 1]} : vector<1024x8xf32> to vector<1024x4xf32>
    %add3A_484 = arith.addf %slice3A_482, %slice3A_483 : vector<1024x4xf32>
    %slice3A_485 = vector.extract_strided_slice %add3A_484 {offsets = [0, 0], sizes = [1024, 2], strides = [1, 1]} : vector<1024x4xf32> to vector<1024x2xf32>
    %slice3A_486 = vector.extract_strided_slice %add3A_484 {offsets = [0, 2], sizes = [1024, 2], strides = [1, 1]} : vector<1024x4xf32> to vector<1024x2xf32>
    %add3A_487 = arith.addf %slice3A_485, %slice3A_486 : vector<1024x2xf32>
    %slice3A_488 = vector.extract_strided_slice %add3A_487 {offsets = [0, 0], sizes = [1024, 1], strides = [1, 1]} : vector<1024x2xf32> to vector<1024x1xf32>
    %slice3A_489 = vector.extract_strided_slice %add3A_487 {offsets = [0, 1], sizes = [1024, 1], strides = [1, 1]} : vector<1024x2xf32> to vector<1024x1xf32>
    %add3A_490 = arith.addf %slice3A_488, %slice3A_489 : vector<1024x1xf32>
    %div3A_491 = arith.constant 6.400000e+01 : f32
    %div3A_492 = vector.broadcast %div3A_491 : f32 to vector<1024x1xf32>
    %div3A_493 = arith.divf %add3A_490, %div3A_492 : vector<1024x1xf32>
    %sub3A_494 = vector.broadcast %div3A_493 : vector<1024x1xf32> to vector<1024x64xf32>
    %sub3A_495 = arith.subf %add3A_458, %sub3A_494 : vector<1024x64xf32>
    %mul3A_496 = arith.mulf %sub3A_495, %sub3A_495 : vector<1024x64xf32>
    %slice3A_497 = vector.extract_strided_slice %mul3A_496 {offsets = [0, 0], sizes = [1024, 8], strides = [1, 1]} : vector<1024x64xf32> to vector<1024x8xf32>
    %slice3A_498 = vector.extract_strided_slice %mul3A_496 {offsets = [0, 8], sizes = [1024, 8], strides = [1, 1]} : vector<1024x64xf32> to vector<1024x8xf32>
    %add3A_499 = arith.addf %slice3A_497, %slice3A_498 : vector<1024x8xf32>
    %slice3A_500 = vector.extract_strided_slice %mul3A_496 {offsets = [0, 16], sizes = [1024, 8], strides = [1, 1]} : vector<1024x64xf32> to vector<1024x8xf32>
    %add3A_501 = arith.addf %add3A_499, %slice3A_500 : vector<1024x8xf32>
    %slice3A_502 = vector.extract_strided_slice %mul3A_496 {offsets = [0, 24], sizes = [1024, 8], strides = [1, 1]} : vector<1024x64xf32> to vector<1024x8xf32>
    %add3A_503 = arith.addf %add3A_501, %slice3A_502 : vector<1024x8xf32>
    %slice3A_504 = vector.extract_strided_slice %mul3A_496 {offsets = [0, 32], sizes = [1024, 8], strides = [1, 1]} : vector<1024x64xf32> to vector<1024x8xf32>
    %add3A_505 = arith.addf %add3A_503, %slice3A_504 : vector<1024x8xf32>
    %slice3A_506 = vector.extract_strided_slice %mul3A_496 {offsets = [0, 40], sizes = [1024, 8], strides = [1, 1]} : vector<1024x64xf32> to vector<1024x8xf32>
    %add3A_507 = arith.addf %add3A_505, %slice3A_506 : vector<1024x8xf32>
    %slice3A_508 = vector.extract_strided_slice %mul3A_496 {offsets = [0, 48], sizes = [1024, 8], strides = [1, 1]} : vector<1024x64xf32> to vector<1024x8xf32>
    %add3A_509 = arith.addf %add3A_507, %slice3A_508 : vector<1024x8xf32>
    %slice3A_510 = vector.extract_strided_slice %mul3A_496 {offsets = [0, 56], sizes = [1024, 8], strides = [1, 1]} : vector<1024x64xf32> to vector<1024x8xf32>
    %add3A_511 = arith.addf %add3A_509, %slice3A_510 : vector<1024x8xf32>
    %slice3A_512 = vector.extract_strided_slice %add3A_511 {offsets = [0, 0], sizes = [1024, 4], strides = [1, 1]} : vector<1024x8xf32> to vector<1024x4xf32>
    %slice3A_513 = vector.extract_strided_slice %add3A_511 {offsets = [0, 4], sizes = [1024, 4], strides = [1, 1]} : vector<1024x8xf32> to vector<1024x4xf32>
    %add3A_514 = arith.addf %slice3A_512, %slice3A_513 : vector<1024x4xf32>
    %slice3A_515 = vector.extract_strided_slice %add3A_514 {offsets = [0, 0], sizes = [1024, 2], strides = [1, 1]} : vector<1024x4xf32> to vector<1024x2xf32>
    %slice3A_516 = vector.extract_strided_slice %add3A_514 {offsets = [0, 2], sizes = [1024, 2], strides = [1, 1]} : vector<1024x4xf32> to vector<1024x2xf32>
    %add3A_517 = arith.addf %slice3A_515, %slice3A_516 : vector<1024x2xf32>
    %slice3A_518 = vector.extract_strided_slice %add3A_517 {offsets = [0, 0], sizes = [1024, 1], strides = [1, 1]} : vector<1024x2xf32> to vector<1024x1xf32>
    %slice3A_519 = vector.extract_strided_slice %add3A_517 {offsets = [0, 1], sizes = [1024, 1], strides = [1, 1]} : vector<1024x2xf32> to vector<1024x1xf32>
    %add3A_520 = arith.addf %slice3A_518, %slice3A_519 : vector<1024x1xf32>
    %div3A_521 = arith.constant 6.400000e+01 : f32
    %div3A_522 = vector.broadcast %div3A_521 : f32 to vector<1024x1xf32>
    %div3A_523 = arith.divf %add3A_520, %div3A_522 : vector<1024x1xf32>
    %add3A_524 = arith.constant 9.99999974E-6 : f32
    %add3A_525 = vector.broadcast %add3A_524 : f32 to vector<1024x1xf32>
    %add3A_526 = arith.addf %div3A_523, %add3A_525 : vector<1024x1xf32>
    %sqrt3A_527 = math.sqrt %add3A_526 : vector<1024x1xf32>
    %div3A_528 = vector.broadcast %sqrt3A_527 : vector<1024x1xf32> to vector<1024x64xf32>
    %div3A_529 = arith.divf %sub3A_495, %div3A_528 : vector<1024x64xf32>
    %broadcast_in_dim3A_530 = vector.shape_cast %get3A_462 : vector<64xf32> to vector<1x64xf32>
    %mul3A_531 = vector.broadcast %broadcast_in_dim3A_530 : vector<1x64xf32> to vector<1024x64xf32>
    %mul3A_532 = arith.mulf %div3A_529, %mul3A_531 : vector<1024x64xf32>
    %broadcast_in_dim3A_533 = vector.shape_cast %get3A_466 : vector<64xf32> to vector<1x64xf32>
    %add3A_534 = vector.broadcast %broadcast_in_dim3A_533 : vector<1x64xf32> to vector<1024x64xf32>
    %add3A_535 = arith.addf %mul3A_532, %add3A_534 : vector<1024x64xf32>
    %get3A_536 = arith.constant 1 : index
    %get3A_537 = arith.constant 0 : index
    %get3A_538 = arith.constant 0 : index
    %get3A_539 = vector.load %arg2[%get3A_536, %get3A_537, %get3A_538] : memref<2x64x64xf32, #tpu.memory_space<vmem>>, vector<1x64x64xf32>
    %get3A_540 = vector.shape_cast %get3A_539 : vector<1x64x64xf32> to vector<64x64xf32>
    %dot_general3A_541 = arith.constant dense<0.000000e+00> : vector<1024x64xf32>
    %dot_general3A_542 = tpu.matmul %add3A_535, %get3A_540, %dot_general3A_541 {dimension_numbers = #tpu.dot_dimension_numbers<[1], [0], [0], [1], [0, 0, 1, 1], [], []>, transpose_lhs_hint = false} : vector<1024x64xf32>, vector<64x64xf32>, vector<1024x64xf32> -> vector<1024x64xf32>
    %get3A_543 = arith.constant 1 : index
    %get3A_544 = arith.constant 0 : index
    %get3A_545 = vector.load %arg3[%get3A_543, %get3A_544] : memref<2x64xf32, #tpu.memory_space<vmem>>, vector<1x64xf32>
    %get3A_546 = vector.shape_cast %get3A_545 : vector<1x64xf32> to vector<64xf32>
    %broadcast_in_dim3A_547 = vector.shape_cast %get3A_546 : vector<64xf32> to vector<1x64xf32>
    %add3A_548 = vector.broadcast %broadcast_in_dim3A_547 : vector<1x64xf32> to vector<1024x64xf32>
    %add3A_549 = arith.addf %dot_general3A_542, %add3A_548 : vector<1024x64xf32>
    %get3A_550 = arith.constant 1 : index
    %get3A_551 = arith.constant 0 : index
    %get3A_552 = arith.constant 0 : index
    %get3A_553 = vector.load %arg4[%get3A_550, %get3A_551, %get3A_552] : memref<2x64x64xf32, #tpu.memory_space<vmem>>, vector<1x64x64xf32>
    %get3A_554 = vector.shape_cast %get3A_553 : vector<1x64x64xf32> to vector<64x64xf32>
    %dot_general3A_555 = arith.constant dense<0.000000e+00> : vector<1024x64xf32>
    %dot_general3A_556 = tpu.matmul %add3A_535, %get3A_554, %dot_general3A_555 {dimension_numbers = #tpu.dot_dimension_numbers<[1], [0], [0], [1], [0, 0, 1, 1], [], []>, transpose_lhs_hint = false} : vector<1024x64xf32>, vector<64x64xf32>, vector<1024x64xf32> -> vector<1024x64xf32>
    %get3A_557 = arith.constant 1 : index
    %get3A_558 = arith.constant 0 : index
    %get3A_559 = vector.load %arg5[%get3A_557, %get3A_558] : memref<2x64xf32, #tpu.memory_space<vmem>>, vector<1x64xf32>
    %get3A_560 = vector.shape_cast %get3A_559 : vector<1x64xf32> to vector<64xf32>
    %broadcast_in_dim3A_561 = vector.shape_cast %get3A_560 : vector<64xf32> to vector<1x64xf32>
    %add3A_562 = vector.broadcast %broadcast_in_dim3A_561 : vector<1x64xf32> to vector<1024x64xf32>
    %add3A_563 = arith.addf %dot_general3A_556, %add3A_562 : vector<1024x64xf32>
    %get3A_564 = arith.constant 1 : index
    %get3A_565 = arith.constant 0 : index
    %get3A_566 = arith.constant 0 : index
    %get3A_567 = vector.load %arg6[%get3A_564, %get3A_565, %get3A_566] : memref<2x64x64xf32, #tpu.memory_space<vmem>>, vector<1x64x64xf32>
    %get3A_568 = vector.shape_cast %get3A_567 : vector<1x64x64xf32> to vector<64x64xf32>
    %dot_general3A_569 = arith.constant dense<0.000000e+00> : vector<1024x64xf32>
    %dot_general3A_570 = tpu.matmul %add3A_535, %get3A_568, %dot_general3A_569 {dimension_numbers = #tpu.dot_dimension_numbers<[1], [0], [0], [1], [0, 0, 1, 1], [], []>, transpose_lhs_hint = false} : vector<1024x64xf32>, vector<64x64xf32>, vector<1024x64xf32> -> vector<1024x64xf32>
    %get3A_571 = arith.constant 1 : index
    %get3A_572 = arith.constant 0 : index
    %get3A_573 = vector.load %arg7[%get3A_571, %get3A_572] : memref<2x64xf32, #tpu.memory_space<vmem>>, vector<1x64xf32>
    %get3A_574 = vector.shape_cast %get3A_573 : vector<1x64xf32> to vector<64xf32>
    %broadcast_in_dim3A_575 = vector.shape_cast %get3A_574 : vector<64xf32> to vector<1x64xf32>
    %add3A_576 = vector.broadcast %broadcast_in_dim3A_575 : vector<1x64xf32> to vector<1024x64xf32>
    %add3A_577 = arith.addf %dot_general3A_570, %add3A_576 : vector<1024x64xf32>
    %slice3A_578 = vector.extract_strided_slice %add3A_549 {offsets = [0, 0], sizes = [1024, 16], strides = [1, 1]} : vector<1024x64xf32> to vector<1024x16xf32>
    %slice3A_579 = vector.extract_strided_slice %add3A_563 {offsets = [0, 0], sizes = [1024, 16], strides = [1, 1]} : vector<1024x64xf32> to vector<1024x16xf32>
    %dot_general3A_580 = arith.constant dense<0.000000e+00> : vector<1024x1024xf32>
    %dot_general3A_581 = tpu.matmul %slice3A_578, %slice3A_579, %dot_general3A_580 {dimension_numbers = #tpu.dot_dimension_numbers<[1], [1], [0], [0], [0, 0, 1, 0], [], []>, transpose_lhs_hint = false} : vector<1024x16xf32>, vector<1024x16xf32>, vector<1024x1024xf32> -> vector<1024x1024xf32>
    %mul3A_582 = vector.broadcast %div3A_5 : f32 to vector<1024x1024xf32>
    %mul3A_583 = arith.mulf %dot_general3A_581, %mul3A_582 : vector<1024x1024xf32>
    %reduce_max3A_584 = arith.constant dense<0xFF800000> : vector<1024xf32>
    %reduce_max3A_585 = vector.multi_reduction <maximumf>, %mul3A_583, %reduce_max3A_584 [1] : vector<1024x1024xf32> to vector<1024xf32>
    %broadcast_in_dim3A_586 = vector.shape_cast %reduce_max3A_585 : vector<1024xf32> to vector<1024x1xf32>
    %sub3A_587 = vector.broadcast %broadcast_in_dim3A_586 : vector<1024x1xf32> to vector<1024x1024xf32>
    %sub3A_588 = arith.subf %mul3A_583, %sub3A_587 : vector<1024x1024xf32>
    %exp3A_589 = math.exp %sub3A_588 : vector<1024x1024xf32>
    %slice3A_590 = vector.extract_strided_slice %exp3A_589 {offsets = [0, 0], sizes = [1024, 128], strides = [1, 1]} : vector<1024x1024xf32> to vector<1024x128xf32>
    %slice3A_591 = vector.extract_strided_slice %exp3A_589 {offsets = [0, 128], sizes = [1024, 128], strides = [1, 1]} : vector<1024x1024xf32> to vector<1024x128xf32>
    %add3A_592 = arith.addf %slice3A_590, %slice3A_591 : vector<1024x128xf32>
    %slice3A_593 = vector.extract_strided_slice %exp3A_589 {offsets = [0, 256], sizes = [1024, 128], strides = [1, 1]} : vector<1024x1024xf32> to vector<1024x128xf32>
    %add3A_594 = arith.addf %add3A_592, %slice3A_593 : vector<1024x128xf32>
    %slice3A_595 = vector.extract_strided_slice %exp3A_589 {offsets = [0, 384], sizes = [1024, 128], strides = [1, 1]} : vector<1024x1024xf32> to vector<1024x128xf32>
    %add3A_596 = arith.addf %add3A_594, %slice3A_595 : vector<1024x128xf32>
    %slice3A_597 = vector.extract_strided_slice %exp3A_589 {offsets = [0, 512], sizes = [1024, 128], strides = [1, 1]} : vector<1024x1024xf32> to vector<1024x128xf32>
    %add3A_598 = arith.addf %add3A_596, %slice3A_597 : vector<1024x128xf32>
    %slice3A_599 = vector.extract_strided_slice %exp3A_589 {offsets = [0, 640], sizes = [1024, 128], strides = [1, 1]} : vector<1024x1024xf32> to vector<1024x128xf32>
    %add3A_600 = arith.addf %add3A_598, %slice3A_599 : vector<1024x128xf32>
    %slice3A_601 = vector.extract_strided_slice %exp3A_589 {offsets = [0, 768], sizes = [1024, 128], strides = [1, 1]} : vector<1024x1024xf32> to vector<1024x128xf32>
    %add3A_602 = arith.addf %add3A_600, %slice3A_601 : vector<1024x128xf32>
    %slice3A_603 = vector.extract_strided_slice %exp3A_589 {offsets = [0, 896], sizes = [1024, 128], strides = [1, 1]} : vector<1024x1024xf32> to vector<1024x128xf32>
    %add3A_604 = arith.addf %add3A_602, %slice3A_603 : vector<1024x128xf32>
    %slice3A_605 = vector.extract_strided_slice %add3A_604 {offsets = [0, 0], sizes = [1024, 8], strides = [1, 1]} : vector<1024x128xf32> to vector<1024x8xf32>
    %slice3A_606 = vector.extract_strided_slice %add3A_604 {offsets = [0, 8], sizes = [1024, 8], strides = [1, 1]} : vector<1024x128xf32> to vector<1024x8xf32>
    %add3A_607 = arith.addf %slice3A_605, %slice3A_606 : vector<1024x8xf32>
    %slice3A_608 = vector.extract_strided_slice %add3A_604 {offsets = [0, 16], sizes = [1024, 8], strides = [1, 1]} : vector<1024x128xf32> to vector<1024x8xf32>
    %add3A_609 = arith.addf %add3A_607, %slice3A_608 : vector<1024x8xf32>
    %slice3A_610 = vector.extract_strided_slice %add3A_604 {offsets = [0, 24], sizes = [1024, 8], strides = [1, 1]} : vector<1024x128xf32> to vector<1024x8xf32>
    %add3A_611 = arith.addf %add3A_609, %slice3A_610 : vector<1024x8xf32>
    %slice3A_612 = vector.extract_strided_slice %add3A_604 {offsets = [0, 32], sizes = [1024, 8], strides = [1, 1]} : vector<1024x128xf32> to vector<1024x8xf32>
    %add3A_613 = arith.addf %add3A_611, %slice3A_612 : vector<1024x8xf32>
    %slice3A_614 = vector.extract_strided_slice %add3A_604 {offsets = [0, 40], sizes = [1024, 8], strides = [1, 1]} : vector<1024x128xf32> to vector<1024x8xf32>
    %add3A_615 = arith.addf %add3A_613, %slice3A_614 : vector<1024x8xf32>
    %slice3A_616 = vector.extract_strided_slice %add3A_604 {offsets = [0, 48], sizes = [1024, 8], strides = [1, 1]} : vector<1024x128xf32> to vector<1024x8xf32>
    %add3A_617 = arith.addf %add3A_615, %slice3A_616 : vector<1024x8xf32>
    %slice3A_618 = vector.extract_strided_slice %add3A_604 {offsets = [0, 56], sizes = [1024, 8], strides = [1, 1]} : vector<1024x128xf32> to vector<1024x8xf32>
    %add3A_619 = arith.addf %add3A_617, %slice3A_618 : vector<1024x8xf32>
    %slice3A_620 = vector.extract_strided_slice %add3A_604 {offsets = [0, 64], sizes = [1024, 8], strides = [1, 1]} : vector<1024x128xf32> to vector<1024x8xf32>
    %add3A_621 = arith.addf %add3A_619, %slice3A_620 : vector<1024x8xf32>
    %slice3A_622 = vector.extract_strided_slice %add3A_604 {offsets = [0, 72], sizes = [1024, 8], strides = [1, 1]} : vector<1024x128xf32> to vector<1024x8xf32>
    %add3A_623 = arith.addf %add3A_621, %slice3A_622 : vector<1024x8xf32>
    %slice3A_624 = vector.extract_strided_slice %add3A_604 {offsets = [0, 80], sizes = [1024, 8], strides = [1, 1]} : vector<1024x128xf32> to vector<1024x8xf32>
    %add3A_625 = arith.addf %add3A_623, %slice3A_624 : vector<1024x8xf32>
    %slice3A_626 = vector.extract_strided_slice %add3A_604 {offsets = [0, 88], sizes = [1024, 8], strides = [1, 1]} : vector<1024x128xf32> to vector<1024x8xf32>
    %add3A_627 = arith.addf %add3A_625, %slice3A_626 : vector<1024x8xf32>
    %slice3A_628 = vector.extract_strided_slice %add3A_604 {offsets = [0, 96], sizes = [1024, 8], strides = [1, 1]} : vector<1024x128xf32> to vector<1024x8xf32>
    %add3A_629 = arith.addf %add3A_627, %slice3A_628 : vector<1024x8xf32>
    %slice3A_630 = vector.extract_strided_slice %add3A_604 {offsets = [0, 104], sizes = [1024, 8], strides = [1, 1]} : vector<1024x128xf32> to vector<1024x8xf32>
    %add3A_631 = arith.addf %add3A_629, %slice3A_630 : vector<1024x8xf32>
    %slice3A_632 = vector.extract_strided_slice %add3A_604 {offsets = [0, 112], sizes = [1024, 8], strides = [1, 1]} : vector<1024x128xf32> to vector<1024x8xf32>
    %add3A_633 = arith.addf %add3A_631, %slice3A_632 : vector<1024x8xf32>
    %slice3A_634 = vector.extract_strided_slice %add3A_604 {offsets = [0, 120], sizes = [1024, 8], strides = [1, 1]} : vector<1024x128xf32> to vector<1024x8xf32>
    %add3A_635 = arith.addf %add3A_633, %slice3A_634 : vector<1024x8xf32>
    %slice3A_636 = vector.extract_strided_slice %add3A_635 {offsets = [0, 0], sizes = [1024, 4], strides = [1, 1]} : vector<1024x8xf32> to vector<1024x4xf32>
    %slice3A_637 = vector.extract_strided_slice %add3A_635 {offsets = [0, 4], sizes = [1024, 4], strides = [1, 1]} : vector<1024x8xf32> to vector<1024x4xf32>
    %add3A_638 = arith.addf %slice3A_636, %slice3A_637 : vector<1024x4xf32>
    %slice3A_639 = vector.extract_strided_slice %add3A_638 {offsets = [0, 0], sizes = [1024, 2], strides = [1, 1]} : vector<1024x4xf32> to vector<1024x2xf32>
    %slice3A_640 = vector.extract_strided_slice %add3A_638 {offsets = [0, 2], sizes = [1024, 2], strides = [1, 1]} : vector<1024x4xf32> to vector<1024x2xf32>
    %add3A_641 = arith.addf %slice3A_639, %slice3A_640 : vector<1024x2xf32>
    %slice3A_642 = vector.extract_strided_slice %add3A_641 {offsets = [0, 0], sizes = [1024, 1], strides = [1, 1]} : vector<1024x2xf32> to vector<1024x1xf32>
    %slice3A_643 = vector.extract_strided_slice %add3A_641 {offsets = [0, 1], sizes = [1024, 1], strides = [1, 1]} : vector<1024x2xf32> to vector<1024x1xf32>
    %add3A_644 = arith.addf %slice3A_642, %slice3A_643 : vector<1024x1xf32>
    %div3A_645 = vector.broadcast %add3A_644 : vector<1024x1xf32> to vector<1024x1024xf32>
    %div3A_646 = arith.divf %exp3A_589, %div3A_645 : vector<1024x1024xf32>
    %slice3A_647 = vector.extract_strided_slice %add3A_577 {offsets = [0, 0], sizes = [1024, 16], strides = [1, 1]} : vector<1024x64xf32> to vector<1024x16xf32>
    %dot_general3A_648 = arith.constant dense<0.000000e+00> : vector<1024x16xf32>
    %dot_general3A_649 = tpu.matmul %div3A_646, %slice3A_647, %dot_general3A_648 {dimension_numbers = #tpu.dot_dimension_numbers<[1], [0], [0], [1], [0, 0, 1, 1], [], []>, transpose_lhs_hint = false} : vector<1024x1024xf32>, vector<1024x16xf32>, vector<1024x16xf32> -> vector<1024x16xf32>
    %slice3A_650 = vector.extract_strided_slice %add3A_549 {offsets = [0, 16], sizes = [1024, 16], strides = [1, 1]} : vector<1024x64xf32> to vector<1024x16xf32>
    %slice3A_651 = vector.extract_strided_slice %add3A_563 {offsets = [0, 16], sizes = [1024, 16], strides = [1, 1]} : vector<1024x64xf32> to vector<1024x16xf32>
    %dot_general3A_652 = arith.constant dense<0.000000e+00> : vector<1024x1024xf32>
    %dot_general3A_653 = tpu.matmul %slice3A_650, %slice3A_651, %dot_general3A_652 {dimension_numbers = #tpu.dot_dimension_numbers<[1], [1], [0], [0], [0, 0, 1, 0], [], []>, transpose_lhs_hint = false} : vector<1024x16xf32>, vector<1024x16xf32>, vector<1024x1024xf32> -> vector<1024x1024xf32>
    %mul3A_654 = vector.broadcast %div3A_5 : f32 to vector<1024x1024xf32>
    %mul3A_655 = arith.mulf %dot_general3A_653, %mul3A_654 : vector<1024x1024xf32>
    %reduce_max3A_656 = arith.constant dense<0xFF800000> : vector<1024xf32>
    %reduce_max3A_657 = vector.multi_reduction <maximumf>, %mul3A_655, %reduce_max3A_656 [1] : vector<1024x1024xf32> to vector<1024xf32>
    %broadcast_in_dim3A_658 = vector.shape_cast %reduce_max3A_657 : vector<1024xf32> to vector<1024x1xf32>
    %sub3A_659 = vector.broadcast %broadcast_in_dim3A_658 : vector<1024x1xf32> to vector<1024x1024xf32>
    %sub3A_660 = arith.subf %mul3A_655, %sub3A_659 : vector<1024x1024xf32>
    %exp3A_661 = math.exp %sub3A_660 : vector<1024x1024xf32>
    %slice3A_662 = vector.extract_strided_slice %exp3A_661 {offsets = [0, 0], sizes = [1024, 128], strides = [1, 1]} : vector<1024x1024xf32> to vector<1024x128xf32>
    %slice3A_663 = vector.extract_strided_slice %exp3A_661 {offsets = [0, 128], sizes = [1024, 128], strides = [1, 1]} : vector<1024x1024xf32> to vector<1024x128xf32>
    %add3A_664 = arith.addf %slice3A_662, %slice3A_663 : vector<1024x128xf32>
    %slice3A_665 = vector.extract_strided_slice %exp3A_661 {offsets = [0, 256], sizes = [1024, 128], strides = [1, 1]} : vector<1024x1024xf32> to vector<1024x128xf32>
    %add3A_666 = arith.addf %add3A_664, %slice3A_665 : vector<1024x128xf32>
    %slice3A_667 = vector.extract_strided_slice %exp3A_661 {offsets = [0, 384], sizes = [1024, 128], strides = [1, 1]} : vector<1024x1024xf32> to vector<1024x128xf32>
    %add3A_668 = arith.addf %add3A_666, %slice3A_667 : vector<1024x128xf32>
    %slice3A_669 = vector.extract_strided_slice %exp3A_661 {offsets = [0, 512], sizes = [1024, 128], strides = [1, 1]} : vector<1024x1024xf32> to vector<1024x128xf32>
    %add3A_670 = arith.addf %add3A_668, %slice3A_669 : vector<1024x128xf32>
    %slice3A_671 = vector.extract_strided_slice %exp3A_661 {offsets = [0, 640], sizes = [1024, 128], strides = [1, 1]} : vector<1024x1024xf32> to vector<1024x128xf32>
    %add3A_672 = arith.addf %add3A_670, %slice3A_671 : vector<1024x128xf32>
    %slice3A_673 = vector.extract_strided_slice %exp3A_661 {offsets = [0, 768], sizes = [1024, 128], strides = [1, 1]} : vector<1024x1024xf32> to vector<1024x128xf32>
    %add3A_674 = arith.addf %add3A_672, %slice3A_673 : vector<1024x128xf32>
    %slice3A_675 = vector.extract_strided_slice %exp3A_661 {offsets = [0, 896], sizes = [1024, 128], strides = [1, 1]} : vector<1024x1024xf32> to vector<1024x128xf32>
    %add3A_676 = arith.addf %add3A_674, %slice3A_675 : vector<1024x128xf32>
    %slice3A_677 = vector.extract_strided_slice %add3A_676 {offsets = [0, 0], sizes = [1024, 8], strides = [1, 1]} : vector<1024x128xf32> to vector<1024x8xf32>
    %slice3A_678 = vector.extract_strided_slice %add3A_676 {offsets = [0, 8], sizes = [1024, 8], strides = [1, 1]} : vector<1024x128xf32> to vector<1024x8xf32>
    %add3A_679 = arith.addf %slice3A_677, %slice3A_678 : vector<1024x8xf32>
    %slice3A_680 = vector.extract_strided_slice %add3A_676 {offsets = [0, 16], sizes = [1024, 8], strides = [1, 1]} : vector<1024x128xf32> to vector<1024x8xf32>
    %add3A_681 = arith.addf %add3A_679, %slice3A_680 : vector<1024x8xf32>
    %slice3A_682 = vector.extract_strided_slice %add3A_676 {offsets = [0, 24], sizes = [1024, 8], strides = [1, 1]} : vector<1024x128xf32> to vector<1024x8xf32>
    %add3A_683 = arith.addf %add3A_681, %slice3A_682 : vector<1024x8xf32>
    %slice3A_684 = vector.extract_strided_slice %add3A_676 {offsets = [0, 32], sizes = [1024, 8], strides = [1, 1]} : vector<1024x128xf32> to vector<1024x8xf32>
    %add3A_685 = arith.addf %add3A_683, %slice3A_684 : vector<1024x8xf32>
    %slice3A_686 = vector.extract_strided_slice %add3A_676 {offsets = [0, 40], sizes = [1024, 8], strides = [1, 1]} : vector<1024x128xf32> to vector<1024x8xf32>
    %add3A_687 = arith.addf %add3A_685, %slice3A_686 : vector<1024x8xf32>
    %slice3A_688 = vector.extract_strided_slice %add3A_676 {offsets = [0, 48], sizes = [1024, 8], strides = [1, 1]} : vector<1024x128xf32> to vector<1024x8xf32>
    %add3A_689 = arith.addf %add3A_687, %slice3A_688 : vector<1024x8xf32>
    %slice3A_690 = vector.extract_strided_slice %add3A_676 {offsets = [0, 56], sizes = [1024, 8], strides = [1, 1]} : vector<1024x128xf32> to vector<1024x8xf32>
    %add3A_691 = arith.addf %add3A_689, %slice3A_690 : vector<1024x8xf32>
    %slice3A_692 = vector.extract_strided_slice %add3A_676 {offsets = [0, 64], sizes = [1024, 8], strides = [1, 1]} : vector<1024x128xf32> to vector<1024x8xf32>
    %add3A_693 = arith.addf %add3A_691, %slice3A_692 : vector<1024x8xf32>
    %slice3A_694 = vector.extract_strided_slice %add3A_676 {offsets = [0, 72], sizes = [1024, 8], strides = [1, 1]} : vector<1024x128xf32> to vector<1024x8xf32>
    %add3A_695 = arith.addf %add3A_693, %slice3A_694 : vector<1024x8xf32>
    %slice3A_696 = vector.extract_strided_slice %add3A_676 {offsets = [0, 80], sizes = [1024, 8], strides = [1, 1]} : vector<1024x128xf32> to vector<1024x8xf32>
    %add3A_697 = arith.addf %add3A_695, %slice3A_696 : vector<1024x8xf32>
    %slice3A_698 = vector.extract_strided_slice %add3A_676 {offsets = [0, 88], sizes = [1024, 8], strides = [1, 1]} : vector<1024x128xf32> to vector<1024x8xf32>
    %add3A_699 = arith.addf %add3A_697, %slice3A_698 : vector<1024x8xf32>
    %slice3A_700 = vector.extract_strided_slice %add3A_676 {offsets = [0, 96], sizes = [1024, 8], strides = [1, 1]} : vector<1024x128xf32> to vector<1024x8xf32>
    %add3A_701 = arith.addf %add3A_699, %slice3A_700 : vector<1024x8xf32>
    %slice3A_702 = vector.extract_strided_slice %add3A_676 {offsets = [0, 104], sizes = [1024, 8], strides = [1, 1]} : vector<1024x128xf32> to vector<1024x8xf32>
    %add3A_703 = arith.addf %add3A_701, %slice3A_702 : vector<1024x8xf32>
    %slice3A_704 = vector.extract_strided_slice %add3A_676 {offsets = [0, 112], sizes = [1024, 8], strides = [1, 1]} : vector<1024x128xf32> to vector<1024x8xf32>
    %add3A_705 = arith.addf %add3A_703, %slice3A_704 : vector<1024x8xf32>
    %slice3A_706 = vector.extract_strided_slice %add3A_676 {offsets = [0, 120], sizes = [1024, 8], strides = [1, 1]} : vector<1024x128xf32> to vector<1024x8xf32>
    %add3A_707 = arith.addf %add3A_705, %slice3A_706 : vector<1024x8xf32>
    %slice3A_708 = vector.extract_strided_slice %add3A_707 {offsets = [0, 0], sizes = [1024, 4], strides = [1, 1]} : vector<1024x8xf32> to vector<1024x4xf32>
    %slice3A_709 = vector.extract_strided_slice %add3A_707 {offsets = [0, 4], sizes = [1024, 4], strides = [1, 1]} : vector<1024x8xf32> to vector<1024x4xf32>
    %add3A_710 = arith.addf %slice3A_708, %slice3A_709 : vector<1024x4xf32>
    %slice3A_711 = vector.extract_strided_slice %add3A_710 {offsets = [0, 0], sizes = [1024, 2], strides = [1, 1]} : vector<1024x4xf32> to vector<1024x2xf32>
    %slice3A_712 = vector.extract_strided_slice %add3A_710 {offsets = [0, 2], sizes = [1024, 2], strides = [1, 1]} : vector<1024x4xf32> to vector<1024x2xf32>
    %add3A_713 = arith.addf %slice3A_711, %slice3A_712 : vector<1024x2xf32>
    %slice3A_714 = vector.extract_strided_slice %add3A_713 {offsets = [0, 0], sizes = [1024, 1], strides = [1, 1]} : vector<1024x2xf32> to vector<1024x1xf32>
    %slice3A_715 = vector.extract_strided_slice %add3A_713 {offsets = [0, 1], sizes = [1024, 1], strides = [1, 1]} : vector<1024x2xf32> to vector<1024x1xf32>
    %add3A_716 = arith.addf %slice3A_714, %slice3A_715 : vector<1024x1xf32>
    %div3A_717 = vector.broadcast %add3A_716 : vector<1024x1xf32> to vector<1024x1024xf32>
    %div3A_718 = arith.divf %exp3A_661, %div3A_717 : vector<1024x1024xf32>
    %slice3A_719 = vector.extract_strided_slice %add3A_577 {offsets = [0, 16], sizes = [1024, 16], strides = [1, 1]} : vector<1024x64xf32> to vector<1024x16xf32>
    %dot_general3A_720 = arith.constant dense<0.000000e+00> : vector<1024x16xf32>
    %dot_general3A_721 = tpu.matmul %div3A_718, %slice3A_719, %dot_general3A_720 {dimension_numbers = #tpu.dot_dimension_numbers<[1], [0], [0], [1], [0, 0, 1, 1], [], []>, transpose_lhs_hint = false} : vector<1024x1024xf32>, vector<1024x16xf32>, vector<1024x16xf32> -> vector<1024x16xf32>
    %slice3A_722 = vector.extract_strided_slice %add3A_549 {offsets = [0, 32], sizes = [1024, 16], strides = [1, 1]} : vector<1024x64xf32> to vector<1024x16xf32>
    %slice3A_723 = vector.extract_strided_slice %add3A_563 {offsets = [0, 32], sizes = [1024, 16], strides = [1, 1]} : vector<1024x64xf32> to vector<1024x16xf32>
    %dot_general3A_724 = arith.constant dense<0.000000e+00> : vector<1024x1024xf32>
    %dot_general3A_725 = tpu.matmul %slice3A_722, %slice3A_723, %dot_general3A_724 {dimension_numbers = #tpu.dot_dimension_numbers<[1], [1], [0], [0], [0, 0, 1, 0], [], []>, transpose_lhs_hint = false} : vector<1024x16xf32>, vector<1024x16xf32>, vector<1024x1024xf32> -> vector<1024x1024xf32>
    %mul3A_726 = vector.broadcast %div3A_5 : f32 to vector<1024x1024xf32>
    %mul3A_727 = arith.mulf %dot_general3A_725, %mul3A_726 : vector<1024x1024xf32>
    %reduce_max3A_728 = arith.constant dense<0xFF800000> : vector<1024xf32>
    %reduce_max3A_729 = vector.multi_reduction <maximumf>, %mul3A_727, %reduce_max3A_728 [1] : vector<1024x1024xf32> to vector<1024xf32>
    %broadcast_in_dim3A_730 = vector.shape_cast %reduce_max3A_729 : vector<1024xf32> to vector<1024x1xf32>
    %sub3A_731 = vector.broadcast %broadcast_in_dim3A_730 : vector<1024x1xf32> to vector<1024x1024xf32>
    %sub3A_732 = arith.subf %mul3A_727, %sub3A_731 : vector<1024x1024xf32>
    %exp3A_733 = math.exp %sub3A_732 : vector<1024x1024xf32>
    %slice3A_734 = vector.extract_strided_slice %exp3A_733 {offsets = [0, 0], sizes = [1024, 128], strides = [1, 1]} : vector<1024x1024xf32> to vector<1024x128xf32>
    %slice3A_735 = vector.extract_strided_slice %exp3A_733 {offsets = [0, 128], sizes = [1024, 128], strides = [1, 1]} : vector<1024x1024xf32> to vector<1024x128xf32>
    %add3A_736 = arith.addf %slice3A_734, %slice3A_735 : vector<1024x128xf32>
    %slice3A_737 = vector.extract_strided_slice %exp3A_733 {offsets = [0, 256], sizes = [1024, 128], strides = [1, 1]} : vector<1024x1024xf32> to vector<1024x128xf32>
    %add3A_738 = arith.addf %add3A_736, %slice3A_737 : vector<1024x128xf32>
    %slice3A_739 = vector.extract_strided_slice %exp3A_733 {offsets = [0, 384], sizes = [1024, 128], strides = [1, 1]} : vector<1024x1024xf32> to vector<1024x128xf32>
    %add3A_740 = arith.addf %add3A_738, %slice3A_739 : vector<1024x128xf32>
    %slice3A_741 = vector.extract_strided_slice %exp3A_733 {offsets = [0, 512], sizes = [1024, 128], strides = [1, 1]} : vector<1024x1024xf32> to vector<1024x128xf32>
    %add3A_742 = arith.addf %add3A_740, %slice3A_741 : vector<1024x128xf32>
    %slice3A_743 = vector.extract_strided_slice %exp3A_733 {offsets = [0, 640], sizes = [1024, 128], strides = [1, 1]} : vector<1024x1024xf32> to vector<1024x128xf32>
    %add3A_744 = arith.addf %add3A_742, %slice3A_743 : vector<1024x128xf32>
    %slice3A_745 = vector.extract_strided_slice %exp3A_733 {offsets = [0, 768], sizes = [1024, 128], strides = [1, 1]} : vector<1024x1024xf32> to vector<1024x128xf32>
    %add3A_746 = arith.addf %add3A_744, %slice3A_745 : vector<1024x128xf32>
    %slice3A_747 = vector.extract_strided_slice %exp3A_733 {offsets = [0, 896], sizes = [1024, 128], strides = [1, 1]} : vector<1024x1024xf32> to vector<1024x128xf32>
    %add3A_748 = arith.addf %add3A_746, %slice3A_747 : vector<1024x128xf32>
    %slice3A_749 = vector.extract_strided_slice %add3A_748 {offsets = [0, 0], sizes = [1024, 8], strides = [1, 1]} : vector<1024x128xf32> to vector<1024x8xf32>
    %slice3A_750 = vector.extract_strided_slice %add3A_748 {offsets = [0, 8], sizes = [1024, 8], strides = [1, 1]} : vector<1024x128xf32> to vector<1024x8xf32>
    %add3A_751 = arith.addf %slice3A_749, %slice3A_750 : vector<1024x8xf32>
    %slice3A_752 = vector.extract_strided_slice %add3A_748 {offsets = [0, 16], sizes = [1024, 8], strides = [1, 1]} : vector<1024x128xf32> to vector<1024x8xf32>
    %add3A_753 = arith.addf %add3A_751, %slice3A_752 : vector<1024x8xf32>
    %slice3A_754 = vector.extract_strided_slice %add3A_748 {offsets = [0, 24], sizes = [1024, 8], strides = [1, 1]} : vector<1024x128xf32> to vector<1024x8xf32>
    %add3A_755 = arith.addf %add3A_753, %slice3A_754 : vector<1024x8xf32>
    %slice3A_756 = vector.extract_strided_slice %add3A_748 {offsets = [0, 32], sizes = [1024, 8], strides = [1, 1]} : vector<1024x128xf32> to vector<1024x8xf32>
    %add3A_757 = arith.addf %add3A_755, %slice3A_756 : vector<1024x8xf32>
    %slice3A_758 = vector.extract_strided_slice %add3A_748 {offsets = [0, 40], sizes = [1024, 8], strides = [1, 1]} : vector<1024x128xf32> to vector<1024x8xf32>
    %add3A_759 = arith.addf %add3A_757, %slice3A_758 : vector<1024x8xf32>
    %slice3A_760 = vector.extract_strided_slice %add3A_748 {offsets = [0, 48], sizes = [1024, 8], strides = [1, 1]} : vector<1024x128xf32> to vector<1024x8xf32>
    %add3A_761 = arith.addf %add3A_759, %slice3A_760 : vector<1024x8xf32>
    %slice3A_762 = vector.extract_strided_slice %add3A_748 {offsets = [0, 56], sizes = [1024, 8], strides = [1, 1]} : vector<1024x128xf32> to vector<1024x8xf32>
    %add3A_763 = arith.addf %add3A_761, %slice3A_762 : vector<1024x8xf32>
    %slice3A_764 = vector.extract_strided_slice %add3A_748 {offsets = [0, 64], sizes = [1024, 8], strides = [1, 1]} : vector<1024x128xf32> to vector<1024x8xf32>
    %add3A_765 = arith.addf %add3A_763, %slice3A_764 : vector<1024x8xf32>
    %slice3A_766 = vector.extract_strided_slice %add3A_748 {offsets = [0, 72], sizes = [1024, 8], strides = [1, 1]} : vector<1024x128xf32> to vector<1024x8xf32>
    %add3A_767 = arith.addf %add3A_765, %slice3A_766 : vector<1024x8xf32>
    %slice3A_768 = vector.extract_strided_slice %add3A_748 {offsets = [0, 80], sizes = [1024, 8], strides = [1, 1]} : vector<1024x128xf32> to vector<1024x8xf32>
    %add3A_769 = arith.addf %add3A_767, %slice3A_768 : vector<1024x8xf32>
    %slice3A_770 = vector.extract_strided_slice %add3A_748 {offsets = [0, 88], sizes = [1024, 8], strides = [1, 1]} : vector<1024x128xf32> to vector<1024x8xf32>
    %add3A_771 = arith.addf %add3A_769, %slice3A_770 : vector<1024x8xf32>
    %slice3A_772 = vector.extract_strided_slice %add3A_748 {offsets = [0, 96], sizes = [1024, 8], strides = [1, 1]} : vector<1024x128xf32> to vector<1024x8xf32>
    %add3A_773 = arith.addf %add3A_771, %slice3A_772 : vector<1024x8xf32>
    %slice3A_774 = vector.extract_strided_slice %add3A_748 {offsets = [0, 104], sizes = [1024, 8], strides = [1, 1]} : vector<1024x128xf32> to vector<1024x8xf32>
    %add3A_775 = arith.addf %add3A_773, %slice3A_774 : vector<1024x8xf32>
    %slice3A_776 = vector.extract_strided_slice %add3A_748 {offsets = [0, 112], sizes = [1024, 8], strides = [1, 1]} : vector<1024x128xf32> to vector<1024x8xf32>
    %add3A_777 = arith.addf %add3A_775, %slice3A_776 : vector<1024x8xf32>
    %slice3A_778 = vector.extract_strided_slice %add3A_748 {offsets = [0, 120], sizes = [1024, 8], strides = [1, 1]} : vector<1024x128xf32> to vector<1024x8xf32>
    %add3A_779 = arith.addf %add3A_777, %slice3A_778 : vector<1024x8xf32>
    %slice3A_780 = vector.extract_strided_slice %add3A_779 {offsets = [0, 0], sizes = [1024, 4], strides = [1, 1]} : vector<1024x8xf32> to vector<1024x4xf32>
    %slice3A_781 = vector.extract_strided_slice %add3A_779 {offsets = [0, 4], sizes = [1024, 4], strides = [1, 1]} : vector<1024x8xf32> to vector<1024x4xf32>
    %add3A_782 = arith.addf %slice3A_780, %slice3A_781 : vector<1024x4xf32>
    %slice3A_783 = vector.extract_strided_slice %add3A_782 {offsets = [0, 0], sizes = [1024, 2], strides = [1, 1]} : vector<1024x4xf32> to vector<1024x2xf32>
    %slice3A_784 = vector.extract_strided_slice %add3A_782 {offsets = [0, 2], sizes = [1024, 2], strides = [1, 1]} : vector<1024x4xf32> to vector<1024x2xf32>
    %add3A_785 = arith.addf %slice3A_783, %slice3A_784 : vector<1024x2xf32>
    %slice3A_786 = vector.extract_strided_slice %add3A_785 {offsets = [0, 0], sizes = [1024, 1], strides = [1, 1]} : vector<1024x2xf32> to vector<1024x1xf32>
    %slice3A_787 = vector.extract_strided_slice %add3A_785 {offsets = [0, 1], sizes = [1024, 1], strides = [1, 1]} : vector<1024x2xf32> to vector<1024x1xf32>
    %add3A_788 = arith.addf %slice3A_786, %slice3A_787 : vector<1024x1xf32>
    %div3A_789 = vector.broadcast %add3A_788 : vector<1024x1xf32> to vector<1024x1024xf32>
    %div3A_790 = arith.divf %exp3A_733, %div3A_789 : vector<1024x1024xf32>
    %slice3A_791 = vector.extract_strided_slice %add3A_577 {offsets = [0, 32], sizes = [1024, 16], strides = [1, 1]} : vector<1024x64xf32> to vector<1024x16xf32>
    %dot_general3A_792 = arith.constant dense<0.000000e+00> : vector<1024x16xf32>
    %dot_general3A_793 = tpu.matmul %div3A_790, %slice3A_791, %dot_general3A_792 {dimension_numbers = #tpu.dot_dimension_numbers<[1], [0], [0], [1], [0, 0, 1, 1], [], []>, transpose_lhs_hint = false} : vector<1024x1024xf32>, vector<1024x16xf32>, vector<1024x16xf32> -> vector<1024x16xf32>
    %slice3A_794 = vector.extract_strided_slice %add3A_549 {offsets = [0, 48], sizes = [1024, 16], strides = [1, 1]} : vector<1024x64xf32> to vector<1024x16xf32>
    %slice3A_795 = vector.extract_strided_slice %add3A_563 {offsets = [0, 48], sizes = [1024, 16], strides = [1, 1]} : vector<1024x64xf32> to vector<1024x16xf32>
    %dot_general3A_796 = arith.constant dense<0.000000e+00> : vector<1024x1024xf32>
    %dot_general3A_797 = tpu.matmul %slice3A_794, %slice3A_795, %dot_general3A_796 {dimension_numbers = #tpu.dot_dimension_numbers<[1], [1], [0], [0], [0, 0, 1, 0], [], []>, transpose_lhs_hint = false} : vector<1024x16xf32>, vector<1024x16xf32>, vector<1024x1024xf32> -> vector<1024x1024xf32>
    %mul3A_798 = vector.broadcast %div3A_5 : f32 to vector<1024x1024xf32>
    %mul3A_799 = arith.mulf %dot_general3A_797, %mul3A_798 : vector<1024x1024xf32>
    %reduce_max3A_800 = arith.constant dense<0xFF800000> : vector<1024xf32>
    %reduce_max3A_801 = vector.multi_reduction <maximumf>, %mul3A_799, %reduce_max3A_800 [1] : vector<1024x1024xf32> to vector<1024xf32>
    %broadcast_in_dim3A_802 = vector.shape_cast %reduce_max3A_801 : vector<1024xf32> to vector<1024x1xf32>
    %sub3A_803 = vector.broadcast %broadcast_in_dim3A_802 : vector<1024x1xf32> to vector<1024x1024xf32>
    %sub3A_804 = arith.subf %mul3A_799, %sub3A_803 : vector<1024x1024xf32>
    %exp3A_805 = math.exp %sub3A_804 : vector<1024x1024xf32>
    %slice3A_806 = vector.extract_strided_slice %exp3A_805 {offsets = [0, 0], sizes = [1024, 128], strides = [1, 1]} : vector<1024x1024xf32> to vector<1024x128xf32>
    %slice3A_807 = vector.extract_strided_slice %exp3A_805 {offsets = [0, 128], sizes = [1024, 128], strides = [1, 1]} : vector<1024x1024xf32> to vector<1024x128xf32>
    %add3A_808 = arith.addf %slice3A_806, %slice3A_807 : vector<1024x128xf32>
    %slice3A_809 = vector.extract_strided_slice %exp3A_805 {offsets = [0, 256], sizes = [1024, 128], strides = [1, 1]} : vector<1024x1024xf32> to vector<1024x128xf32>
    %add3A_810 = arith.addf %add3A_808, %slice3A_809 : vector<1024x128xf32>
    %slice3A_811 = vector.extract_strided_slice %exp3A_805 {offsets = [0, 384], sizes = [1024, 128], strides = [1, 1]} : vector<1024x1024xf32> to vector<1024x128xf32>
    %add3A_812 = arith.addf %add3A_810, %slice3A_811 : vector<1024x128xf32>
    %slice3A_813 = vector.extract_strided_slice %exp3A_805 {offsets = [0, 512], sizes = [1024, 128], strides = [1, 1]} : vector<1024x1024xf32> to vector<1024x128xf32>
    %add3A_814 = arith.addf %add3A_812, %slice3A_813 : vector<1024x128xf32>
    %slice3A_815 = vector.extract_strided_slice %exp3A_805 {offsets = [0, 640], sizes = [1024, 128], strides = [1, 1]} : vector<1024x1024xf32> to vector<1024x128xf32>
    %add3A_816 = arith.addf %add3A_814, %slice3A_815 : vector<1024x128xf32>
    %slice3A_817 = vector.extract_strided_slice %exp3A_805 {offsets = [0, 768], sizes = [1024, 128], strides = [1, 1]} : vector<1024x1024xf32> to vector<1024x128xf32>
    %add3A_818 = arith.addf %add3A_816, %slice3A_817 : vector<1024x128xf32>
    %slice3A_819 = vector.extract_strided_slice %exp3A_805 {offsets = [0, 896], sizes = [1024, 128], strides = [1, 1]} : vector<1024x1024xf32> to vector<1024x128xf32>
    %add3A_820 = arith.addf %add3A_818, %slice3A_819 : vector<1024x128xf32>
    %slice3A_821 = vector.extract_strided_slice %add3A_820 {offsets = [0, 0], sizes = [1024, 8], strides = [1, 1]} : vector<1024x128xf32> to vector<1024x8xf32>
    %slice3A_822 = vector.extract_strided_slice %add3A_820 {offsets = [0, 8], sizes = [1024, 8], strides = [1, 1]} : vector<1024x128xf32> to vector<1024x8xf32>
    %add3A_823 = arith.addf %slice3A_821, %slice3A_822 : vector<1024x8xf32>
    %slice3A_824 = vector.extract_strided_slice %add3A_820 {offsets = [0, 16], sizes = [1024, 8], strides = [1, 1]} : vector<1024x128xf32> to vector<1024x8xf32>
    %add3A_825 = arith.addf %add3A_823, %slice3A_824 : vector<1024x8xf32>
    %slice3A_826 = vector.extract_strided_slice %add3A_820 {offsets = [0, 24], sizes = [1024, 8], strides = [1, 1]} : vector<1024x128xf32> to vector<1024x8xf32>
    %add3A_827 = arith.addf %add3A_825, %slice3A_826 : vector<1024x8xf32>
    %slice3A_828 = vector.extract_strided_slice %add3A_820 {offsets = [0, 32], sizes = [1024, 8], strides = [1, 1]} : vector<1024x128xf32> to vector<1024x8xf32>
    %add3A_829 = arith.addf %add3A_827, %slice3A_828 : vector<1024x8xf32>
    %slice3A_830 = vector.extract_strided_slice %add3A_820 {offsets = [0, 40], sizes = [1024, 8], strides = [1, 1]} : vector<1024x128xf32> to vector<1024x8xf32>
    %add3A_831 = arith.addf %add3A_829, %slice3A_830 : vector<1024x8xf32>
    %slice3A_832 = vector.extract_strided_slice %add3A_820 {offsets = [0, 48], sizes = [1024, 8], strides = [1, 1]} : vector<1024x128xf32> to vector<1024x8xf32>
    %add3A_833 = arith.addf %add3A_831, %slice3A_832 : vector<1024x8xf32>
    %slice3A_834 = vector.extract_strided_slice %add3A_820 {offsets = [0, 56], sizes = [1024, 8], strides = [1, 1]} : vector<1024x128xf32> to vector<1024x8xf32>
    %add3A_835 = arith.addf %add3A_833, %slice3A_834 : vector<1024x8xf32>
    %slice3A_836 = vector.extract_strided_slice %add3A_820 {offsets = [0, 64], sizes = [1024, 8], strides = [1, 1]} : vector<1024x128xf32> to vector<1024x8xf32>
    %add3A_837 = arith.addf %add3A_835, %slice3A_836 : vector<1024x8xf32>
    %slice3A_838 = vector.extract_strided_slice %add3A_820 {offsets = [0, 72], sizes = [1024, 8], strides = [1, 1]} : vector<1024x128xf32> to vector<1024x8xf32>
    %add3A_839 = arith.addf %add3A_837, %slice3A_838 : vector<1024x8xf32>
    %slice3A_840 = vector.extract_strided_slice %add3A_820 {offsets = [0, 80], sizes = [1024, 8], strides = [1, 1]} : vector<1024x128xf32> to vector<1024x8xf32>
    %add3A_841 = arith.addf %add3A_839, %slice3A_840 : vector<1024x8xf32>
    %slice3A_842 = vector.extract_strided_slice %add3A_820 {offsets = [0, 88], sizes = [1024, 8], strides = [1, 1]} : vector<1024x128xf32> to vector<1024x8xf32>
    %add3A_843 = arith.addf %add3A_841, %slice3A_842 : vector<1024x8xf32>
    %slice3A_844 = vector.extract_strided_slice %add3A_820 {offsets = [0, 96], sizes = [1024, 8], strides = [1, 1]} : vector<1024x128xf32> to vector<1024x8xf32>
    %add3A_845 = arith.addf %add3A_843, %slice3A_844 : vector<1024x8xf32>
    %slice3A_846 = vector.extract_strided_slice %add3A_820 {offsets = [0, 104], sizes = [1024, 8], strides = [1, 1]} : vector<1024x128xf32> to vector<1024x8xf32>
    %add3A_847 = arith.addf %add3A_845, %slice3A_846 : vector<1024x8xf32>
    %slice3A_848 = vector.extract_strided_slice %add3A_820 {offsets = [0, 112], sizes = [1024, 8], strides = [1, 1]} : vector<1024x128xf32> to vector<1024x8xf32>
    %add3A_849 = arith.addf %add3A_847, %slice3A_848 : vector<1024x8xf32>
    %slice3A_850 = vector.extract_strided_slice %add3A_820 {offsets = [0, 120], sizes = [1024, 8], strides = [1, 1]} : vector<1024x128xf32> to vector<1024x8xf32>
    %add3A_851 = arith.addf %add3A_849, %slice3A_850 : vector<1024x8xf32>
    %slice3A_852 = vector.extract_strided_slice %add3A_851 {offsets = [0, 0], sizes = [1024, 4], strides = [1, 1]} : vector<1024x8xf32> to vector<1024x4xf32>
    %slice3A_853 = vector.extract_strided_slice %add3A_851 {offsets = [0, 4], sizes = [1024, 4], strides = [1, 1]} : vector<1024x8xf32> to vector<1024x4xf32>
    %add3A_854 = arith.addf %slice3A_852, %slice3A_853 : vector<1024x4xf32>
    %slice3A_855 = vector.extract_strided_slice %add3A_854 {offsets = [0, 0], sizes = [1024, 2], strides = [1, 1]} : vector<1024x4xf32> to vector<1024x2xf32>
    %slice3A_856 = vector.extract_strided_slice %add3A_854 {offsets = [0, 2], sizes = [1024, 2], strides = [1, 1]} : vector<1024x4xf32> to vector<1024x2xf32>
    %add3A_857 = arith.addf %slice3A_855, %slice3A_856 : vector<1024x2xf32>
    %slice3A_858 = vector.extract_strided_slice %add3A_857 {offsets = [0, 0], sizes = [1024, 1], strides = [1, 1]} : vector<1024x2xf32> to vector<1024x1xf32>
    %slice3A_859 = vector.extract_strided_slice %add3A_857 {offsets = [0, 1], sizes = [1024, 1], strides = [1, 1]} : vector<1024x2xf32> to vector<1024x1xf32>
    %add3A_860 = arith.addf %slice3A_858, %slice3A_859 : vector<1024x1xf32>
    %div3A_861 = vector.broadcast %add3A_860 : vector<1024x1xf32> to vector<1024x1024xf32>
    %div3A_862 = arith.divf %exp3A_805, %div3A_861 : vector<1024x1024xf32>
    %slice3A_863 = vector.extract_strided_slice %add3A_577 {offsets = [0, 48], sizes = [1024, 16], strides = [1, 1]} : vector<1024x64xf32> to vector<1024x16xf32>
    %dot_general3A_864 = arith.constant dense<0.000000e+00> : vector<1024x16xf32>
    %dot_general3A_865 = tpu.matmul %div3A_862, %slice3A_863, %dot_general3A_864 {dimension_numbers = #tpu.dot_dimension_numbers<[1], [0], [0], [1], [0, 0, 1, 1], [], []>, transpose_lhs_hint = false} : vector<1024x1024xf32>, vector<1024x16xf32>, vector<1024x16xf32> -> vector<1024x16xf32>
    %concatenate3A_866 = tpu.concatenate %dot_general3A_649, %dot_general3A_721, %dot_general3A_793, %dot_general3A_865 in 1 : vector<1024x16xf32>, vector<1024x16xf32>, vector<1024x16xf32>, vector<1024x16xf32> -> vector<1024x64xf32>
    %get3A_867 = arith.constant 1 : index
    %get3A_868 = arith.constant 0 : index
    %get3A_869 = arith.constant 0 : index
    %get3A_870 = vector.load %arg8[%get3A_867, %get3A_868, %get3A_869] : memref<2x64x64xf32, #tpu.memory_space<vmem>>, vector<1x64x64xf32>
    %get3A_871 = vector.shape_cast %get3A_870 : vector<1x64x64xf32> to vector<64x64xf32>
    %dot_general3A_872 = arith.constant dense<0.000000e+00> : vector<1024x64xf32>
    %dot_general3A_873 = tpu.matmul %concatenate3A_866, %get3A_871, %dot_general3A_872 {dimension_numbers = #tpu.dot_dimension_numbers<[1], [0], [0], [1], [0, 0, 1, 1], [], []>, transpose_lhs_hint = false} : vector<1024x64xf32>, vector<64x64xf32>, vector<1024x64xf32> -> vector<1024x64xf32>
    %get3A_874 = arith.constant 1 : index
    %get3A_875 = arith.constant 0 : index
    %get3A_876 = vector.load %arg9[%get3A_874, %get3A_875] : memref<2x64xf32, #tpu.memory_space<vmem>>, vector<1x64xf32>
    %get3A_877 = vector.shape_cast %get3A_876 : vector<1x64xf32> to vector<64xf32>
    %broadcast_in_dim3A_878 = vector.shape_cast %get3A_877 : vector<64xf32> to vector<1x64xf32>
    %add3A_879 = vector.broadcast %broadcast_in_dim3A_878 : vector<1x64xf32> to vector<1024x64xf32>
    %add3A_880 = arith.addf %dot_general3A_873, %add3A_879 : vector<1024x64xf32>
    %add3A_881 = arith.addf %add3A_535, %add3A_880 : vector<1024x64xf32>
    %get3A_882 = arith.constant 1 : index
    %get3A_883 = arith.constant 0 : index
    %get3A_884 = vector.load %arg10[%get3A_882, %get3A_883] : memref<2x64xf32, #tpu.memory_space<vmem>>, vector<1x64xf32>
    %get3A_885 = vector.shape_cast %get3A_884 : vector<1x64xf32> to vector<64xf32>
    %get3A_886 = arith.constant 1 : index
    %get3A_887 = arith.constant 0 : index
    %get3A_888 = vector.load %arg11[%get3A_886, %get3A_887] : memref<2x64xf32, #tpu.memory_space<vmem>>, vector<1x64xf32>
    %get3A_889 = vector.shape_cast %get3A_888 : vector<1x64xf32> to vector<64xf32>
    %slice3A_890 = vector.extract_strided_slice %add3A_881 {offsets = [0, 0], sizes = [1024, 8], strides = [1, 1]} : vector<1024x64xf32> to vector<1024x8xf32>
    %slice3A_891 = vector.extract_strided_slice %add3A_881 {offsets = [0, 8], sizes = [1024, 8], strides = [1, 1]} : vector<1024x64xf32> to vector<1024x8xf32>
    %add3A_892 = arith.addf %slice3A_890, %slice3A_891 : vector<1024x8xf32>
    %slice3A_893 = vector.extract_strided_slice %add3A_881 {offsets = [0, 16], sizes = [1024, 8], strides = [1, 1]} : vector<1024x64xf32> to vector<1024x8xf32>
    %add3A_894 = arith.addf %add3A_892, %slice3A_893 : vector<1024x8xf32>
    %slice3A_895 = vector.extract_strided_slice %add3A_881 {offsets = [0, 24], sizes = [1024, 8], strides = [1, 1]} : vector<1024x64xf32> to vector<1024x8xf32>
    %add3A_896 = arith.addf %add3A_894, %slice3A_895 : vector<1024x8xf32>
    %slice3A_897 = vector.extract_strided_slice %add3A_881 {offsets = [0, 32], sizes = [1024, 8], strides = [1, 1]} : vector<1024x64xf32> to vector<1024x8xf32>
    %add3A_898 = arith.addf %add3A_896, %slice3A_897 : vector<1024x8xf32>
    %slice3A_899 = vector.extract_strided_slice %add3A_881 {offsets = [0, 40], sizes = [1024, 8], strides = [1, 1]} : vector<1024x64xf32> to vector<1024x8xf32>
    %add3A_900 = arith.addf %add3A_898, %slice3A_899 : vector<1024x8xf32>
    %slice3A_901 = vector.extract_strided_slice %add3A_881 {offsets = [0, 48], sizes = [1024, 8], strides = [1, 1]} : vector<1024x64xf32> to vector<1024x8xf32>
    %add3A_902 = arith.addf %add3A_900, %slice3A_901 : vector<1024x8xf32>
    %slice3A_903 = vector.extract_strided_slice %add3A_881 {offsets = [0, 56], sizes = [1024, 8], strides = [1, 1]} : vector<1024x64xf32> to vector<1024x8xf32>
    %add3A_904 = arith.addf %add3A_902, %slice3A_903 : vector<1024x8xf32>
    %slice3A_905 = vector.extract_strided_slice %add3A_904 {offsets = [0, 0], sizes = [1024, 4], strides = [1, 1]} : vector<1024x8xf32> to vector<1024x4xf32>
    %slice3A_906 = vector.extract_strided_slice %add3A_904 {offsets = [0, 4], sizes = [1024, 4], strides = [1, 1]} : vector<1024x8xf32> to vector<1024x4xf32>
    %add3A_907 = arith.addf %slice3A_905, %slice3A_906 : vector<1024x4xf32>
    %slice3A_908 = vector.extract_strided_slice %add3A_907 {offsets = [0, 0], sizes = [1024, 2], strides = [1, 1]} : vector<1024x4xf32> to vector<1024x2xf32>
    %slice3A_909 = vector.extract_strided_slice %add3A_907 {offsets = [0, 2], sizes = [1024, 2], strides = [1, 1]} : vector<1024x4xf32> to vector<1024x2xf32>
    %add3A_910 = arith.addf %slice3A_908, %slice3A_909 : vector<1024x2xf32>
    %slice3A_911 = vector.extract_strided_slice %add3A_910 {offsets = [0, 0], sizes = [1024, 1], strides = [1, 1]} : vector<1024x2xf32> to vector<1024x1xf32>
    %slice3A_912 = vector.extract_strided_slice %add3A_910 {offsets = [0, 1], sizes = [1024, 1], strides = [1, 1]} : vector<1024x2xf32> to vector<1024x1xf32>
    %add3A_913 = arith.addf %slice3A_911, %slice3A_912 : vector<1024x1xf32>
    %div3A_914 = arith.constant 6.400000e+01 : f32
    %div3A_915 = vector.broadcast %div3A_914 : f32 to vector<1024x1xf32>
    %div3A_916 = arith.divf %add3A_913, %div3A_915 : vector<1024x1xf32>
    %sub3A_917 = vector.broadcast %div3A_916 : vector<1024x1xf32> to vector<1024x64xf32>
    %sub3A_918 = arith.subf %add3A_881, %sub3A_917 : vector<1024x64xf32>
    %mul3A_919 = arith.mulf %sub3A_918, %sub3A_918 : vector<1024x64xf32>
    %slice3A_920 = vector.extract_strided_slice %mul3A_919 {offsets = [0, 0], sizes = [1024, 8], strides = [1, 1]} : vector<1024x64xf32> to vector<1024x8xf32>
    %slice3A_921 = vector.extract_strided_slice %mul3A_919 {offsets = [0, 8], sizes = [1024, 8], strides = [1, 1]} : vector<1024x64xf32> to vector<1024x8xf32>
    %add3A_922 = arith.addf %slice3A_920, %slice3A_921 : vector<1024x8xf32>
    %slice3A_923 = vector.extract_strided_slice %mul3A_919 {offsets = [0, 16], sizes = [1024, 8], strides = [1, 1]} : vector<1024x64xf32> to vector<1024x8xf32>
    %add3A_924 = arith.addf %add3A_922, %slice3A_923 : vector<1024x8xf32>
    %slice3A_925 = vector.extract_strided_slice %mul3A_919 {offsets = [0, 24], sizes = [1024, 8], strides = [1, 1]} : vector<1024x64xf32> to vector<1024x8xf32>
    %add3A_926 = arith.addf %add3A_924, %slice3A_925 : vector<1024x8xf32>
    %slice3A_927 = vector.extract_strided_slice %mul3A_919 {offsets = [0, 32], sizes = [1024, 8], strides = [1, 1]} : vector<1024x64xf32> to vector<1024x8xf32>
    %add3A_928 = arith.addf %add3A_926, %slice3A_927 : vector<1024x8xf32>
    %slice3A_929 = vector.extract_strided_slice %mul3A_919 {offsets = [0, 40], sizes = [1024, 8], strides = [1, 1]} : vector<1024x64xf32> to vector<1024x8xf32>
    %add3A_930 = arith.addf %add3A_928, %slice3A_929 : vector<1024x8xf32>
    %slice3A_931 = vector.extract_strided_slice %mul3A_919 {offsets = [0, 48], sizes = [1024, 8], strides = [1, 1]} : vector<1024x64xf32> to vector<1024x8xf32>
    %add3A_932 = arith.addf %add3A_930, %slice3A_931 : vector<1024x8xf32>
    %slice3A_933 = vector.extract_strided_slice %mul3A_919 {offsets = [0, 56], sizes = [1024, 8], strides = [1, 1]} : vector<1024x64xf32> to vector<1024x8xf32>
    %add3A_934 = arith.addf %add3A_932, %slice3A_933 : vector<1024x8xf32>
    %slice3A_935 = vector.extract_strided_slice %add3A_934 {offsets = [0, 0], sizes = [1024, 4], strides = [1, 1]} : vector<1024x8xf32> to vector<1024x4xf32>
    %slice3A_936 = vector.extract_strided_slice %add3A_934 {offsets = [0, 4], sizes = [1024, 4], strides = [1, 1]} : vector<1024x8xf32> to vector<1024x4xf32>
    %add3A_937 = arith.addf %slice3A_935, %slice3A_936 : vector<1024x4xf32>
    %slice3A_938 = vector.extract_strided_slice %add3A_937 {offsets = [0, 0], sizes = [1024, 2], strides = [1, 1]} : vector<1024x4xf32> to vector<1024x2xf32>
    %slice3A_939 = vector.extract_strided_slice %add3A_937 {offsets = [0, 2], sizes = [1024, 2], strides = [1, 1]} : vector<1024x4xf32> to vector<1024x2xf32>
    %add3A_940 = arith.addf %slice3A_938, %slice3A_939 : vector<1024x2xf32>
    %slice3A_941 = vector.extract_strided_slice %add3A_940 {offsets = [0, 0], sizes = [1024, 1], strides = [1, 1]} : vector<1024x2xf32> to vector<1024x1xf32>
    %slice3A_942 = vector.extract_strided_slice %add3A_940 {offsets = [0, 1], sizes = [1024, 1], strides = [1, 1]} : vector<1024x2xf32> to vector<1024x1xf32>
    %add3A_943 = arith.addf %slice3A_941, %slice3A_942 : vector<1024x1xf32>
    %div3A_944 = arith.constant 6.400000e+01 : f32
    %div3A_945 = vector.broadcast %div3A_944 : f32 to vector<1024x1xf32>
    %div3A_946 = arith.divf %add3A_943, %div3A_945 : vector<1024x1xf32>
    %add3A_947 = arith.constant 9.99999974E-6 : f32
    %add3A_948 = vector.broadcast %add3A_947 : f32 to vector<1024x1xf32>
    %add3A_949 = arith.addf %div3A_946, %add3A_948 : vector<1024x1xf32>
    %sqrt3A_950 = math.sqrt %add3A_949 : vector<1024x1xf32>
    %div3A_951 = vector.broadcast %sqrt3A_950 : vector<1024x1xf32> to vector<1024x64xf32>
    %div3A_952 = arith.divf %sub3A_918, %div3A_951 : vector<1024x64xf32>
    %broadcast_in_dim3A_953 = vector.shape_cast %get3A_885 : vector<64xf32> to vector<1x64xf32>
    %mul3A_954 = vector.broadcast %broadcast_in_dim3A_953 : vector<1x64xf32> to vector<1024x64xf32>
    %mul3A_955 = arith.mulf %div3A_952, %mul3A_954 : vector<1024x64xf32>
    %broadcast_in_dim3A_956 = vector.shape_cast %get3A_889 : vector<64xf32> to vector<1x64xf32>
    %add3A_957 = vector.broadcast %broadcast_in_dim3A_956 : vector<1x64xf32> to vector<1024x64xf32>
    %add3A_958 = arith.addf %mul3A_955, %add3A_957 : vector<1024x64xf32>
    %get3A_959 = arith.constant 1 : index
    %get3A_960 = arith.constant 0 : index
    %get3A_961 = arith.constant 0 : index
    %get3A_962 = vector.load %arg12[%get3A_959, %get3A_960, %get3A_961] : memref<2x64x256xf32, #tpu.memory_space<vmem>>, vector<1x64x256xf32>
    %get3A_963 = vector.shape_cast %get3A_962 : vector<1x64x256xf32> to vector<64x256xf32>
    %dot_general3A_964 = arith.constant dense<0.000000e+00> : vector<1024x256xf32>
    %dot_general3A_965 = tpu.matmul %add3A_958, %get3A_963, %dot_general3A_964 {dimension_numbers = #tpu.dot_dimension_numbers<[1], [0], [0], [1], [0, 0, 1, 1], [], []>, transpose_lhs_hint = false} : vector<1024x64xf32>, vector<64x256xf32>, vector<1024x256xf32> -> vector<1024x256xf32>
    %get3A_966 = arith.constant 1 : index
    %get3A_967 = arith.constant 0 : index
    %get3A_968 = vector.load %arg13[%get3A_966, %get3A_967] : memref<2x256xf32, #tpu.memory_space<vmem>>, vector<1x256xf32>
    %get3A_969 = vector.shape_cast %get3A_968 : vector<1x256xf32> to vector<256xf32>
    %broadcast_in_dim3A_970 = vector.shape_cast %get3A_969 : vector<256xf32> to vector<1x256xf32>
    %add3A_971 = vector.broadcast %broadcast_in_dim3A_970 : vector<1x256xf32> to vector<1024x256xf32>
    %add3A_972 = arith.addf %dot_general3A_965, %add3A_971 : vector<1024x256xf32>
    %mul3A_973 = arith.constant 5.000000e-01 : f32
    %mul3A_974 = vector.broadcast %mul3A_973 : f32 to vector<1024x256xf32>
    %mul3A_975 = arith.mulf %add3A_972, %mul3A_974 : vector<1024x256xf32>
    %mul3A_976 = arith.constant 0.707106769 : f32
    %mul3A_977 = vector.broadcast %mul3A_976 : f32 to vector<1024x256xf32>
    %mul3A_978 = arith.mulf %add3A_972, %mul3A_977 : vector<1024x256xf32>
    %erf3A_979 = math.erf %mul3A_978 : vector<1024x256xf32>
    %add3A_980 = arith.constant 1.000000e+00 : f32
    %add3A_981 = vector.broadcast %add3A_980 : f32 to vector<1024x256xf32>
    %add3A_982 = arith.addf %add3A_981, %erf3A_979 : vector<1024x256xf32>
    %mul3A_983 = arith.mulf %mul3A_975, %add3A_982 : vector<1024x256xf32>
    %get3A_984 = arith.constant 1 : index
    %get3A_985 = arith.constant 0 : index
    %get3A_986 = arith.constant 0 : index
    %get3A_987 = vector.load %arg14[%get3A_984, %get3A_985, %get3A_986] : memref<2x256x64xf32, #tpu.memory_space<vmem>>, vector<1x256x64xf32>
    %get3A_988 = vector.shape_cast %get3A_987 : vector<1x256x64xf32> to vector<256x64xf32>
    %dot_general3A_989 = arith.constant dense<0.000000e+00> : vector<1024x64xf32>
    %dot_general3A_990 = tpu.matmul %mul3A_983, %get3A_988, %dot_general3A_989 {dimension_numbers = #tpu.dot_dimension_numbers<[1], [0], [0], [1], [0, 0, 1, 1], [], []>, transpose_lhs_hint = false} : vector<1024x256xf32>, vector<256x64xf32>, vector<1024x64xf32> -> vector<1024x64xf32>
    %get3A_991 = arith.constant 1 : index
    %get3A_992 = arith.constant 0 : index
    %get3A_993 = vector.load %arg15[%get3A_991, %get3A_992] : memref<2x64xf32, #tpu.memory_space<vmem>>, vector<1x64xf32>
    %get3A_994 = vector.shape_cast %get3A_993 : vector<1x64xf32> to vector<64xf32>
    %broadcast_in_dim3A_995 = vector.shape_cast %get3A_994 : vector<64xf32> to vector<1x64xf32>
    %add3A_996 = vector.broadcast %broadcast_in_dim3A_995 : vector<1x64xf32> to vector<1024x64xf32>
    %add3A_997 = arith.addf %dot_general3A_990, %add3A_996 : vector<1024x64xf32>
    %add3A_998 = arith.addf %add3A_958, %add3A_997 : vector<1024x64xf32>
    %get3A_999 = arith.constant 1 : index
    %get3A_1000 = arith.constant 0 : index
    %get3A_1001 = vector.load %arg16[%get3A_999, %get3A_1000] : memref<2x64xf32, #tpu.memory_space<vmem>>, vector<1x64xf32>
    %get3A_1002 = vector.shape_cast %get3A_1001 : vector<1x64xf32> to vector<64xf32>
    %get3A_1003 = arith.constant 1 : index
    %get3A_1004 = arith.constant 0 : index
    %get3A_1005 = vector.load %arg17[%get3A_1003, %get3A_1004] : memref<2x64xf32, #tpu.memory_space<vmem>>, vector<1x64xf32>
    %get3A_1006 = vector.shape_cast %get3A_1005 : vector<1x64xf32> to vector<64xf32>
    %slice3A_1007 = vector.extract_strided_slice %add3A_998 {offsets = [0, 0], sizes = [1024, 8], strides = [1, 1]} : vector<1024x64xf32> to vector<1024x8xf32>
    %slice3A_1008 = vector.extract_strided_slice %add3A_998 {offsets = [0, 8], sizes = [1024, 8], strides = [1, 1]} : vector<1024x64xf32> to vector<1024x8xf32>
    %add3A_1009 = arith.addf %slice3A_1007, %slice3A_1008 : vector<1024x8xf32>
    %slice3A_1010 = vector.extract_strided_slice %add3A_998 {offsets = [0, 16], sizes = [1024, 8], strides = [1, 1]} : vector<1024x64xf32> to vector<1024x8xf32>
    %add3A_1011 = arith.addf %add3A_1009, %slice3A_1010 : vector<1024x8xf32>
    %slice3A_1012 = vector.extract_strided_slice %add3A_998 {offsets = [0, 24], sizes = [1024, 8], strides = [1, 1]} : vector<1024x64xf32> to vector<1024x8xf32>
    %add3A_1013 = arith.addf %add3A_1011, %slice3A_1012 : vector<1024x8xf32>
    %slice3A_1014 = vector.extract_strided_slice %add3A_998 {offsets = [0, 32], sizes = [1024, 8], strides = [1, 1]} : vector<1024x64xf32> to vector<1024x8xf32>
    %add3A_1015 = arith.addf %add3A_1013, %slice3A_1014 : vector<1024x8xf32>
    %slice3A_1016 = vector.extract_strided_slice %add3A_998 {offsets = [0, 40], sizes = [1024, 8], strides = [1, 1]} : vector<1024x64xf32> to vector<1024x8xf32>
    %add3A_1017 = arith.addf %add3A_1015, %slice3A_1016 : vector<1024x8xf32>
    %slice3A_1018 = vector.extract_strided_slice %add3A_998 {offsets = [0, 48], sizes = [1024, 8], strides = [1, 1]} : vector<1024x64xf32> to vector<1024x8xf32>
    %add3A_1019 = arith.addf %add3A_1017, %slice3A_1018 : vector<1024x8xf32>
    %slice3A_1020 = vector.extract_strided_slice %add3A_998 {offsets = [0, 56], sizes = [1024, 8], strides = [1, 1]} : vector<1024x64xf32> to vector<1024x8xf32>
    %add3A_1021 = arith.addf %add3A_1019, %slice3A_1020 : vector<1024x8xf32>
    %slice3A_1022 = vector.extract_strided_slice %add3A_1021 {offsets = [0, 0], sizes = [1024, 4], strides = [1, 1]} : vector<1024x8xf32> to vector<1024x4xf32>
    %slice3A_1023 = vector.extract_strided_slice %add3A_1021 {offsets = [0, 4], sizes = [1024, 4], strides = [1, 1]} : vector<1024x8xf32> to vector<1024x4xf32>
    %add3A_1024 = arith.addf %slice3A_1022, %slice3A_1023 : vector<1024x4xf32>
    %slice3A_1025 = vector.extract_strided_slice %add3A_1024 {offsets = [0, 0], sizes = [1024, 2], strides = [1, 1]} : vector<1024x4xf32> to vector<1024x2xf32>
    %slice3A_1026 = vector.extract_strided_slice %add3A_1024 {offsets = [0, 2], sizes = [1024, 2], strides = [1, 1]} : vector<1024x4xf32> to vector<1024x2xf32>
    %add3A_1027 = arith.addf %slice3A_1025, %slice3A_1026 : vector<1024x2xf32>
    %slice3A_1028 = vector.extract_strided_slice %add3A_1027 {offsets = [0, 0], sizes = [1024, 1], strides = [1, 1]} : vector<1024x2xf32> to vector<1024x1xf32>
    %slice3A_1029 = vector.extract_strided_slice %add3A_1027 {offsets = [0, 1], sizes = [1024, 1], strides = [1, 1]} : vector<1024x2xf32> to vector<1024x1xf32>
    %add3A_1030 = arith.addf %slice3A_1028, %slice3A_1029 : vector<1024x1xf32>
    %div3A_1031 = arith.constant 6.400000e+01 : f32
    %div3A_1032 = vector.broadcast %div3A_1031 : f32 to vector<1024x1xf32>
    %div3A_1033 = arith.divf %add3A_1030, %div3A_1032 : vector<1024x1xf32>
    %sub3A_1034 = vector.broadcast %div3A_1033 : vector<1024x1xf32> to vector<1024x64xf32>
    %sub3A_1035 = arith.subf %add3A_998, %sub3A_1034 : vector<1024x64xf32>
    %mul3A_1036 = arith.mulf %sub3A_1035, %sub3A_1035 : vector<1024x64xf32>
    %slice3A_1037 = vector.extract_strided_slice %mul3A_1036 {offsets = [0, 0], sizes = [1024, 8], strides = [1, 1]} : vector<1024x64xf32> to vector<1024x8xf32>
    %slice3A_1038 = vector.extract_strided_slice %mul3A_1036 {offsets = [0, 8], sizes = [1024, 8], strides = [1, 1]} : vector<1024x64xf32> to vector<1024x8xf32>
    %add3A_1039 = arith.addf %slice3A_1037, %slice3A_1038 : vector<1024x8xf32>
    %slice3A_1040 = vector.extract_strided_slice %mul3A_1036 {offsets = [0, 16], sizes = [1024, 8], strides = [1, 1]} : vector<1024x64xf32> to vector<1024x8xf32>
    %add3A_1041 = arith.addf %add3A_1039, %slice3A_1040 : vector<1024x8xf32>
    %slice3A_1042 = vector.extract_strided_slice %mul3A_1036 {offsets = [0, 24], sizes = [1024, 8], strides = [1, 1]} : vector<1024x64xf32> to vector<1024x8xf32>
    %add3A_1043 = arith.addf %add3A_1041, %slice3A_1042 : vector<1024x8xf32>
    %slice3A_1044 = vector.extract_strided_slice %mul3A_1036 {offsets = [0, 32], sizes = [1024, 8], strides = [1, 1]} : vector<1024x64xf32> to vector<1024x8xf32>
    %add3A_1045 = arith.addf %add3A_1043, %slice3A_1044 : vector<1024x8xf32>
    %slice3A_1046 = vector.extract_strided_slice %mul3A_1036 {offsets = [0, 40], sizes = [1024, 8], strides = [1, 1]} : vector<1024x64xf32> to vector<1024x8xf32>
    %add3A_1047 = arith.addf %add3A_1045, %slice3A_1046 : vector<1024x8xf32>
    %slice3A_1048 = vector.extract_strided_slice %mul3A_1036 {offsets = [0, 48], sizes = [1024, 8], strides = [1, 1]} : vector<1024x64xf32> to vector<1024x8xf32>
    %add3A_1049 = arith.addf %add3A_1047, %slice3A_1048 : vector<1024x8xf32>
    %slice3A_1050 = vector.extract_strided_slice %mul3A_1036 {offsets = [0, 56], sizes = [1024, 8], strides = [1, 1]} : vector<1024x64xf32> to vector<1024x8xf32>
    %add3A_1051 = arith.addf %add3A_1049, %slice3A_1050 : vector<1024x8xf32>
    %slice3A_1052 = vector.extract_strided_slice %add3A_1051 {offsets = [0, 0], sizes = [1024, 4], strides = [1, 1]} : vector<1024x8xf32> to vector<1024x4xf32>
    %slice3A_1053 = vector.extract_strided_slice %add3A_1051 {offsets = [0, 4], sizes = [1024, 4], strides = [1, 1]} : vector<1024x8xf32> to vector<1024x4xf32>
    %add3A_1054 = arith.addf %slice3A_1052, %slice3A_1053 : vector<1024x4xf32>
    %slice3A_1055 = vector.extract_strided_slice %add3A_1054 {offsets = [0, 0], sizes = [1024, 2], strides = [1, 1]} : vector<1024x4xf32> to vector<1024x2xf32>
    %slice3A_1056 = vector.extract_strided_slice %add3A_1054 {offsets = [0, 2], sizes = [1024, 2], strides = [1, 1]} : vector<1024x4xf32> to vector<1024x2xf32>
    %add3A_1057 = arith.addf %slice3A_1055, %slice3A_1056 : vector<1024x2xf32>
    %slice3A_1058 = vector.extract_strided_slice %add3A_1057 {offsets = [0, 0], sizes = [1024, 1], strides = [1, 1]} : vector<1024x2xf32> to vector<1024x1xf32>
    %slice3A_1059 = vector.extract_strided_slice %add3A_1057 {offsets = [0, 1], sizes = [1024, 1], strides = [1, 1]} : vector<1024x2xf32> to vector<1024x1xf32>
    %add3A_1060 = arith.addf %slice3A_1058, %slice3A_1059 : vector<1024x1xf32>
    %div3A_1061 = arith.constant 6.400000e+01 : f32
    %div3A_1062 = vector.broadcast %div3A_1061 : f32 to vector<1024x1xf32>
    %div3A_1063 = arith.divf %add3A_1060, %div3A_1062 : vector<1024x1xf32>
    %add3A_1064 = arith.constant 9.99999974E-6 : f32
    %add3A_1065 = vector.broadcast %add3A_1064 : f32 to vector<1024x1xf32>
    %add3A_1066 = arith.addf %div3A_1063, %add3A_1065 : vector<1024x1xf32>
    %sqrt3A_1067 = math.sqrt %add3A_1066 : vector<1024x1xf32>
    %div3A_1068 = vector.broadcast %sqrt3A_1067 : vector<1024x1xf32> to vector<1024x64xf32>
    %div3A_1069 = arith.divf %sub3A_1035, %div3A_1068 : vector<1024x64xf32>
    %broadcast_in_dim3A_1070 = vector.shape_cast %get3A_1002 : vector<64xf32> to vector<1x64xf32>
    %mul3A_1071 = vector.broadcast %broadcast_in_dim3A_1070 : vector<1x64xf32> to vector<1024x64xf32>
    %mul3A_1072 = arith.mulf %div3A_1069, %mul3A_1071 : vector<1024x64xf32>
    %broadcast_in_dim3A_1073 = vector.shape_cast %get3A_1006 : vector<64xf32> to vector<1x64xf32>
    %add3A_1074 = vector.broadcast %broadcast_in_dim3A_1073 : vector<1x64xf32> to vector<1024x64xf32>
    %add3A_1075 = arith.addf %mul3A_1072, %add3A_1074 : vector<1024x64xf32>
    %swap3A = arith.constant 0 : index
    %swap3A_1076 = arith.constant 0 : index
    %swap3A_1077 = arith.constant 0 : index
    %swap3A_1078 = vector.load %arg18[%swap3A, %swap3A_1076, %swap3A_1077] : memref<1x1024x64xf32, #tpu.memory_space<vmem>>, vector<1x1024x64xf32>
    %swap3A_1079 = vector.shape_cast %swap3A_1078 : vector<1x1024x64xf32> to vector<1024x64xf32>
    %swap3A_1080 = vector.shape_cast %add3A_1075 : vector<1024x64xf32> to vector<1x1024x64xf32>
    tpu.vector_store %arg18[%swap3A, %swap3A_1076, %swap3A_1077], %swap3A_1080 {strides = array<i32>} : memref<1x1024x64xf32, #tpu.memory_space<vmem>>, vector<1x1024x64xf32>,
    return
  }
  func.func @transform_0(%arg0: i32) -> (i32, i32, i32) {
    %c0_i32 = arith.constant 0 : i32
    %c0_i32_0 = arith.constant 0 : i32
    %c0_i32_1 = arith.constant 0 : i32
    return %arg0, %c0_i32, %c0_i32_0 : i32, i32, i32
  }
  func.func @transform_1(%arg0: i32) -> (i32, i32, i32) {
    %c0_i32 = arith.constant 0 : i32
    %c0_i32_0 = arith.constant 0 : i32
    %c0_i32_1 = arith.constant 0 : i32
    %c0_i32_2 = arith.constant 0 : i32
    return %c0_i32, %c0_i32_0, %c0_i32_1 : i32, i32, i32
  }
  func.func @transform_2(%arg0: i32) -> (i32, i32) {
    %c0_i32 = arith.constant 0 : i32
    %c0_i32_0 = arith.constant 0 : i32
    %c0_i32_1 = arith.constant 0 : i32
    return %c0_i32, %c0_i32_0 : i32, i32
  }
  func.func @transform_3(%arg0: i32) -> (i32, i32, i32) {
    %c0_i32 = arith.constant 0 : i32
    %c0_i32_0 = arith.constant 0 : i32
    %c0_i32_1 = arith.constant 0 : i32
    %c0_i32_2 = arith.constant 0 : i32
    return %c0_i32, %c0_i32_0, %c0_i32_1 : i32, i32, i32
  }
  func.func @transform_4(%arg0: i32) -> (i32, i32) {
    %c0_i32 = arith.constant 0 : i32
    %c0_i32_0 = arith.constant 0 : i32
    %c0_i32_1 = arith.constant 0 : i32
    return %c0_i32, %c0_i32_0 : i32, i32
  }
  func.func @transform_5(%arg0: i32) -> (i32, i32, i32) {
    %c0_i32 = arith.constant 0 : i32
    %c0_i32_0 = arith.constant 0 : i32
    %c0_i32_1 = arith.constant 0 : i32
    %c0_i32_2 = arith.constant 0 : i32
    return %c0_i32, %c0_i32_0, %c0_i32_1 : i32, i32, i32
  }
  func.func @transform_6(%arg0: i32) -> (i32, i32) {
    %c0_i32 = arith.constant 0 : i32
    %c0_i32_0 = arith.constant 0 : i32
    %c0_i32_1 = arith.constant 0 : i32
    return %c0_i32, %c0_i32_0 : i32, i32
  }
  func.func @transform_7(%arg0: i32) -> (i32, i32, i32) {
    %c0_i32 = arith.constant 0 : i32
    %c0_i32_0 = arith.constant 0 : i32
    %c0_i32_1 = arith.constant 0 : i32
    %c0_i32_2 = arith.constant 0 : i32
    return %c0_i32, %c0_i32_0, %c0_i32_1 : i32, i32, i32
  }
  func.func @transform_8(%arg0: i32) -> (i32, i32) {
    %c0_i32 = arith.constant 0 : i32
    %c0_i32_0 = arith.constant 0 : i32
    %c0_i32_1 = arith.constant 0 : i32
    return %c0_i32, %c0_i32_0 : i32, i32
  }
  func.func @transform_9(%arg0: i32) -> (i32, i32) {
    %c0_i32 = arith.constant 0 : i32
    %c0_i32_0 = arith.constant 0 : i32
    %c0_i32_1 = arith.constant 0 : i32
    return %c0_i32, %c0_i32_0 : i32, i32
  }
  func.func @transform_10(%arg0: i32) -> (i32, i32) {
    %c0_i32 = arith.constant 0 : i32
    %c0_i32_0 = arith.constant 0 : i32
    %c0_i32_1 = arith.constant 0 : i32
    return %c0_i32, %c0_i32_0 : i32, i32
  }
  func.func @transform_11(%arg0: i32) -> (i32, i32, i32) {
    %c0_i32 = arith.constant 0 : i32
    %c0_i32_0 = arith.constant 0 : i32
    %c0_i32_1 = arith.constant 0 : i32
    %c0_i32_2 = arith.constant 0 : i32
    return %c0_i32, %c0_i32_0, %c0_i32_1 : i32, i32, i32
  }
  func.func @transform_12(%arg0: i32) -> (i32, i32) {
    %c0_i32 = arith.constant 0 : i32
    %c0_i32_0 = arith.constant 0 : i32
    %c0_i32_1 = arith.constant 0 : i32
    return %c0_i32, %c0_i32_0 : i32, i32
  }
  func.func @transform_13(%arg0: i32) -> (i32, i32, i32) {
    %c0_i32 = arith.constant 0 : i32
    %c0_i32_0 = arith.constant 0 : i32
    %c0_i32_1 = arith.constant 0 : i32
    %c0_i32_2 = arith.constant 0 : i32
    return %c0_i32, %c0_i32_0, %c0_i32_1 : i32, i32, i32
  }
  func.func @transform_14(%arg0: i32) -> (i32, i32) {
    %c0_i32 = arith.constant 0 : i32
    %c0_i32_0 = arith.constant 0 : i32
    %c0_i32_1 = arith.constant 0 : i32
    return %c0_i32, %c0_i32_0 : i32, i32
  }
  func.func @transform_15(%arg0: i32) -> (i32, i32) {
    %c0_i32 = arith.constant 0 : i32
    %c0_i32_0 = arith.constant 0 : i32
    %c0_i32_1 = arith.constant 0 : i32
    return %c0_i32, %c0_i32_0 : i32, i32
  }
  func.func @transform_16(%arg0: i32) -> (i32, i32) {
    %c0_i32 = arith.constant 0 : i32
    %c0_i32_0 = arith.constant 0 : i32
    %c0_i32_1 = arith.constant 0 : i32
    return %c0_i32, %c0_i32_0 : i32, i32
  }
  func.func @transform_17(%arg0: i32) -> (i32, i32, i32) {
    %c0_i32 = arith.constant 0 : i32
    %c0_i32_0 = arith.constant 0 : i32
    %c0_i32_1 = arith.constant 0 : i32
    return %arg0, %c0_i32, %c0_i32_0 : i32, i32, i32
  }
}

module attributes {stable_mosaic.version = 14 : i64} {
  func.func @_vq_body(%arg0: i32, %arg1: memref<1024x64xf32, #tpu.memory_space<vmem>>, %arg2: memref<8192x64xf32, #tpu.memory_space<vmem>>, %arg3: memref<1x1x1024xi32, #tpu.memory_space<vmem>>, %arg4: memref<1x1x8192xf32, #tpu.memory_space<vmem>>) attributes {dimension_semantics = [#tpu.dimension_semantics<arbitrary>], iteration_bounds = array<i64: 8>, scalar_prefetch = 0 : i64, scratch_operands = 0 : i64, tpu.core_type = #tpu.core_type<tc>, window_params = [{transform_indices = @transform_0, window_bounds = array<i64: 1024, 64>}, {pipeline_mode = #tpu.pipeline_mode<synchronous>, transform_indices = @transform_1, window_bounds = array<i64: 8192, 64>}, {transform_indices = @transform_2, window_bounds = array<i64: 1, 1, 1024>}, {transform_indices = @transform_3, window_bounds = array<i64: 1, 1, 8192>}]} {
    %get3A = arith.constant 0 : index
    %get3A_0 = arith.constant 0 : index
    %get3A_1 = vector.load %arg1[%get3A, %get3A_0] : memref<1024x64xf32, #tpu.memory_space<vmem>>, vector<1024x64xf32>
    %mul3A = arith.mulf %get3A_1, %get3A_1 : vector<1024x64xf32>
    %slice3A = vector.extract_strided_slice %mul3A {offsets = [0, 0], sizes = [1024, 8], strides = [1, 1]} : vector<1024x64xf32> to vector<1024x8xf32>
    %slice3A_2 = vector.extract_strided_slice %mul3A {offsets = [0, 8], sizes = [1024, 8], strides = [1, 1]} : vector<1024x64xf32> to vector<1024x8xf32>
    %add3A = arith.addf %slice3A, %slice3A_2 : vector<1024x8xf32>
    %slice3A_3 = vector.extract_strided_slice %mul3A {offsets = [0, 16], sizes = [1024, 8], strides = [1, 1]} : vector<1024x64xf32> to vector<1024x8xf32>
    %add3A_4 = arith.addf %add3A, %slice3A_3 : vector<1024x8xf32>
    %slice3A_5 = vector.extract_strided_slice %mul3A {offsets = [0, 24], sizes = [1024, 8], strides = [1, 1]} : vector<1024x64xf32> to vector<1024x8xf32>
    %add3A_6 = arith.addf %add3A_4, %slice3A_5 : vector<1024x8xf32>
    %slice3A_7 = vector.extract_strided_slice %mul3A {offsets = [0, 32], sizes = [1024, 8], strides = [1, 1]} : vector<1024x64xf32> to vector<1024x8xf32>
    %add3A_8 = arith.addf %add3A_6, %slice3A_7 : vector<1024x8xf32>
    %slice3A_9 = vector.extract_strided_slice %mul3A {offsets = [0, 40], sizes = [1024, 8], strides = [1, 1]} : vector<1024x64xf32> to vector<1024x8xf32>
    %add3A_10 = arith.addf %add3A_8, %slice3A_9 : vector<1024x8xf32>
    %slice3A_11 = vector.extract_strided_slice %mul3A {offsets = [0, 48], sizes = [1024, 8], strides = [1, 1]} : vector<1024x64xf32> to vector<1024x8xf32>
    %add3A_12 = arith.addf %add3A_10, %slice3A_11 : vector<1024x8xf32>
    %slice3A_13 = vector.extract_strided_slice %mul3A {offsets = [0, 56], sizes = [1024, 8], strides = [1, 1]} : vector<1024x64xf32> to vector<1024x8xf32>
    %add3A_14 = arith.addf %add3A_12, %slice3A_13 : vector<1024x8xf32>
    %slice3A_15 = vector.extract_strided_slice %add3A_14 {offsets = [0, 0], sizes = [1024, 4], strides = [1, 1]} : vector<1024x8xf32> to vector<1024x4xf32>
    %slice3A_16 = vector.extract_strided_slice %add3A_14 {offsets = [0, 4], sizes = [1024, 4], strides = [1, 1]} : vector<1024x8xf32> to vector<1024x4xf32>
    %add3A_17 = arith.addf %slice3A_15, %slice3A_16 : vector<1024x4xf32>
    %slice3A_18 = vector.extract_strided_slice %add3A_17 {offsets = [0, 0], sizes = [1024, 2], strides = [1, 1]} : vector<1024x4xf32> to vector<1024x2xf32>
    %slice3A_19 = vector.extract_strided_slice %add3A_17 {offsets = [0, 2], sizes = [1024, 2], strides = [1, 1]} : vector<1024x4xf32> to vector<1024x2xf32>
    %add3A_20 = arith.addf %slice3A_18, %slice3A_19 : vector<1024x2xf32>
    %slice3A_21 = vector.extract_strided_slice %add3A_20 {offsets = [0, 0], sizes = [1024, 1], strides = [1, 1]} : vector<1024x2xf32> to vector<1024x1xf32>
    %slice3A_22 = vector.extract_strided_slice %add3A_20 {offsets = [0, 1], sizes = [1024, 1], strides = [1, 1]} : vector<1024x2xf32> to vector<1024x1xf32>
    %add3A_23 = arith.addf %slice3A_21, %slice3A_22 : vector<1024x1xf32>
    %broadcast_in_dim3A = arith.constant 0x7F800000 : f32
    %broadcast_in_dim3A_24 = vector.broadcast %broadcast_in_dim3A : f32 to vector<1024xf32>
    %broadcast_in_dim3A_25 = arith.constant 0 : i32
    %broadcast_in_dim3A_26 = vector.broadcast %broadcast_in_dim3A_25 : i32 to vector<1024xi32>
    %broadcast_in_dim3A_27 = arith.constant 0x7F800000 : f32
    %broadcast_in_dim3A_28 = vector.broadcast %broadcast_in_dim3A_27 : f32 to vector<1024xf32>
    %broadcast_in_dim3A_29 = arith.constant 0 : i32
    %broadcast_in_dim3A_30 = vector.broadcast %broadcast_in_dim3A_29 : i32 to vector<1024xi32>
    %get3A_31 = arith.constant 0 : index
    %get3A_32 = arith.constant 0 : index
    %get3A_33 = vector.load %arg2[%get3A_31, %get3A_32] : memref<8192x64xf32, #tpu.memory_space<vmem>>, vector<1024x64xf32>
    %mul3A_34 = arith.mulf %get3A_33, %get3A_33 : vector<1024x64xf32>
    %slice3A_35 = vector.extract_strided_slice %mul3A_34 {offsets = [0, 0], sizes = [1024, 8], strides = [1, 1]} : vector<1024x64xf32> to vector<1024x8xf32>
    %slice3A_36 = vector.extract_strided_slice %mul3A_34 {offsets = [0, 8], sizes = [1024, 8], strides = [1, 1]} : vector<1024x64xf32> to vector<1024x8xf32>
    %add3A_37 = arith.addf %slice3A_35, %slice3A_36 : vector<1024x8xf32>
    %slice3A_38 = vector.extract_strided_slice %mul3A_34 {offsets = [0, 16], sizes = [1024, 8], strides = [1, 1]} : vector<1024x64xf32> to vector<1024x8xf32>
    %add3A_39 = arith.addf %add3A_37, %slice3A_38 : vector<1024x8xf32>
    %slice3A_40 = vector.extract_strided_slice %mul3A_34 {offsets = [0, 24], sizes = [1024, 8], strides = [1, 1]} : vector<1024x64xf32> to vector<1024x8xf32>
    %add3A_41 = arith.addf %add3A_39, %slice3A_40 : vector<1024x8xf32>
    %slice3A_42 = vector.extract_strided_slice %mul3A_34 {offsets = [0, 32], sizes = [1024, 8], strides = [1, 1]} : vector<1024x64xf32> to vector<1024x8xf32>
    %add3A_43 = arith.addf %add3A_41, %slice3A_42 : vector<1024x8xf32>
    %slice3A_44 = vector.extract_strided_slice %mul3A_34 {offsets = [0, 40], sizes = [1024, 8], strides = [1, 1]} : vector<1024x64xf32> to vector<1024x8xf32>
    %add3A_45 = arith.addf %add3A_43, %slice3A_44 : vector<1024x8xf32>
    %slice3A_46 = vector.extract_strided_slice %mul3A_34 {offsets = [0, 48], sizes = [1024, 8], strides = [1, 1]} : vector<1024x64xf32> to vector<1024x8xf32>
    %add3A_47 = arith.addf %add3A_45, %slice3A_46 : vector<1024x8xf32>
    %slice3A_48 = vector.extract_strided_slice %mul3A_34 {offsets = [0, 56], sizes = [1024, 8], strides = [1, 1]} : vector<1024x64xf32> to vector<1024x8xf32>
    %add3A_49 = arith.addf %add3A_47, %slice3A_48 : vector<1024x8xf32>
    %slice3A_50 = vector.extract_strided_slice %add3A_49 {offsets = [0, 0], sizes = [1024, 4], strides = [1, 1]} : vector<1024x8xf32> to vector<1024x4xf32>
    %slice3A_51 = vector.extract_strided_slice %add3A_49 {offsets = [0, 4], sizes = [1024, 4], strides = [1, 1]} : vector<1024x8xf32> to vector<1024x4xf32>
    %add3A_52 = arith.addf %slice3A_50, %slice3A_51 : vector<1024x4xf32>
    %slice3A_53 = vector.extract_strided_slice %add3A_52 {offsets = [0, 0], sizes = [1024, 2], strides = [1, 1]} : vector<1024x4xf32> to vector<1024x2xf32>
    %slice3A_54 = vector.extract_strided_slice %add3A_52 {offsets = [0, 2], sizes = [1024, 2], strides = [1, 1]} : vector<1024x4xf32> to vector<1024x2xf32>
    %add3A_55 = arith.addf %slice3A_53, %slice3A_54 : vector<1024x2xf32>
    %slice3A_56 = vector.extract_strided_slice %add3A_55 {offsets = [0, 0], sizes = [1024, 1], strides = [1, 1]} : vector<1024x2xf32> to vector<1024x1xf32>
    %slice3A_57 = vector.extract_strided_slice %add3A_55 {offsets = [0, 1], sizes = [1024, 1], strides = [1, 1]} : vector<1024x2xf32> to vector<1024x1xf32>
    %add3A_58 = arith.addf %slice3A_56, %slice3A_57 : vector<1024x1xf32>
    %squeeze3A = vector.shape_cast %add3A_58 : vector<1024x1xf32> to vector<1024xf32>
    %dot_general3A = arith.constant dense<0.000000e+00> : vector<1024x1024xf32>
    %dot_general3A_59 = tpu.matmul %get3A_1, %get3A_33, %dot_general3A {dimension_numbers = #tpu.dot_dimension_numbers<[1], [1], [0], [0], [0, 0, 1, 0], [], []>, transpose_lhs_hint = false} : vector<1024x64xf32>, vector<1024x64xf32>, vector<1024x1024xf32> -> vector<1024x1024xf32>
    %broadcast_in_dim3A_60 = vector.shape_cast %squeeze3A : vector<1024xf32> to vector<1x1024xf32>
    %add3A_61 = vector.broadcast %add3A_23 : vector<1024x1xf32> to vector<1024x1024xf32>
    %add3A_62 = vector.broadcast %broadcast_in_dim3A_60 : vector<1x1024xf32> to vector<1024x1024xf32>
    %add3A_63 = arith.addf %add3A_61, %add3A_62 : vector<1024x1024xf32>
    %mul3A_64 = arith.constant 2.000000e+00 : f32
    %mul3A_65 = vector.broadcast %mul3A_64 : f32 to vector<1024x1024xf32>
    %mul3A_66 = arith.mulf %mul3A_65, %dot_general3A_59 : vector<1024x1024xf32>
    %sub3A = arith.subf %add3A_63, %mul3A_66 : vector<1024x1024xf32>
    %reduce_min3A = arith.constant dense<0x7F800000> : vector<1024xf32>
    %reduce_min3A_67 = vector.multi_reduction <minimumf>, %sub3A, %reduce_min3A [1] : vector<1024x1024xf32> to vector<1024xf32>
    %iota3A = tpu.iota {dimensions = array<i32: 1>} : vector<1024x1024xi32>
    %broadcast_in_dim3A_68 = vector.shape_cast %reduce_min3A_67 : vector<1024xf32> to vector<1024x1xf32>
    %eq3A = vector.broadcast %broadcast_in_dim3A_68 : vector<1024x1xf32> to vector<1024x1024xf32>
    %eq3A_69 = arith.cmpf oeq, %sub3A, %eq3A : vector<1024x1024xf32>
    %jit3A = arith.constant 1073741824 : i32
    %broadcast_in_dim3A_70 = vector.broadcast %jit3A : i32 to vector<1024x1024xi32>
    %select_n3A = arith.select %eq3A_69, %iota3A, %broadcast_in_dim3A_70 : vector<1024x1024xi1>, vector<1024x1024xi32>
    %reduce_min3A_71 = arith.constant dense<2147483647> : vector<1024xi32>
    %reduce_min3A_72 = vector.multi_reduction <minsi>, %select_n3A, %reduce_min3A_71 [1] : vector<1024x1024xi32> to vector<1024xi32>
    %add3A_73 = arith.constant 0 : i32
    %add3A_74 = vector.broadcast %add3A_73 : i32 to vector<1024xi32>
    %add3A_75 = arith.addi %reduce_min3A_72, %add3A_74 : vector<1024xi32>
    %lt3A = arith.cmpf olt, %reduce_min3A_67, %broadcast_in_dim3A_28 : vector<1024xf32>
    %select_n3A_76 = arith.select %lt3A, %add3A_75, %broadcast_in_dim3A_30 : vector<1024xi1>, vector<1024xi32>
    %select_n3A_77 = arith.select %lt3A, %reduce_min3A_67, %broadcast_in_dim3A_28 : vector<1024xi1>, vector<1024xf32>
    %get3A_78 = arith.constant 1024 : index
    %get3A_79 = arith.constant 0 : index
    %get3A_80 = vector.load %arg2[%get3A_78, %get3A_79] : memref<8192x64xf32, #tpu.memory_space<vmem>>, vector<1024x64xf32>
    %mul3A_81 = arith.mulf %get3A_80, %get3A_80 : vector<1024x64xf32>
    %slice3A_82 = vector.extract_strided_slice %mul3A_81 {offsets = [0, 0], sizes = [1024, 8], strides = [1, 1]} : vector<1024x64xf32> to vector<1024x8xf32>
    %slice3A_83 = vector.extract_strided_slice %mul3A_81 {offsets = [0, 8], sizes = [1024, 8], strides = [1, 1]} : vector<1024x64xf32> to vector<1024x8xf32>
    %add3A_84 = arith.addf %slice3A_82, %slice3A_83 : vector<1024x8xf32>
    %slice3A_85 = vector.extract_strided_slice %mul3A_81 {offsets = [0, 16], sizes = [1024, 8], strides = [1, 1]} : vector<1024x64xf32> to vector<1024x8xf32>
    %add3A_86 = arith.addf %add3A_84, %slice3A_85 : vector<1024x8xf32>
    %slice3A_87 = vector.extract_strided_slice %mul3A_81 {offsets = [0, 24], sizes = [1024, 8], strides = [1, 1]} : vector<1024x64xf32> to vector<1024x8xf32>
    %add3A_88 = arith.addf %add3A_86, %slice3A_87 : vector<1024x8xf32>
    %slice3A_89 = vector.extract_strided_slice %mul3A_81 {offsets = [0, 32], sizes = [1024, 8], strides = [1, 1]} : vector<1024x64xf32> to vector<1024x8xf32>
    %add3A_90 = arith.addf %add3A_88, %slice3A_89 : vector<1024x8xf32>
    %slice3A_91 = vector.extract_strided_slice %mul3A_81 {offsets = [0, 40], sizes = [1024, 8], strides = [1, 1]} : vector<1024x64xf32> to vector<1024x8xf32>
    %add3A_92 = arith.addf %add3A_90, %slice3A_91 : vector<1024x8xf32>
    %slice3A_93 = vector.extract_strided_slice %mul3A_81 {offsets = [0, 48], sizes = [1024, 8], strides = [1, 1]} : vector<1024x64xf32> to vector<1024x8xf32>
    %add3A_94 = arith.addf %add3A_92, %slice3A_93 : vector<1024x8xf32>
    %slice3A_95 = vector.extract_strided_slice %mul3A_81 {offsets = [0, 56], sizes = [1024, 8], strides = [1, 1]} : vector<1024x64xf32> to vector<1024x8xf32>
    %add3A_96 = arith.addf %add3A_94, %slice3A_95 : vector<1024x8xf32>
    %slice3A_97 = vector.extract_strided_slice %add3A_96 {offsets = [0, 0], sizes = [1024, 4], strides = [1, 1]} : vector<1024x8xf32> to vector<1024x4xf32>
    %slice3A_98 = vector.extract_strided_slice %add3A_96 {offsets = [0, 4], sizes = [1024, 4], strides = [1, 1]} : vector<1024x8xf32> to vector<1024x4xf32>
    %add3A_99 = arith.addf %slice3A_97, %slice3A_98 : vector<1024x4xf32>
    %slice3A_100 = vector.extract_strided_slice %add3A_99 {offsets = [0, 0], sizes = [1024, 2], strides = [1, 1]} : vector<1024x4xf32> to vector<1024x2xf32>
    %slice3A_101 = vector.extract_strided_slice %add3A_99 {offsets = [0, 2], sizes = [1024, 2], strides = [1, 1]} : vector<1024x4xf32> to vector<1024x2xf32>
    %add3A_102 = arith.addf %slice3A_100, %slice3A_101 : vector<1024x2xf32>
    %slice3A_103 = vector.extract_strided_slice %add3A_102 {offsets = [0, 0], sizes = [1024, 1], strides = [1, 1]} : vector<1024x2xf32> to vector<1024x1xf32>
    %slice3A_104 = vector.extract_strided_slice %add3A_102 {offsets = [0, 1], sizes = [1024, 1], strides = [1, 1]} : vector<1024x2xf32> to vector<1024x1xf32>
    %add3A_105 = arith.addf %slice3A_103, %slice3A_104 : vector<1024x1xf32>
    %squeeze3A_106 = vector.shape_cast %add3A_105 : vector<1024x1xf32> to vector<1024xf32>
    %dot_general3A_107 = arith.constant dense<0.000000e+00> : vector<1024x1024xf32>
    %dot_general3A_108 = tpu.matmul %get3A_1, %get3A_80, %dot_general3A_107 {dimension_numbers = #tpu.dot_dimension_numbers<[1], [1], [0], [0], [0, 0, 1, 0], [], []>, transpose_lhs_hint = false} : vector<1024x64xf32>, vector<1024x64xf32>, vector<1024x1024xf32> -> vector<1024x1024xf32>
    %broadcast_in_dim3A_109 = vector.shape_cast %squeeze3A_106 : vector<1024xf32> to vector<1x1024xf32>
    %add3A_110 = vector.broadcast %add3A_23 : vector<1024x1xf32> to vector<1024x1024xf32>
    %add3A_111 = vector.broadcast %broadcast_in_dim3A_109 : vector<1x1024xf32> to vector<1024x1024xf32>
    %add3A_112 = arith.addf %add3A_110, %add3A_111 : vector<1024x1024xf32>
    %mul3A_113 = arith.constant 2.000000e+00 : f32
    %mul3A_114 = vector.broadcast %mul3A_113 : f32 to vector<1024x1024xf32>
    %mul3A_115 = arith.mulf %mul3A_114, %dot_general3A_108 : vector<1024x1024xf32>
    %sub3A_116 = arith.subf %add3A_112, %mul3A_115 : vector<1024x1024xf32>
    %reduce_min3A_117 = arith.constant dense<0x7F800000> : vector<1024xf32>
    %reduce_min3A_118 = vector.multi_reduction <minimumf>, %sub3A_116, %reduce_min3A_117 [1] : vector<1024x1024xf32> to vector<1024xf32>
    %iota3A_119 = tpu.iota {dimensions = array<i32: 1>} : vector<1024x1024xi32>
    %broadcast_in_dim3A_120 = vector.shape_cast %reduce_min3A_118 : vector<1024xf32> to vector<1024x1xf32>
    %eq3A_121 = vector.broadcast %broadcast_in_dim3A_120 : vector<1024x1xf32> to vector<1024x1024xf32>
    %eq3A_122 = arith.cmpf oeq, %sub3A_116, %eq3A_121 : vector<1024x1024xf32>
    %jit3A_123 = arith.constant 1073741824 : i32
    %broadcast_in_dim3A_124 = vector.broadcast %jit3A_123 : i32 to vector<1024x1024xi32>
    %select_n3A_125 = arith.select %eq3A_122, %iota3A_119, %broadcast_in_dim3A_124 : vector<1024x1024xi1>, vector<1024x1024xi32>
    %reduce_min3A_126 = arith.constant dense<2147483647> : vector<1024xi32>
    %reduce_min3A_127 = vector.multi_reduction <minsi>, %select_n3A_125, %reduce_min3A_126 [1] : vector<1024x1024xi32> to vector<1024xi32>
    %add3A_128 = arith.constant 1024 : i32
    %add3A_129 = vector.broadcast %add3A_128 : i32 to vector<1024xi32>
    %add3A_130 = arith.addi %reduce_min3A_127, %add3A_129 : vector<1024xi32>
    %lt3A_131 = arith.cmpf olt, %reduce_min3A_118, %select_n3A_77 : vector<1024xf32>
    %select_n3A_132 = arith.select %lt3A_131, %add3A_130, %select_n3A_76 : vector<1024xi1>, vector<1024xi32>
    %select_n3A_133 = arith.select %lt3A_131, %reduce_min3A_118, %select_n3A_77 : vector<1024xi1>, vector<1024xf32>
    %convert_element_type3A = arith.truncf %broadcast_in_dim3A_24 : vector<1024xf32> to vector<1024xbf16>
    %convert_element_type3A_134 = arith.extf %convert_element_type3A : vector<1024xbf16> to vector<1024xf32>
    %lt3A_135 = arith.cmpf olt, %select_n3A_133, %convert_element_type3A_134 : vector<1024xf32>
    %select_n3A_136 = arith.select %lt3A_135, %select_n3A_132, %broadcast_in_dim3A_26 : vector<1024xi1>, vector<1024xi32>
    %select_n3A_137 = arith.select %lt3A_135, %select_n3A_133, %broadcast_in_dim3A_24 : vector<1024xi1>, vector<1024xf32>
    %broadcast_in_dim3A_138 = arith.constant 0x7F800000 : f32
    %broadcast_in_dim3A_139 = vector.broadcast %broadcast_in_dim3A_138 : f32 to vector<1024xf32>
    %broadcast_in_dim3A_140 = arith.constant 0 : i32
    %broadcast_in_dim3A_141 = vector.broadcast %broadcast_in_dim3A_140 : i32 to vector<1024xi32>
    %get3A_142 = arith.constant 2048 : index
    %get3A_143 = arith.constant 0 : index
    %get3A_144 = vector.load %arg2[%get3A_142, %get3A_143] : memref<8192x64xf32, #tpu.memory_space<vmem>>, vector<1024x64xf32>
    %mul3A_145 = arith.mulf %get3A_144, %get3A_144 : vector<1024x64xf32>
    %slice3A_146 = vector.extract_strided_slice %mul3A_145 {offsets = [0, 0], sizes = [1024, 8], strides = [1, 1]} : vector<1024x64xf32> to vector<1024x8xf32>
    %slice3A_147 = vector.extract_strided_slice %mul3A_145 {offsets = [0, 8], sizes = [1024, 8], strides = [1, 1]} : vector<1024x64xf32> to vector<1024x8xf32>
    %add3A_148 = arith.addf %slice3A_146, %slice3A_147 : vector<1024x8xf32>
    %slice3A_149 = vector.extract_strided_slice %mul3A_145 {offsets = [0, 16], sizes = [1024, 8], strides = [1, 1]} : vector<1024x64xf32> to vector<1024x8xf32>
    %add3A_150 = arith.addf %add3A_148, %slice3A_149 : vector<1024x8xf32>
    %slice3A_151 = vector.extract_strided_slice %mul3A_145 {offsets = [0, 24], sizes = [1024, 8], strides = [1, 1]} : vector<1024x64xf32> to vector<1024x8xf32>
    %add3A_152 = arith.addf %add3A_150, %slice3A_151 : vector<1024x8xf32>
    %slice3A_153 = vector.extract_strided_slice %mul3A_145 {offsets = [0, 32], sizes = [1024, 8], strides = [1, 1]} : vector<1024x64xf32> to vector<1024x8xf32>
    %add3A_154 = arith.addf %add3A_152, %slice3A_153 : vector<1024x8xf32>
    %slice3A_155 = vector.extract_strided_slice %mul3A_145 {offsets = [0, 40], sizes = [1024, 8], strides = [1, 1]} : vector<1024x64xf32> to vector<1024x8xf32>
    %add3A_156 = arith.addf %add3A_154, %slice3A_155 : vector<1024x8xf32>
    %slice3A_157 = vector.extract_strided_slice %mul3A_145 {offsets = [0, 48], sizes = [1024, 8], strides = [1, 1]} : vector<1024x64xf32> to vector<1024x8xf32>
    %add3A_158 = arith.addf %add3A_156, %slice3A_157 : vector<1024x8xf32>
    %slice3A_159 = vector.extract_strided_slice %mul3A_145 {offsets = [0, 56], sizes = [1024, 8], strides = [1, 1]} : vector<1024x64xf32> to vector<1024x8xf32>
    %add3A_160 = arith.addf %add3A_158, %slice3A_159 : vector<1024x8xf32>
    %slice3A_161 = vector.extract_strided_slice %add3A_160 {offsets = [0, 0], sizes = [1024, 4], strides = [1, 1]} : vector<1024x8xf32> to vector<1024x4xf32>
    %slice3A_162 = vector.extract_strided_slice %add3A_160 {offsets = [0, 4], sizes = [1024, 4], strides = [1, 1]} : vector<1024x8xf32> to vector<1024x4xf32>
    %add3A_163 = arith.addf %slice3A_161, %slice3A_162 : vector<1024x4xf32>
    %slice3A_164 = vector.extract_strided_slice %add3A_163 {offsets = [0, 0], sizes = [1024, 2], strides = [1, 1]} : vector<1024x4xf32> to vector<1024x2xf32>
    %slice3A_165 = vector.extract_strided_slice %add3A_163 {offsets = [0, 2], sizes = [1024, 2], strides = [1, 1]} : vector<1024x4xf32> to vector<1024x2xf32>
    %add3A_166 = arith.addf %slice3A_164, %slice3A_165 : vector<1024x2xf32>
    %slice3A_167 = vector.extract_strided_slice %add3A_166 {offsets = [0, 0], sizes = [1024, 1], strides = [1, 1]} : vector<1024x2xf32> to vector<1024x1xf32>
    %slice3A_168 = vector.extract_strided_slice %add3A_166 {offsets = [0, 1], sizes = [1024, 1], strides = [1, 1]} : vector<1024x2xf32> to vector<1024x1xf32>
    %add3A_169 = arith.addf %slice3A_167, %slice3A_168 : vector<1024x1xf32>
    %squeeze3A_170 = vector.shape_cast %add3A_169 : vector<1024x1xf32> to vector<1024xf32>
    %dot_general3A_171 = arith.constant dense<0.000000e+00> : vector<1024x1024xf32>
    %dot_general3A_172 = tpu.matmul %get3A_1, %get3A_144, %dot_general3A_171 {dimension_numbers = #tpu.dot_dimension_numbers<[1], [1], [0], [0], [0, 0, 1, 0], [], []>, transpose_lhs_hint = false} : vector<1024x64xf32>, vector<1024x64xf32>, vector<1024x1024xf32> -> vector<1024x1024xf32>
    %broadcast_in_dim3A_173 = vector.shape_cast %squeeze3A_170 : vector<1024xf32> to vector<1x1024xf32>
    %add3A_174 = vector.broadcast %add3A_23 : vector<1024x1xf32> to vector<1024x1024xf32>
    %add3A_175 = vector.broadcast %broadcast_in_dim3A_173 : vector<1x1024xf32> to vector<1024x1024xf32>
    %add3A_176 = arith.addf %add3A_174, %add3A_175 : vector<1024x1024xf32>
    %mul3A_177 = arith.constant 2.000000e+00 : f32
    %mul3A_178 = vector.broadcast %mul3A_177 : f32 to vector<1024x1024xf32>
    %mul3A_179 = arith.mulf %mul3A_178, %dot_general3A_172 : vector<1024x1024xf32>
    %sub3A_180 = arith.subf %add3A_176, %mul3A_179 : vector<1024x1024xf32>
    %reduce_min3A_181 = arith.constant dense<0x7F800000> : vector<1024xf32>
    %reduce_min3A_182 = vector.multi_reduction <minimumf>, %sub3A_180, %reduce_min3A_181 [1] : vector<1024x1024xf32> to vector<1024xf32>
    %iota3A_183 = tpu.iota {dimensions = array<i32: 1>} : vector<1024x1024xi32>
    %broadcast_in_dim3A_184 = vector.shape_cast %reduce_min3A_182 : vector<1024xf32> to vector<1024x1xf32>
    %eq3A_185 = vector.broadcast %broadcast_in_dim3A_184 : vector<1024x1xf32> to vector<1024x1024xf32>
    %eq3A_186 = arith.cmpf oeq, %sub3A_180, %eq3A_185 : vector<1024x1024xf32>
    %jit3A_187 = arith.constant 1073741824 : i32
    %broadcast_in_dim3A_188 = vector.broadcast %jit3A_187 : i32 to vector<1024x1024xi32>
    %select_n3A_189 = arith.select %eq3A_186, %iota3A_183, %broadcast_in_dim3A_188 : vector<1024x1024xi1>, vector<1024x1024xi32>
    %reduce_min3A_190 = arith.constant dense<2147483647> : vector<1024xi32>
    %reduce_min3A_191 = vector.multi_reduction <minsi>, %select_n3A_189, %reduce_min3A_190 [1] : vector<1024x1024xi32> to vector<1024xi32>
    %add3A_192 = arith.constant 2048 : i32
    %add3A_193 = vector.broadcast %add3A_192 : i32 to vector<1024xi32>
    %add3A_194 = arith.addi %reduce_min3A_191, %add3A_193 : vector<1024xi32>
    %lt3A_195 = arith.cmpf olt, %reduce_min3A_182, %broadcast_in_dim3A_139 : vector<1024xf32>
    %select_n3A_196 = arith.select %lt3A_195, %add3A_194, %broadcast_in_dim3A_141 : vector<1024xi1>, vector<1024xi32>
    %select_n3A_197 = arith.select %lt3A_195, %reduce_min3A_182, %broadcast_in_dim3A_139 : vector<1024xi1>, vector<1024xf32>
    %get3A_198 = arith.constant 3072 : index
    %get3A_199 = arith.constant 0 : index
    %get3A_200 = vector.load %arg2[%get3A_198, %get3A_199] : memref<8192x64xf32, #tpu.memory_space<vmem>>, vector<1024x64xf32>
    %mul3A_201 = arith.mulf %get3A_200, %get3A_200 : vector<1024x64xf32>
    %slice3A_202 = vector.extract_strided_slice %mul3A_201 {offsets = [0, 0], sizes = [1024, 8], strides = [1, 1]} : vector<1024x64xf32> to vector<1024x8xf32>
    %slice3A_203 = vector.extract_strided_slice %mul3A_201 {offsets = [0, 8], sizes = [1024, 8], strides = [1, 1]} : vector<1024x64xf32> to vector<1024x8xf32>
    %add3A_204 = arith.addf %slice3A_202, %slice3A_203 : vector<1024x8xf32>
    %slice3A_205 = vector.extract_strided_slice %mul3A_201 {offsets = [0, 16], sizes = [1024, 8], strides = [1, 1]} : vector<1024x64xf32> to vector<1024x8xf32>
    %add3A_206 = arith.addf %add3A_204, %slice3A_205 : vector<1024x8xf32>
    %slice3A_207 = vector.extract_strided_slice %mul3A_201 {offsets = [0, 24], sizes = [1024, 8], strides = [1, 1]} : vector<1024x64xf32> to vector<1024x8xf32>
    %add3A_208 = arith.addf %add3A_206, %slice3A_207 : vector<1024x8xf32>
    %slice3A_209 = vector.extract_strided_slice %mul3A_201 {offsets = [0, 32], sizes = [1024, 8], strides = [1, 1]} : vector<1024x64xf32> to vector<1024x8xf32>
    %add3A_210 = arith.addf %add3A_208, %slice3A_209 : vector<1024x8xf32>
    %slice3A_211 = vector.extract_strided_slice %mul3A_201 {offsets = [0, 40], sizes = [1024, 8], strides = [1, 1]} : vector<1024x64xf32> to vector<1024x8xf32>
    %add3A_212 = arith.addf %add3A_210, %slice3A_211 : vector<1024x8xf32>
    %slice3A_213 = vector.extract_strided_slice %mul3A_201 {offsets = [0, 48], sizes = [1024, 8], strides = [1, 1]} : vector<1024x64xf32> to vector<1024x8xf32>
    %add3A_214 = arith.addf %add3A_212, %slice3A_213 : vector<1024x8xf32>
    %slice3A_215 = vector.extract_strided_slice %mul3A_201 {offsets = [0, 56], sizes = [1024, 8], strides = [1, 1]} : vector<1024x64xf32> to vector<1024x8xf32>
    %add3A_216 = arith.addf %add3A_214, %slice3A_215 : vector<1024x8xf32>
    %slice3A_217 = vector.extract_strided_slice %add3A_216 {offsets = [0, 0], sizes = [1024, 4], strides = [1, 1]} : vector<1024x8xf32> to vector<1024x4xf32>
    %slice3A_218 = vector.extract_strided_slice %add3A_216 {offsets = [0, 4], sizes = [1024, 4], strides = [1, 1]} : vector<1024x8xf32> to vector<1024x4xf32>
    %add3A_219 = arith.addf %slice3A_217, %slice3A_218 : vector<1024x4xf32>
    %slice3A_220 = vector.extract_strided_slice %add3A_219 {offsets = [0, 0], sizes = [1024, 2], strides = [1, 1]} : vector<1024x4xf32> to vector<1024x2xf32>
    %slice3A_221 = vector.extract_strided_slice %add3A_219 {offsets = [0, 2], sizes = [1024, 2], strides = [1, 1]} : vector<1024x4xf32> to vector<1024x2xf32>
    %add3A_222 = arith.addf %slice3A_220, %slice3A_221 : vector<1024x2xf32>
    %slice3A_223 = vector.extract_strided_slice %add3A_222 {offsets = [0, 0], sizes = [1024, 1], strides = [1, 1]} : vector<1024x2xf32> to vector<1024x1xf32>
    %slice3A_224 = vector.extract_strided_slice %add3A_222 {offsets = [0, 1], sizes = [1024, 1], strides = [1, 1]} : vector<1024x2xf32> to vector<1024x1xf32>
    %add3A_225 = arith.addf %slice3A_223, %slice3A_224 : vector<1024x1xf32>
    %squeeze3A_226 = vector.shape_cast %add3A_225 : vector<1024x1xf32> to vector<1024xf32>
    %dot_general3A_227 = arith.constant dense<0.000000e+00> : vector<1024x1024xf32>
    %dot_general3A_228 = tpu.matmul %get3A_1, %get3A_200, %dot_general3A_227 {dimension_numbers = #tpu.dot_dimension_numbers<[1], [1], [0], [0], [0, 0, 1, 0], [], []>, transpose_lhs_hint = false} : vector<1024x64xf32>, vector<1024x64xf32>, vector<1024x1024xf32> -> vector<1024x1024xf32>
    %broadcast_in_dim3A_229 = vector.shape_cast %squeeze3A_226 : vector<1024xf32> to vector<1x1024xf32>
    %add3A_230 = vector.broadcast %add3A_23 : vector<1024x1xf32> to vector<1024x1024xf32>
    %add3A_231 = vector.broadcast %broadcast_in_dim3A_229 : vector<1x1024xf32> to vector<1024x1024xf32>
    %add3A_232 = arith.addf %add3A_230, %add3A_231 : vector<1024x1024xf32>
    %mul3A_233 = arith.constant 2.000000e+00 : f32
    %mul3A_234 = vector.broadcast %mul3A_233 : f32 to vector<1024x1024xf32>
    %mul3A_235 = arith.mulf %mul3A_234, %dot_general3A_228 : vector<1024x1024xf32>
    %sub3A_236 = arith.subf %add3A_232, %mul3A_235 : vector<1024x1024xf32>
    %reduce_min3A_237 = arith.constant dense<0x7F800000> : vector<1024xf32>
    %reduce_min3A_238 = vector.multi_reduction <minimumf>, %sub3A_236, %reduce_min3A_237 [1] : vector<1024x1024xf32> to vector<1024xf32>
    %iota3A_239 = tpu.iota {dimensions = array<i32: 1>} : vector<1024x1024xi32>
    %broadcast_in_dim3A_240 = vector.shape_cast %reduce_min3A_238 : vector<1024xf32> to vector<1024x1xf32>
    %eq3A_241 = vector.broadcast %broadcast_in_dim3A_240 : vector<1024x1xf32> to vector<1024x1024xf32>
    %eq3A_242 = arith.cmpf oeq, %sub3A_236, %eq3A_241 : vector<1024x1024xf32>
    %jit3A_243 = arith.constant 1073741824 : i32
    %broadcast_in_dim3A_244 = vector.broadcast %jit3A_243 : i32 to vector<1024x1024xi32>
    %select_n3A_245 = arith.select %eq3A_242, %iota3A_239, %broadcast_in_dim3A_244 : vector<1024x1024xi1>, vector<1024x1024xi32>
    %reduce_min3A_246 = arith.constant dense<2147483647> : vector<1024xi32>
    %reduce_min3A_247 = vector.multi_reduction <minsi>, %select_n3A_245, %reduce_min3A_246 [1] : vector<1024x1024xi32> to vector<1024xi32>
    %add3A_248 = arith.constant 3072 : i32
    %add3A_249 = vector.broadcast %add3A_248 : i32 to vector<1024xi32>
    %add3A_250 = arith.addi %reduce_min3A_247, %add3A_249 : vector<1024xi32>
    %lt3A_251 = arith.cmpf olt, %reduce_min3A_238, %select_n3A_197 : vector<1024xf32>
    %select_n3A_252 = arith.select %lt3A_251, %add3A_250, %select_n3A_196 : vector<1024xi1>, vector<1024xi32>
    %select_n3A_253 = arith.select %lt3A_251, %reduce_min3A_238, %select_n3A_197 : vector<1024xi1>, vector<1024xf32>
    %convert_element_type3A_254 = arith.truncf %select_n3A_137 : vector<1024xf32> to vector<1024xbf16>
    %convert_element_type3A_255 = arith.extf %convert_element_type3A_254 : vector<1024xbf16> to vector<1024xf32>
    %lt3A_256 = arith.cmpf olt, %select_n3A_253, %convert_element_type3A_255 : vector<1024xf32>
    %select_n3A_257 = arith.select %lt3A_256, %select_n3A_252, %select_n3A_136 : vector<1024xi1>, vector<1024xi32>
    %select_n3A_258 = arith.select %lt3A_256, %select_n3A_253, %select_n3A_137 : vector<1024xi1>, vector<1024xf32>
    %broadcast_in_dim3A_259 = arith.constant 0x7F800000 : f32
    %broadcast_in_dim3A_260 = vector.broadcast %broadcast_in_dim3A_259 : f32 to vector<1024xf32>
    %broadcast_in_dim3A_261 = arith.constant 0 : i32
    %broadcast_in_dim3A_262 = vector.broadcast %broadcast_in_dim3A_261 : i32 to vector<1024xi32>
    %get3A_263 = arith.constant 4096 : index
    %get3A_264 = arith.constant 0 : index
    %get3A_265 = vector.load %arg2[%get3A_263, %get3A_264] : memref<8192x64xf32, #tpu.memory_space<vmem>>, vector<1024x64xf32>
    %mul3A_266 = arith.mulf %get3A_265, %get3A_265 : vector<1024x64xf32>
    %slice3A_267 = vector.extract_strided_slice %mul3A_266 {offsets = [0, 0], sizes = [1024, 8], strides = [1, 1]} : vector<1024x64xf32> to vector<1024x8xf32>
    %slice3A_268 = vector.extract_strided_slice %mul3A_266 {offsets = [0, 8], sizes = [1024, 8], strides = [1, 1]} : vector<1024x64xf32> to vector<1024x8xf32>
    %add3A_269 = arith.addf %slice3A_267, %slice3A_268 : vector<1024x8xf32>
    %slice3A_270 = vector.extract_strided_slice %mul3A_266 {offsets = [0, 16], sizes = [1024, 8], strides = [1, 1]} : vector<1024x64xf32> to vector<1024x8xf32>
    %add3A_271 = arith.addf %add3A_269, %slice3A_270 : vector<1024x8xf32>
    %slice3A_272 = vector.extract_strided_slice %mul3A_266 {offsets = [0, 24], sizes = [1024, 8], strides = [1, 1]} : vector<1024x64xf32> to vector<1024x8xf32>
    %add3A_273 = arith.addf %add3A_271, %slice3A_272 : vector<1024x8xf32>
    %slice3A_274 = vector.extract_strided_slice %mul3A_266 {offsets = [0, 32], sizes = [1024, 8], strides = [1, 1]} : vector<1024x64xf32> to vector<1024x8xf32>
    %add3A_275 = arith.addf %add3A_273, %slice3A_274 : vector<1024x8xf32>
    %slice3A_276 = vector.extract_strided_slice %mul3A_266 {offsets = [0, 40], sizes = [1024, 8], strides = [1, 1]} : vector<1024x64xf32> to vector<1024x8xf32>
    %add3A_277 = arith.addf %add3A_275, %slice3A_276 : vector<1024x8xf32>
    %slice3A_278 = vector.extract_strided_slice %mul3A_266 {offsets = [0, 48], sizes = [1024, 8], strides = [1, 1]} : vector<1024x64xf32> to vector<1024x8xf32>
    %add3A_279 = arith.addf %add3A_277, %slice3A_278 : vector<1024x8xf32>
    %slice3A_280 = vector.extract_strided_slice %mul3A_266 {offsets = [0, 56], sizes = [1024, 8], strides = [1, 1]} : vector<1024x64xf32> to vector<1024x8xf32>
    %add3A_281 = arith.addf %add3A_279, %slice3A_280 : vector<1024x8xf32>
    %slice3A_282 = vector.extract_strided_slice %add3A_281 {offsets = [0, 0], sizes = [1024, 4], strides = [1, 1]} : vector<1024x8xf32> to vector<1024x4xf32>
    %slice3A_283 = vector.extract_strided_slice %add3A_281 {offsets = [0, 4], sizes = [1024, 4], strides = [1, 1]} : vector<1024x8xf32> to vector<1024x4xf32>
    %add3A_284 = arith.addf %slice3A_282, %slice3A_283 : vector<1024x4xf32>
    %slice3A_285 = vector.extract_strided_slice %add3A_284 {offsets = [0, 0], sizes = [1024, 2], strides = [1, 1]} : vector<1024x4xf32> to vector<1024x2xf32>
    %slice3A_286 = vector.extract_strided_slice %add3A_284 {offsets = [0, 2], sizes = [1024, 2], strides = [1, 1]} : vector<1024x4xf32> to vector<1024x2xf32>
    %add3A_287 = arith.addf %slice3A_285, %slice3A_286 : vector<1024x2xf32>
    %slice3A_288 = vector.extract_strided_slice %add3A_287 {offsets = [0, 0], sizes = [1024, 1], strides = [1, 1]} : vector<1024x2xf32> to vector<1024x1xf32>
    %slice3A_289 = vector.extract_strided_slice %add3A_287 {offsets = [0, 1], sizes = [1024, 1], strides = [1, 1]} : vector<1024x2xf32> to vector<1024x1xf32>
    %add3A_290 = arith.addf %slice3A_288, %slice3A_289 : vector<1024x1xf32>
    %squeeze3A_291 = vector.shape_cast %add3A_290 : vector<1024x1xf32> to vector<1024xf32>
    %dot_general3A_292 = arith.constant dense<0.000000e+00> : vector<1024x1024xf32>
    %dot_general3A_293 = tpu.matmul %get3A_1, %get3A_265, %dot_general3A_292 {dimension_numbers = #tpu.dot_dimension_numbers<[1], [1], [0], [0], [0, 0, 1, 0], [], []>, transpose_lhs_hint = false} : vector<1024x64xf32>, vector<1024x64xf32>, vector<1024x1024xf32> -> vector<1024x1024xf32>
    %broadcast_in_dim3A_294 = vector.shape_cast %squeeze3A_291 : vector<1024xf32> to vector<1x1024xf32>
    %add3A_295 = vector.broadcast %add3A_23 : vector<1024x1xf32> to vector<1024x1024xf32>
    %add3A_296 = vector.broadcast %broadcast_in_dim3A_294 : vector<1x1024xf32> to vector<1024x1024xf32>
    %add3A_297 = arith.addf %add3A_295, %add3A_296 : vector<1024x1024xf32>
    %mul3A_298 = arith.constant 2.000000e+00 : f32
    %mul3A_299 = vector.broadcast %mul3A_298 : f32 to vector<1024x1024xf32>
    %mul3A_300 = arith.mulf %mul3A_299, %dot_general3A_293 : vector<1024x1024xf32>
    %sub3A_301 = arith.subf %add3A_297, %mul3A_300 : vector<1024x1024xf32>
    %reduce_min3A_302 = arith.constant dense<0x7F800000> : vector<1024xf32>
    %reduce_min3A_303 = vector.multi_reduction <minimumf>, %sub3A_301, %reduce_min3A_302 [1] : vector<1024x1024xf32> to vector<1024xf32>
    %iota3A_304 = tpu.iota {dimensions = array<i32: 1>} : vector<1024x1024xi32>
    %broadcast_in_dim3A_305 = vector.shape_cast %reduce_min3A_303 : vector<1024xf32> to vector<1024x1xf32>
    %eq3A_306 = vector.broadcast %broadcast_in_dim3A_305 : vector<1024x1xf32> to vector<1024x1024xf32>
    %eq3A_307 = arith.cmpf oeq, %sub3A_301, %eq3A_306 : vector<1024x1024xf32>
    %jit3A_308 = arith.constant 1073741824 : i32
    %broadcast_in_dim3A_309 = vector.broadcast %jit3A_308 : i32 to vector<1024x1024xi32>
    %select_n3A_310 = arith.select %eq3A_307, %iota3A_304, %broadcast_in_dim3A_309 : vector<1024x1024xi1>, vector<1024x1024xi32>
    %reduce_min3A_311 = arith.constant dense<2147483647> : vector<1024xi32>
    %reduce_min3A_312 = vector.multi_reduction <minsi>, %select_n3A_310, %reduce_min3A_311 [1] : vector<1024x1024xi32> to vector<1024xi32>
    %add3A_313 = arith.constant 4096 : i32
    %add3A_314 = vector.broadcast %add3A_313 : i32 to vector<1024xi32>
    %add3A_315 = arith.addi %reduce_min3A_312, %add3A_314 : vector<1024xi32>
    %lt3A_316 = arith.cmpf olt, %reduce_min3A_303, %broadcast_in_dim3A_260 : vector<1024xf32>
    %select_n3A_317 = arith.select %lt3A_316, %add3A_315, %broadcast_in_dim3A_262 : vector<1024xi1>, vector<1024xi32>
    %select_n3A_318 = arith.select %lt3A_316, %reduce_min3A_303, %broadcast_in_dim3A_260 : vector<1024xi1>, vector<1024xf32>
    %get3A_319 = arith.constant 5120 : index
    %get3A_320 = arith.constant 0 : index
    %get3A_321 = vector.load %arg2[%get3A_319, %get3A_320] : memref<8192x64xf32, #tpu.memory_space<vmem>>, vector<1024x64xf32>
    %mul3A_322 = arith.mulf %get3A_321, %get3A_321 : vector<1024x64xf32>
    %slice3A_323 = vector.extract_strided_slice %mul3A_322 {offsets = [0, 0], sizes = [1024, 8], strides = [1, 1]} : vector<1024x64xf32> to vector<1024x8xf32>
    %slice3A_324 = vector.extract_strided_slice %mul3A_322 {offsets = [0, 8], sizes = [1024, 8], strides = [1, 1]} : vector<1024x64xf32> to vector<1024x8xf32>
    %add3A_325 = arith.addf %slice3A_323, %slice3A_324 : vector<1024x8xf32>
    %slice3A_326 = vector.extract_strided_slice %mul3A_322 {offsets = [0, 16], sizes = [1024, 8], strides = [1, 1]} : vector<1024x64xf32> to vector<1024x8xf32>
    %add3A_327 = arith.addf %add3A_325, %slice3A_326 : vector<1024x8xf32>
    %slice3A_328 = vector.extract_strided_slice %mul3A_322 {offsets = [0, 24], sizes = [1024, 8], strides = [1, 1]} : vector<1024x64xf32> to vector<1024x8xf32>
    %add3A_329 = arith.addf %add3A_327, %slice3A_328 : vector<1024x8xf32>
    %slice3A_330 = vector.extract_strided_slice %mul3A_322 {offsets = [0, 32], sizes = [1024, 8], strides = [1, 1]} : vector<1024x64xf32> to vector<1024x8xf32>
    %add3A_331 = arith.addf %add3A_329, %slice3A_330 : vector<1024x8xf32>
    %slice3A_332 = vector.extract_strided_slice %mul3A_322 {offsets = [0, 40], sizes = [1024, 8], strides = [1, 1]} : vector<1024x64xf32> to vector<1024x8xf32>
    %add3A_333 = arith.addf %add3A_331, %slice3A_332 : vector<1024x8xf32>
    %slice3A_334 = vector.extract_strided_slice %mul3A_322 {offsets = [0, 48], sizes = [1024, 8], strides = [1, 1]} : vector<1024x64xf32> to vector<1024x8xf32>
    %add3A_335 = arith.addf %add3A_333, %slice3A_334 : vector<1024x8xf32>
    %slice3A_336 = vector.extract_strided_slice %mul3A_322 {offsets = [0, 56], sizes = [1024, 8], strides = [1, 1]} : vector<1024x64xf32> to vector<1024x8xf32>
    %add3A_337 = arith.addf %add3A_335, %slice3A_336 : vector<1024x8xf32>
    %slice3A_338 = vector.extract_strided_slice %add3A_337 {offsets = [0, 0], sizes = [1024, 4], strides = [1, 1]} : vector<1024x8xf32> to vector<1024x4xf32>
    %slice3A_339 = vector.extract_strided_slice %add3A_337 {offsets = [0, 4], sizes = [1024, 4], strides = [1, 1]} : vector<1024x8xf32> to vector<1024x4xf32>
    %add3A_340 = arith.addf %slice3A_338, %slice3A_339 : vector<1024x4xf32>
    %slice3A_341 = vector.extract_strided_slice %add3A_340 {offsets = [0, 0], sizes = [1024, 2], strides = [1, 1]} : vector<1024x4xf32> to vector<1024x2xf32>
    %slice3A_342 = vector.extract_strided_slice %add3A_340 {offsets = [0, 2], sizes = [1024, 2], strides = [1, 1]} : vector<1024x4xf32> to vector<1024x2xf32>
    %add3A_343 = arith.addf %slice3A_341, %slice3A_342 : vector<1024x2xf32>
    %slice3A_344 = vector.extract_strided_slice %add3A_343 {offsets = [0, 0], sizes = [1024, 1], strides = [1, 1]} : vector<1024x2xf32> to vector<1024x1xf32>
    %slice3A_345 = vector.extract_strided_slice %add3A_343 {offsets = [0, 1], sizes = [1024, 1], strides = [1, 1]} : vector<1024x2xf32> to vector<1024x1xf32>
    %add3A_346 = arith.addf %slice3A_344, %slice3A_345 : vector<1024x1xf32>
    %squeeze3A_347 = vector.shape_cast %add3A_346 : vector<1024x1xf32> to vector<1024xf32>
    %dot_general3A_348 = arith.constant dense<0.000000e+00> : vector<1024x1024xf32>
    %dot_general3A_349 = tpu.matmul %get3A_1, %get3A_321, %dot_general3A_348 {dimension_numbers = #tpu.dot_dimension_numbers<[1], [1], [0], [0], [0, 0, 1, 0], [], []>, transpose_lhs_hint = false} : vector<1024x64xf32>, vector<1024x64xf32>, vector<1024x1024xf32> -> vector<1024x1024xf32>
    %broadcast_in_dim3A_350 = vector.shape_cast %squeeze3A_347 : vector<1024xf32> to vector<1x1024xf32>
    %add3A_351 = vector.broadcast %add3A_23 : vector<1024x1xf32> to vector<1024x1024xf32>
    %add3A_352 = vector.broadcast %broadcast_in_dim3A_350 : vector<1x1024xf32> to vector<1024x1024xf32>
    %add3A_353 = arith.addf %add3A_351, %add3A_352 : vector<1024x1024xf32>
    %mul3A_354 = arith.constant 2.000000e+00 : f32
    %mul3A_355 = vector.broadcast %mul3A_354 : f32 to vector<1024x1024xf32>
    %mul3A_356 = arith.mulf %mul3A_355, %dot_general3A_349 : vector<1024x1024xf32>
    %sub3A_357 = arith.subf %add3A_353, %mul3A_356 : vector<1024x1024xf32>
    %reduce_min3A_358 = arith.constant dense<0x7F800000> : vector<1024xf32>
    %reduce_min3A_359 = vector.multi_reduction <minimumf>, %sub3A_357, %reduce_min3A_358 [1] : vector<1024x1024xf32> to vector<1024xf32>
    %iota3A_360 = tpu.iota {dimensions = array<i32: 1>} : vector<1024x1024xi32>
    %broadcast_in_dim3A_361 = vector.shape_cast %reduce_min3A_359 : vector<1024xf32> to vector<1024x1xf32>
    %eq3A_362 = vector.broadcast %broadcast_in_dim3A_361 : vector<1024x1xf32> to vector<1024x1024xf32>
    %eq3A_363 = arith.cmpf oeq, %sub3A_357, %eq3A_362 : vector<1024x1024xf32>
    %jit3A_364 = arith.constant 1073741824 : i32
    %broadcast_in_dim3A_365 = vector.broadcast %jit3A_364 : i32 to vector<1024x1024xi32>
    %select_n3A_366 = arith.select %eq3A_363, %iota3A_360, %broadcast_in_dim3A_365 : vector<1024x1024xi1>, vector<1024x1024xi32>
    %reduce_min3A_367 = arith.constant dense<2147483647> : vector<1024xi32>
    %reduce_min3A_368 = vector.multi_reduction <minsi>, %select_n3A_366, %reduce_min3A_367 [1] : vector<1024x1024xi32> to vector<1024xi32>
    %add3A_369 = arith.constant 5120 : i32
    %add3A_370 = vector.broadcast %add3A_369 : i32 to vector<1024xi32>
    %add3A_371 = arith.addi %reduce_min3A_368, %add3A_370 : vector<1024xi32>
    %lt3A_372 = arith.cmpf olt, %reduce_min3A_359, %select_n3A_318 : vector<1024xf32>
    %select_n3A_373 = arith.select %lt3A_372, %add3A_371, %select_n3A_317 : vector<1024xi1>, vector<1024xi32>
    %select_n3A_374 = arith.select %lt3A_372, %reduce_min3A_359, %select_n3A_318 : vector<1024xi1>, vector<1024xf32>
    %convert_element_type3A_375 = arith.truncf %select_n3A_258 : vector<1024xf32> to vector<1024xbf16>
    %convert_element_type3A_376 = arith.extf %convert_element_type3A_375 : vector<1024xbf16> to vector<1024xf32>
    %lt3A_377 = arith.cmpf olt, %select_n3A_374, %convert_element_type3A_376 : vector<1024xf32>
    %select_n3A_378 = arith.select %lt3A_377, %select_n3A_373, %select_n3A_257 : vector<1024xi1>, vector<1024xi32>
    %select_n3A_379 = arith.select %lt3A_377, %select_n3A_374, %select_n3A_258 : vector<1024xi1>, vector<1024xf32>
    %broadcast_in_dim3A_380 = arith.constant 0x7F800000 : f32
    %broadcast_in_dim3A_381 = vector.broadcast %broadcast_in_dim3A_380 : f32 to vector<1024xf32>
    %broadcast_in_dim3A_382 = arith.constant 0 : i32
    %broadcast_in_dim3A_383 = vector.broadcast %broadcast_in_dim3A_382 : i32 to vector<1024xi32>
    %get3A_384 = arith.constant 6144 : index
    %get3A_385 = arith.constant 0 : index
    %get3A_386 = vector.load %arg2[%get3A_384, %get3A_385] : memref<8192x64xf32, #tpu.memory_space<vmem>>, vector<1024x64xf32>
    %mul3A_387 = arith.mulf %get3A_386, %get3A_386 : vector<1024x64xf32>
    %slice3A_388 = vector.extract_strided_slice %mul3A_387 {offsets = [0, 0], sizes = [1024, 8], strides = [1, 1]} : vector<1024x64xf32> to vector<1024x8xf32>
    %slice3A_389 = vector.extract_strided_slice %mul3A_387 {offsets = [0, 8], sizes = [1024, 8], strides = [1, 1]} : vector<1024x64xf32> to vector<1024x8xf32>
    %add3A_390 = arith.addf %slice3A_388, %slice3A_389 : vector<1024x8xf32>
    %slice3A_391 = vector.extract_strided_slice %mul3A_387 {offsets = [0, 16], sizes = [1024, 8], strides = [1, 1]} : vector<1024x64xf32> to vector<1024x8xf32>
    %add3A_392 = arith.addf %add3A_390, %slice3A_391 : vector<1024x8xf32>
    %slice3A_393 = vector.extract_strided_slice %mul3A_387 {offsets = [0, 24], sizes = [1024, 8], strides = [1, 1]} : vector<1024x64xf32> to vector<1024x8xf32>
    %add3A_394 = arith.addf %add3A_392, %slice3A_393 : vector<1024x8xf32>
    %slice3A_395 = vector.extract_strided_slice %mul3A_387 {offsets = [0, 32], sizes = [1024, 8], strides = [1, 1]} : vector<1024x64xf32> to vector<1024x8xf32>
    %add3A_396 = arith.addf %add3A_394, %slice3A_395 : vector<1024x8xf32>
    %slice3A_397 = vector.extract_strided_slice %mul3A_387 {offsets = [0, 40], sizes = [1024, 8], strides = [1, 1]} : vector<1024x64xf32> to vector<1024x8xf32>
    %add3A_398 = arith.addf %add3A_396, %slice3A_397 : vector<1024x8xf32>
    %slice3A_399 = vector.extract_strided_slice %mul3A_387 {offsets = [0, 48], sizes = [1024, 8], strides = [1, 1]} : vector<1024x64xf32> to vector<1024x8xf32>
    %add3A_400 = arith.addf %add3A_398, %slice3A_399 : vector<1024x8xf32>
    %slice3A_401 = vector.extract_strided_slice %mul3A_387 {offsets = [0, 56], sizes = [1024, 8], strides = [1, 1]} : vector<1024x64xf32> to vector<1024x8xf32>
    %add3A_402 = arith.addf %add3A_400, %slice3A_401 : vector<1024x8xf32>
    %slice3A_403 = vector.extract_strided_slice %add3A_402 {offsets = [0, 0], sizes = [1024, 4], strides = [1, 1]} : vector<1024x8xf32> to vector<1024x4xf32>
    %slice3A_404 = vector.extract_strided_slice %add3A_402 {offsets = [0, 4], sizes = [1024, 4], strides = [1, 1]} : vector<1024x8xf32> to vector<1024x4xf32>
    %add3A_405 = arith.addf %slice3A_403, %slice3A_404 : vector<1024x4xf32>
    %slice3A_406 = vector.extract_strided_slice %add3A_405 {offsets = [0, 0], sizes = [1024, 2], strides = [1, 1]} : vector<1024x4xf32> to vector<1024x2xf32>
    %slice3A_407 = vector.extract_strided_slice %add3A_405 {offsets = [0, 2], sizes = [1024, 2], strides = [1, 1]} : vector<1024x4xf32> to vector<1024x2xf32>
    %add3A_408 = arith.addf %slice3A_406, %slice3A_407 : vector<1024x2xf32>
    %slice3A_409 = vector.extract_strided_slice %add3A_408 {offsets = [0, 0], sizes = [1024, 1], strides = [1, 1]} : vector<1024x2xf32> to vector<1024x1xf32>
    %slice3A_410 = vector.extract_strided_slice %add3A_408 {offsets = [0, 1], sizes = [1024, 1], strides = [1, 1]} : vector<1024x2xf32> to vector<1024x1xf32>
    %add3A_411 = arith.addf %slice3A_409, %slice3A_410 : vector<1024x1xf32>
    %squeeze3A_412 = vector.shape_cast %add3A_411 : vector<1024x1xf32> to vector<1024xf32>
    %dot_general3A_413 = arith.constant dense<0.000000e+00> : vector<1024x1024xf32>
    %dot_general3A_414 = tpu.matmul %get3A_1, %get3A_386, %dot_general3A_413 {dimension_numbers = #tpu.dot_dimension_numbers<[1], [1], [0], [0], [0, 0, 1, 0], [], []>, transpose_lhs_hint = false} : vector<1024x64xf32>, vector<1024x64xf32>, vector<1024x1024xf32> -> vector<1024x1024xf32>
    %broadcast_in_dim3A_415 = vector.shape_cast %squeeze3A_412 : vector<1024xf32> to vector<1x1024xf32>
    %add3A_416 = vector.broadcast %add3A_23 : vector<1024x1xf32> to vector<1024x1024xf32>
    %add3A_417 = vector.broadcast %broadcast_in_dim3A_415 : vector<1x1024xf32> to vector<1024x1024xf32>
    %add3A_418 = arith.addf %add3A_416, %add3A_417 : vector<1024x1024xf32>
    %mul3A_419 = arith.constant 2.000000e+00 : f32
    %mul3A_420 = vector.broadcast %mul3A_419 : f32 to vector<1024x1024xf32>
    %mul3A_421 = arith.mulf %mul3A_420, %dot_general3A_414 : vector<1024x1024xf32>
    %sub3A_422 = arith.subf %add3A_418, %mul3A_421 : vector<1024x1024xf32>
    %reduce_min3A_423 = arith.constant dense<0x7F800000> : vector<1024xf32>
    %reduce_min3A_424 = vector.multi_reduction <minimumf>, %sub3A_422, %reduce_min3A_423 [1] : vector<1024x1024xf32> to vector<1024xf32>
    %iota3A_425 = tpu.iota {dimensions = array<i32: 1>} : vector<1024x1024xi32>
    %broadcast_in_dim3A_426 = vector.shape_cast %reduce_min3A_424 : vector<1024xf32> to vector<1024x1xf32>
    %eq3A_427 = vector.broadcast %broadcast_in_dim3A_426 : vector<1024x1xf32> to vector<1024x1024xf32>
    %eq3A_428 = arith.cmpf oeq, %sub3A_422, %eq3A_427 : vector<1024x1024xf32>
    %jit3A_429 = arith.constant 1073741824 : i32
    %broadcast_in_dim3A_430 = vector.broadcast %jit3A_429 : i32 to vector<1024x1024xi32>
    %select_n3A_431 = arith.select %eq3A_428, %iota3A_425, %broadcast_in_dim3A_430 : vector<1024x1024xi1>, vector<1024x1024xi32>
    %reduce_min3A_432 = arith.constant dense<2147483647> : vector<1024xi32>
    %reduce_min3A_433 = vector.multi_reduction <minsi>, %select_n3A_431, %reduce_min3A_432 [1] : vector<1024x1024xi32> to vector<1024xi32>
    %add3A_434 = arith.constant 6144 : i32
    %add3A_435 = vector.broadcast %add3A_434 : i32 to vector<1024xi32>
    %add3A_436 = arith.addi %reduce_min3A_433, %add3A_435 : vector<1024xi32>
    %lt3A_437 = arith.cmpf olt, %reduce_min3A_424, %broadcast_in_dim3A_381 : vector<1024xf32>
    %select_n3A_438 = arith.select %lt3A_437, %add3A_436, %broadcast_in_dim3A_383 : vector<1024xi1>, vector<1024xi32>
    %select_n3A_439 = arith.select %lt3A_437, %reduce_min3A_424, %broadcast_in_dim3A_381 : vector<1024xi1>, vector<1024xf32>
    %get3A_440 = arith.constant 7168 : index
    %get3A_441 = arith.constant 0 : index
    %get3A_442 = vector.load %arg2[%get3A_440, %get3A_441] : memref<8192x64xf32, #tpu.memory_space<vmem>>, vector<1024x64xf32>
    %mul3A_443 = arith.mulf %get3A_442, %get3A_442 : vector<1024x64xf32>
    %slice3A_444 = vector.extract_strided_slice %mul3A_443 {offsets = [0, 0], sizes = [1024, 8], strides = [1, 1]} : vector<1024x64xf32> to vector<1024x8xf32>
    %slice3A_445 = vector.extract_strided_slice %mul3A_443 {offsets = [0, 8], sizes = [1024, 8], strides = [1, 1]} : vector<1024x64xf32> to vector<1024x8xf32>
    %add3A_446 = arith.addf %slice3A_444, %slice3A_445 : vector<1024x8xf32>
    %slice3A_447 = vector.extract_strided_slice %mul3A_443 {offsets = [0, 16], sizes = [1024, 8], strides = [1, 1]} : vector<1024x64xf32> to vector<1024x8xf32>
    %add3A_448 = arith.addf %add3A_446, %slice3A_447 : vector<1024x8xf32>
    %slice3A_449 = vector.extract_strided_slice %mul3A_443 {offsets = [0, 24], sizes = [1024, 8], strides = [1, 1]} : vector<1024x64xf32> to vector<1024x8xf32>
    %add3A_450 = arith.addf %add3A_448, %slice3A_449 : vector<1024x8xf32>
    %slice3A_451 = vector.extract_strided_slice %mul3A_443 {offsets = [0, 32], sizes = [1024, 8], strides = [1, 1]} : vector<1024x64xf32> to vector<1024x8xf32>
    %add3A_452 = arith.addf %add3A_450, %slice3A_451 : vector<1024x8xf32>
    %slice3A_453 = vector.extract_strided_slice %mul3A_443 {offsets = [0, 40], sizes = [1024, 8], strides = [1, 1]} : vector<1024x64xf32> to vector<1024x8xf32>
    %add3A_454 = arith.addf %add3A_452, %slice3A_453 : vector<1024x8xf32>
    %slice3A_455 = vector.extract_strided_slice %mul3A_443 {offsets = [0, 48], sizes = [1024, 8], strides = [1, 1]} : vector<1024x64xf32> to vector<1024x8xf32>
    %add3A_456 = arith.addf %add3A_454, %slice3A_455 : vector<1024x8xf32>
    %slice3A_457 = vector.extract_strided_slice %mul3A_443 {offsets = [0, 56], sizes = [1024, 8], strides = [1, 1]} : vector<1024x64xf32> to vector<1024x8xf32>
    %add3A_458 = arith.addf %add3A_456, %slice3A_457 : vector<1024x8xf32>
    %slice3A_459 = vector.extract_strided_slice %add3A_458 {offsets = [0, 0], sizes = [1024, 4], strides = [1, 1]} : vector<1024x8xf32> to vector<1024x4xf32>
    %slice3A_460 = vector.extract_strided_slice %add3A_458 {offsets = [0, 4], sizes = [1024, 4], strides = [1, 1]} : vector<1024x8xf32> to vector<1024x4xf32>
    %add3A_461 = arith.addf %slice3A_459, %slice3A_460 : vector<1024x4xf32>
    %slice3A_462 = vector.extract_strided_slice %add3A_461 {offsets = [0, 0], sizes = [1024, 2], strides = [1, 1]} : vector<1024x4xf32> to vector<1024x2xf32>
    %slice3A_463 = vector.extract_strided_slice %add3A_461 {offsets = [0, 2], sizes = [1024, 2], strides = [1, 1]} : vector<1024x4xf32> to vector<1024x2xf32>
    %add3A_464 = arith.addf %slice3A_462, %slice3A_463 : vector<1024x2xf32>
    %slice3A_465 = vector.extract_strided_slice %add3A_464 {offsets = [0, 0], sizes = [1024, 1], strides = [1, 1]} : vector<1024x2xf32> to vector<1024x1xf32>
    %slice3A_466 = vector.extract_strided_slice %add3A_464 {offsets = [0, 1], sizes = [1024, 1], strides = [1, 1]} : vector<1024x2xf32> to vector<1024x1xf32>
    %add3A_467 = arith.addf %slice3A_465, %slice3A_466 : vector<1024x1xf32>
    %squeeze3A_468 = vector.shape_cast %add3A_467 : vector<1024x1xf32> to vector<1024xf32>
    %dot_general3A_469 = arith.constant dense<0.000000e+00> : vector<1024x1024xf32>
    %dot_general3A_470 = tpu.matmul %get3A_1, %get3A_442, %dot_general3A_469 {dimension_numbers = #tpu.dot_dimension_numbers<[1], [1], [0], [0], [0, 0, 1, 0], [], []>, transpose_lhs_hint = false} : vector<1024x64xf32>, vector<1024x64xf32>, vector<1024x1024xf32> -> vector<1024x1024xf32>
    %broadcast_in_dim3A_471 = vector.shape_cast %squeeze3A_468 : vector<1024xf32> to vector<1x1024xf32>
    %add3A_472 = vector.broadcast %add3A_23 : vector<1024x1xf32> to vector<1024x1024xf32>
    %add3A_473 = vector.broadcast %broadcast_in_dim3A_471 : vector<1x1024xf32> to vector<1024x1024xf32>
    %add3A_474 = arith.addf %add3A_472, %add3A_473 : vector<1024x1024xf32>
    %mul3A_475 = arith.constant 2.000000e+00 : f32
    %mul3A_476 = vector.broadcast %mul3A_475 : f32 to vector<1024x1024xf32>
    %mul3A_477 = arith.mulf %mul3A_476, %dot_general3A_470 : vector<1024x1024xf32>
    %sub3A_478 = arith.subf %add3A_474, %mul3A_477 : vector<1024x1024xf32>
    %reduce_min3A_479 = arith.constant dense<0x7F800000> : vector<1024xf32>
    %reduce_min3A_480 = vector.multi_reduction <minimumf>, %sub3A_478, %reduce_min3A_479 [1] : vector<1024x1024xf32> to vector<1024xf32>
    %iota3A_481 = tpu.iota {dimensions = array<i32: 1>} : vector<1024x1024xi32>
    %broadcast_in_dim3A_482 = vector.shape_cast %reduce_min3A_480 : vector<1024xf32> to vector<1024x1xf32>
    %eq3A_483 = vector.broadcast %broadcast_in_dim3A_482 : vector<1024x1xf32> to vector<1024x1024xf32>
    %eq3A_484 = arith.cmpf oeq, %sub3A_478, %eq3A_483 : vector<1024x1024xf32>
    %jit3A_485 = arith.constant 1073741824 : i32
    %broadcast_in_dim3A_486 = vector.broadcast %jit3A_485 : i32 to vector<1024x1024xi32>
    %select_n3A_487 = arith.select %eq3A_484, %iota3A_481, %broadcast_in_dim3A_486 : vector<1024x1024xi1>, vector<1024x1024xi32>
    %reduce_min3A_488 = arith.constant dense<2147483647> : vector<1024xi32>
    %reduce_min3A_489 = vector.multi_reduction <minsi>, %select_n3A_487, %reduce_min3A_488 [1] : vector<1024x1024xi32> to vector<1024xi32>
    %add3A_490 = arith.constant 7168 : i32
    %add3A_491 = vector.broadcast %add3A_490 : i32 to vector<1024xi32>
    %add3A_492 = arith.addi %reduce_min3A_489, %add3A_491 : vector<1024xi32>
    %lt3A_493 = arith.cmpf olt, %reduce_min3A_480, %select_n3A_439 : vector<1024xf32>
    %select_n3A_494 = arith.select %lt3A_493, %add3A_492, %select_n3A_438 : vector<1024xi1>, vector<1024xi32>
    %select_n3A_495 = arith.select %lt3A_493, %reduce_min3A_480, %select_n3A_439 : vector<1024xi1>, vector<1024xf32>
    %convert_element_type3A_496 = arith.truncf %select_n3A_379 : vector<1024xf32> to vector<1024xbf16>
    %convert_element_type3A_497 = arith.extf %convert_element_type3A_496 : vector<1024xbf16> to vector<1024xf32>
    %lt3A_498 = arith.cmpf olt, %select_n3A_495, %convert_element_type3A_497 : vector<1024xf32>
    %select_n3A_499 = arith.select %lt3A_498, %select_n3A_494, %select_n3A_378 : vector<1024xi1>, vector<1024xi32>
    %swap3A = arith.constant 0 : index
    %swap3A_500 = arith.constant 0 : index
    %swap3A_501 = arith.constant 0 : index
    %swap3A_502 = vector.load %arg3[%swap3A, %swap3A_500, %swap3A_501] : memref<1x1x1024xi32, #tpu.memory_space<vmem>>, vector<1x1x1024xi32>
    %swap3A_503 = vector.shape_cast %swap3A_502 : vector<1x1x1024xi32> to vector<1024xi32>
    %swap3A_504 = vector.shape_cast %select_n3A_499 : vector<1024xi32> to vector<1x1x1024xi32>
    tpu.vector_store %arg3[%swap3A, %swap3A_500, %swap3A_501], %swap3A_504 {strides = array<i32>} : memref<1x1x1024xi32, #tpu.memory_space<vmem>>, vector<1x1x1024xi32>,
    %iota3A_505 = tpu.iota {dimensions = array<i32: 1>} : vector<1024x1024xi32>
    %add3A_506 = arith.constant 0 : i32
    %add3A_507 = vector.broadcast %add3A_506 : i32 to vector<1024x1024xi32>
    %add3A_508 = arith.addi %iota3A_505, %add3A_507 : vector<1024x1024xi32>
    %broadcast_in_dim3A_509 = vector.shape_cast %select_n3A_499 : vector<1024xi32> to vector<1024x1xi32>
    %eq3A_510 = vector.broadcast %broadcast_in_dim3A_509 : vector<1024x1xi32> to vector<1024x1024xi32>
    %eq3A_511 = arith.cmpi eq, %eq3A_510, %add3A_508 : vector<1024x1024xi32>
    %convert_element_type3A_512 = arith.extui %eq3A_511 : vector<1024x1024xi1> to vector<1024x1024xi32>
    %convert_element_type3A_513 = arith.sitofp %convert_element_type3A_512 : vector<1024x1024xi32> to vector<1024x1024xf32>
    %reduce_sum3A = arith.constant dense<0.000000e+00> : vector<1024xf32>
    %reduce_sum3A_514 = vector.multi_reduction <add>, %convert_element_type3A_513, %reduce_sum3A [0] : vector<1024x1024xf32> to vector<1024xf32>
    %swap3A_515 = arith.constant 0 : index
    %swap3A_516 = arith.constant 0 : index
    %swap3A_517 = arith.constant 0 : index
    %swap3A_518 = vector.load %arg4[%swap3A_515, %swap3A_516, %swap3A_517] : memref<1x1x8192xf32, #tpu.memory_space<vmem>>, vector<1x1x1024xf32>
    %swap3A_519 = vector.shape_cast %swap3A_518 : vector<1x1x1024xf32> to vector<1024xf32>
    %swap3A_520 = vector.shape_cast %reduce_sum3A_514 : vector<1024xf32> to vector<1x1x1024xf32>
    tpu.vector_store %arg4[%swap3A_515, %swap3A_516, %swap3A_517], %swap3A_520 {strides = array<i32>} : memref<1x1x8192xf32, #tpu.memory_space<vmem>>, vector<1x1x1024xf32>,
    %iota3A_521 = tpu.iota {dimensions = array<i32: 1>} : vector<1024x1024xi32>
    %add3A_522 = arith.constant 1024 : i32
    %add3A_523 = vector.broadcast %add3A_522 : i32 to vector<1024x1024xi32>
    %add3A_524 = arith.addi %iota3A_521, %add3A_523 : vector<1024x1024xi32>
    %broadcast_in_dim3A_525 = vector.shape_cast %select_n3A_499 : vector<1024xi32> to vector<1024x1xi32>
    %eq3A_526 = vector.broadcast %broadcast_in_dim3A_525 : vector<1024x1xi32> to vector<1024x1024xi32>
    %eq3A_527 = arith.cmpi eq, %eq3A_526, %add3A_524 : vector<1024x1024xi32>
    %convert_element_type3A_528 = arith.extui %eq3A_527 : vector<1024x1024xi1> to vector<1024x1024xi32>
    %convert_element_type3A_529 = arith.sitofp %convert_element_type3A_528 : vector<1024x1024xi32> to vector<1024x1024xf32>
    %reduce_sum3A_530 = arith.constant dense<0.000000e+00> : vector<1024xf32>
    %reduce_sum3A_531 = vector.multi_reduction <add>, %convert_element_type3A_529, %reduce_sum3A_530 [0] : vector<1024x1024xf32> to vector<1024xf32>
    %swap3A_532 = arith.constant 0 : index
    %swap3A_533 = arith.constant 0 : index
    %swap3A_534 = arith.constant 1024 : index
    %swap3A_535 = vector.load %arg4[%swap3A_532, %swap3A_533, %swap3A_534] : memref<1x1x8192xf32, #tpu.memory_space<vmem>>, vector<1x1x1024xf32>
    %swap3A_536 = vector.shape_cast %swap3A_535 : vector<1x1x1024xf32> to vector<1024xf32>
    %swap3A_537 = vector.shape_cast %reduce_sum3A_531 : vector<1024xf32> to vector<1x1x1024xf32>
    tpu.vector_store %arg4[%swap3A_532, %swap3A_533, %swap3A_534], %swap3A_537 {strides = array<i32>} : memref<1x1x8192xf32, #tpu.memory_space<vmem>>, vector<1x1x1024xf32>,
    %iota3A_538 = tpu.iota {dimensions = array<i32: 1>} : vector<1024x1024xi32>
    %add3A_539 = arith.constant 2048 : i32
    %add3A_540 = vector.broadcast %add3A_539 : i32 to vector<1024x1024xi32>
    %add3A_541 = arith.addi %iota3A_538, %add3A_540 : vector<1024x1024xi32>
    %broadcast_in_dim3A_542 = vector.shape_cast %select_n3A_499 : vector<1024xi32> to vector<1024x1xi32>
    %eq3A_543 = vector.broadcast %broadcast_in_dim3A_542 : vector<1024x1xi32> to vector<1024x1024xi32>
    %eq3A_544 = arith.cmpi eq, %eq3A_543, %add3A_541 : vector<1024x1024xi32>
    %convert_element_type3A_545 = arith.extui %eq3A_544 : vector<1024x1024xi1> to vector<1024x1024xi32>
    %convert_element_type3A_546 = arith.sitofp %convert_element_type3A_545 : vector<1024x1024xi32> to vector<1024x1024xf32>
    %reduce_sum3A_547 = arith.constant dense<0.000000e+00> : vector<1024xf32>
    %reduce_sum3A_548 = vector.multi_reduction <add>, %convert_element_type3A_546, %reduce_sum3A_547 [0] : vector<1024x1024xf32> to vector<1024xf32>
    %swap3A_549 = arith.constant 0 : index
    %swap3A_550 = arith.constant 0 : index
    %swap3A_551 = arith.constant 2048 : index
    %swap3A_552 = vector.load %arg4[%swap3A_549, %swap3A_550, %swap3A_551] : memref<1x1x8192xf32, #tpu.memory_space<vmem>>, vector<1x1x1024xf32>
    %swap3A_553 = vector.shape_cast %swap3A_552 : vector<1x1x1024xf32> to vector<1024xf32>
    %swap3A_554 = vector.shape_cast %reduce_sum3A_548 : vector<1024xf32> to vector<1x1x1024xf32>
    tpu.vector_store %arg4[%swap3A_549, %swap3A_550, %swap3A_551], %swap3A_554 {strides = array<i32>} : memref<1x1x8192xf32, #tpu.memory_space<vmem>>, vector<1x1x1024xf32>,
    %iota3A_555 = tpu.iota {dimensions = array<i32: 1>} : vector<1024x1024xi32>
    %add3A_556 = arith.constant 3072 : i32
    %add3A_557 = vector.broadcast %add3A_556 : i32 to vector<1024x1024xi32>
    %add3A_558 = arith.addi %iota3A_555, %add3A_557 : vector<1024x1024xi32>
    %broadcast_in_dim3A_559 = vector.shape_cast %select_n3A_499 : vector<1024xi32> to vector<1024x1xi32>
    %eq3A_560 = vector.broadcast %broadcast_in_dim3A_559 : vector<1024x1xi32> to vector<1024x1024xi32>
    %eq3A_561 = arith.cmpi eq, %eq3A_560, %add3A_558 : vector<1024x1024xi32>
    %convert_element_type3A_562 = arith.extui %eq3A_561 : vector<1024x1024xi1> to vector<1024x1024xi32>
    %convert_element_type3A_563 = arith.sitofp %convert_element_type3A_562 : vector<1024x1024xi32> to vector<1024x1024xf32>
    %reduce_sum3A_564 = arith.constant dense<0.000000e+00> : vector<1024xf32>
    %reduce_sum3A_565 = vector.multi_reduction <add>, %convert_element_type3A_563, %reduce_sum3A_564 [0] : vector<1024x1024xf32> to vector<1024xf32>
    %swap3A_566 = arith.constant 0 : index
    %swap3A_567 = arith.constant 0 : index
    %swap3A_568 = arith.constant 3072 : index
    %swap3A_569 = vector.load %arg4[%swap3A_566, %swap3A_567, %swap3A_568] : memref<1x1x8192xf32, #tpu.memory_space<vmem>>, vector<1x1x1024xf32>
    %swap3A_570 = vector.shape_cast %swap3A_569 : vector<1x1x1024xf32> to vector<1024xf32>
    %swap3A_571 = vector.shape_cast %reduce_sum3A_565 : vector<1024xf32> to vector<1x1x1024xf32>
    tpu.vector_store %arg4[%swap3A_566, %swap3A_567, %swap3A_568], %swap3A_571 {strides = array<i32>} : memref<1x1x8192xf32, #tpu.memory_space<vmem>>, vector<1x1x1024xf32>,
    %iota3A_572 = tpu.iota {dimensions = array<i32: 1>} : vector<1024x1024xi32>
    %add3A_573 = arith.constant 4096 : i32
    %add3A_574 = vector.broadcast %add3A_573 : i32 to vector<1024x1024xi32>
    %add3A_575 = arith.addi %iota3A_572, %add3A_574 : vector<1024x1024xi32>
    %broadcast_in_dim3A_576 = vector.shape_cast %select_n3A_499 : vector<1024xi32> to vector<1024x1xi32>
    %eq3A_577 = vector.broadcast %broadcast_in_dim3A_576 : vector<1024x1xi32> to vector<1024x1024xi32>
    %eq3A_578 = arith.cmpi eq, %eq3A_577, %add3A_575 : vector<1024x1024xi32>
    %convert_element_type3A_579 = arith.extui %eq3A_578 : vector<1024x1024xi1> to vector<1024x1024xi32>
    %convert_element_type3A_580 = arith.sitofp %convert_element_type3A_579 : vector<1024x1024xi32> to vector<1024x1024xf32>
    %reduce_sum3A_581 = arith.constant dense<0.000000e+00> : vector<1024xf32>
    %reduce_sum3A_582 = vector.multi_reduction <add>, %convert_element_type3A_580, %reduce_sum3A_581 [0] : vector<1024x1024xf32> to vector<1024xf32>
    %swap3A_583 = arith.constant 0 : index
    %swap3A_584 = arith.constant 0 : index
    %swap3A_585 = arith.constant 4096 : index
    %swap3A_586 = vector.load %arg4[%swap3A_583, %swap3A_584, %swap3A_585] : memref<1x1x8192xf32, #tpu.memory_space<vmem>>, vector<1x1x1024xf32>
    %swap3A_587 = vector.shape_cast %swap3A_586 : vector<1x1x1024xf32> to vector<1024xf32>
    %swap3A_588 = vector.shape_cast %reduce_sum3A_582 : vector<1024xf32> to vector<1x1x1024xf32>
    tpu.vector_store %arg4[%swap3A_583, %swap3A_584, %swap3A_585], %swap3A_588 {strides = array<i32>} : memref<1x1x8192xf32, #tpu.memory_space<vmem>>, vector<1x1x1024xf32>,
    %iota3A_589 = tpu.iota {dimensions = array<i32: 1>} : vector<1024x1024xi32>
    %add3A_590 = arith.constant 5120 : i32
    %add3A_591 = vector.broadcast %add3A_590 : i32 to vector<1024x1024xi32>
    %add3A_592 = arith.addi %iota3A_589, %add3A_591 : vector<1024x1024xi32>
    %broadcast_in_dim3A_593 = vector.shape_cast %select_n3A_499 : vector<1024xi32> to vector<1024x1xi32>
    %eq3A_594 = vector.broadcast %broadcast_in_dim3A_593 : vector<1024x1xi32> to vector<1024x1024xi32>
    %eq3A_595 = arith.cmpi eq, %eq3A_594, %add3A_592 : vector<1024x1024xi32>
    %convert_element_type3A_596 = arith.extui %eq3A_595 : vector<1024x1024xi1> to vector<1024x1024xi32>
    %convert_element_type3A_597 = arith.sitofp %convert_element_type3A_596 : vector<1024x1024xi32> to vector<1024x1024xf32>
    %reduce_sum3A_598 = arith.constant dense<0.000000e+00> : vector<1024xf32>
    %reduce_sum3A_599 = vector.multi_reduction <add>, %convert_element_type3A_597, %reduce_sum3A_598 [0] : vector<1024x1024xf32> to vector<1024xf32>
    %swap3A_600 = arith.constant 0 : index
    %swap3A_601 = arith.constant 0 : index
    %swap3A_602 = arith.constant 5120 : index
    %swap3A_603 = vector.load %arg4[%swap3A_600, %swap3A_601, %swap3A_602] : memref<1x1x8192xf32, #tpu.memory_space<vmem>>, vector<1x1x1024xf32>
    %swap3A_604 = vector.shape_cast %swap3A_603 : vector<1x1x1024xf32> to vector<1024xf32>
    %swap3A_605 = vector.shape_cast %reduce_sum3A_599 : vector<1024xf32> to vector<1x1x1024xf32>
    tpu.vector_store %arg4[%swap3A_600, %swap3A_601, %swap3A_602], %swap3A_605 {strides = array<i32>} : memref<1x1x8192xf32, #tpu.memory_space<vmem>>, vector<1x1x1024xf32>,
    %iota3A_606 = tpu.iota {dimensions = array<i32: 1>} : vector<1024x1024xi32>
    %add3A_607 = arith.constant 6144 : i32
    %add3A_608 = vector.broadcast %add3A_607 : i32 to vector<1024x1024xi32>
    %add3A_609 = arith.addi %iota3A_606, %add3A_608 : vector<1024x1024xi32>
    %broadcast_in_dim3A_610 = vector.shape_cast %select_n3A_499 : vector<1024xi32> to vector<1024x1xi32>
    %eq3A_611 = vector.broadcast %broadcast_in_dim3A_610 : vector<1024x1xi32> to vector<1024x1024xi32>
    %eq3A_612 = arith.cmpi eq, %eq3A_611, %add3A_609 : vector<1024x1024xi32>
    %convert_element_type3A_613 = arith.extui %eq3A_612 : vector<1024x1024xi1> to vector<1024x1024xi32>
    %convert_element_type3A_614 = arith.sitofp %convert_element_type3A_613 : vector<1024x1024xi32> to vector<1024x1024xf32>
    %reduce_sum3A_615 = arith.constant dense<0.000000e+00> : vector<1024xf32>
    %reduce_sum3A_616 = vector.multi_reduction <add>, %convert_element_type3A_614, %reduce_sum3A_615 [0] : vector<1024x1024xf32> to vector<1024xf32>
    %swap3A_617 = arith.constant 0 : index
    %swap3A_618 = arith.constant 0 : index
    %swap3A_619 = arith.constant 6144 : index
    %swap3A_620 = vector.load %arg4[%swap3A_617, %swap3A_618, %swap3A_619] : memref<1x1x8192xf32, #tpu.memory_space<vmem>>, vector<1x1x1024xf32>
    %swap3A_621 = vector.shape_cast %swap3A_620 : vector<1x1x1024xf32> to vector<1024xf32>
    %swap3A_622 = vector.shape_cast %reduce_sum3A_616 : vector<1024xf32> to vector<1x1x1024xf32>
    tpu.vector_store %arg4[%swap3A_617, %swap3A_618, %swap3A_619], %swap3A_622 {strides = array<i32>} : memref<1x1x8192xf32, #tpu.memory_space<vmem>>, vector<1x1x1024xf32>,
    %iota3A_623 = tpu.iota {dimensions = array<i32: 1>} : vector<1024x1024xi32>
    %add3A_624 = arith.constant 7168 : i32
    %add3A_625 = vector.broadcast %add3A_624 : i32 to vector<1024x1024xi32>
    %add3A_626 = arith.addi %iota3A_623, %add3A_625 : vector<1024x1024xi32>
    %broadcast_in_dim3A_627 = vector.shape_cast %select_n3A_499 : vector<1024xi32> to vector<1024x1xi32>
    %eq3A_628 = vector.broadcast %broadcast_in_dim3A_627 : vector<1024x1xi32> to vector<1024x1024xi32>
    %eq3A_629 = arith.cmpi eq, %eq3A_628, %add3A_626 : vector<1024x1024xi32>
    %convert_element_type3A_630 = arith.extui %eq3A_629 : vector<1024x1024xi1> to vector<1024x1024xi32>
    %convert_element_type3A_631 = arith.sitofp %convert_element_type3A_630 : vector<1024x1024xi32> to vector<1024x1024xf32>
    %reduce_sum3A_632 = arith.constant dense<0.000000e+00> : vector<1024xf32>
    %reduce_sum3A_633 = vector.multi_reduction <add>, %convert_element_type3A_631, %reduce_sum3A_632 [0] : vector<1024x1024xf32> to vector<1024xf32>
    %swap3A_634 = arith.constant 0 : index
    %swap3A_635 = arith.constant 0 : index
    %swap3A_636 = arith.constant 7168 : index
    %swap3A_637 = vector.load %arg4[%swap3A_634, %swap3A_635, %swap3A_636] : memref<1x1x8192xf32, #tpu.memory_space<vmem>>, vector<1x1x1024xf32>
    %swap3A_638 = vector.shape_cast %swap3A_637 : vector<1x1x1024xf32> to vector<1024xf32>
    %swap3A_639 = vector.shape_cast %reduce_sum3A_633 : vector<1024xf32> to vector<1x1x1024xf32>
    tpu.vector_store %arg4[%swap3A_634, %swap3A_635, %swap3A_636], %swap3A_639 {strides = array<i32>} : memref<1x1x8192xf32, #tpu.memory_space<vmem>>, vector<1x1x1024xf32>,
    return
  }
  func.func @transform_0(%arg0: i32) -> (i32, i32) {
    %c0_i32 = arith.constant 0 : i32
    %c0_i32_0 = arith.constant 0 : i32
    return %arg0, %c0_i32 : i32, i32
  }
  func.func @transform_1(%arg0: i32) -> (i32, i32) {
    %c0_i32 = arith.constant 0 : i32
    %c0_i32_0 = arith.constant 0 : i32
    %c0_i32_1 = arith.constant 0 : i32
    return %c0_i32, %c0_i32_0 : i32, i32
  }
  func.func @transform_2(%arg0: i32) -> (i32, i32, i32) {
    %c0_i32 = arith.constant 0 : i32
    %c0_i32_0 = arith.constant 0 : i32
    %c0_i32_1 = arith.constant 0 : i32
    return %arg0, %c0_i32, %c0_i32_0 : i32, i32, i32
  }
  func.func @transform_3(%arg0: i32) -> (i32, i32, i32) {
    %c0_i32 = arith.constant 0 : i32
    %c0_i32_0 = arith.constant 0 : i32
    %c0_i32_1 = arith.constant 0 : i32
    return %arg0, %c0_i32, %c0_i32_0 : i32, i32, i32
  }
}

module attributes {stable_mosaic.version = 14 : i64} {
  func.func @_epilogue_body(%arg0: memref<8192x64xf32, #tpu.memory_space<vmem>>, %arg1: memref<8192x128xf32, #tpu.memory_space<vmem>>, %arg2: memref<8x8192xf32, #tpu.memory_space<vmem>>, %arg3: memref<8192x64xf32, #tpu.memory_space<vmem>>, %arg4: memref<1x1xf32, #tpu.memory_space<vmem>>, %arg5: memref<1x1xf32, #tpu.memory_space<vmem>>) attributes {dimension_semantics = [], scalar_prefetch = 0 : i64, scratch_operands = 0 : i64, tpu.core_type = #tpu.core_type<tc>} {
    %get3A = arith.constant 0 : index
    %get3A_0 = arith.constant 0 : index
    %get3A_1 = vector.load %arg0[%get3A, %get3A_0] : memref<8192x64xf32, #tpu.memory_space<vmem>>, vector<8192x64xf32>
    %get3A_2 = arith.constant 0 : index
    %get3A_3 = arith.constant 0 : index
    %get3A_4 = vector.load %arg1[%get3A_2, %get3A_3] : memref<8192x128xf32, #tpu.memory_space<vmem>>, vector<8192x64xf32>
    %sub3A = arith.subf %get3A_4, %get3A_1 : vector<8192x64xf32>
    %add3A = arith.addf %get3A_1, %sub3A : vector<8192x64xf32>
    %swap3A = arith.constant 0 : index
    %swap3A_5 = arith.constant 0 : index
    %swap3A_6 = vector.load %arg3[%swap3A, %swap3A_5] : memref<8192x64xf32, #tpu.memory_space<vmem>>, vector<8192x64xf32>
    tpu.vector_store %arg3[%swap3A, %swap3A_5], %add3A {strides = array<i32>} : memref<8192x64xf32, #tpu.memory_space<vmem>>, vector<8192x64xf32>,
    %mul3A = arith.mulf %sub3A, %sub3A : vector<8192x64xf32>
    %reduce_sum3A = vector.shape_cast %mul3A : vector<8192x64xf32> to vector<1x8192x64xf32>
    %reduce_sum3A_7 = arith.constant dense<0.000000e+00> : vector<1xf32>
    %reduce_sum3A_8 = vector.multi_reduction <add>, %reduce_sum3A, %reduce_sum3A_7 [1, 2] : vector<1x8192x64xf32> to vector<1xf32>
    %reduce_sum3A_9 = vector.shape_cast %reduce_sum3A_8 : vector<1xf32> to vector<1x1x1xf32>
    %reduce_sum3A_10 = vector.extract %reduce_sum3A_9[0, 0, 0] : f32 from vector<1x1x1xf32>
    %div3A = arith.constant 5.242880e+05 : f32
    %div3A_11 = arith.divf %reduce_sum3A_10, %div3A : f32
    %mul3A_12 = arith.constant 2.500000e-01 : f32
    %mul3A_13 = arith.mulf %mul3A_12, %div3A_11 : f32
    %add3A_14 = arith.addf %div3A_11, %mul3A_13 : f32
    %broadcast_in_dim3A = vector.broadcast %add3A_14 : f32 to vector<1x1xf32>
    %swap3A_15 = arith.constant 0 : index
    %swap3A_16 = arith.constant 0 : index
    %swap3A_17 = vector.load %arg4[%swap3A_15, %swap3A_16] : memref<1x1xf32, #tpu.memory_space<vmem>>, vector<1x1xf32>
    tpu.vector_store %arg4[%swap3A_15, %swap3A_16], %broadcast_in_dim3A {strides = array<i32>} : memref<1x1xf32, #tpu.memory_space<vmem>>, vector<1x1xf32>,
    %get3A_18 = arith.constant 0 : index
    %get3A_19 = arith.constant 0 : index
    %get3A_20 = vector.load %arg2[%get3A_18, %get3A_19] : memref<8x8192xf32, #tpu.memory_space<vmem>>, vector<8x8192xf32>
    %reduce_sum3A_21 = arith.constant dense<0.000000e+00> : vector<8192xf32>
    %reduce_sum3A_22 = vector.multi_reduction <add>, %get3A_20, %reduce_sum3A_21 [0] : vector<8x8192xf32> to vector<8192xf32>
    %div3A_23 = arith.constant 8.192000e+03 : f32
    %div3A_24 = vector.broadcast %div3A_23 : f32 to vector<8192xf32>
    %div3A_25 = arith.divf %reduce_sum3A_22, %div3A_24 : vector<8192xf32>
    %add3A_26 = arith.constant 1.000000e-10 : f32
    %add3A_27 = vector.broadcast %add3A_26 : f32 to vector<8192xf32>
    %add3A_28 = arith.addf %div3A_25, %add3A_27 : vector<8192xf32>
    %log3A = math.log %add3A_28 : vector<8192xf32>
    %mul3A_29 = arith.mulf %div3A_25, %log3A : vector<8192xf32>
    %reduce_sum3A_30 = vector.shape_cast %mul3A_29 : vector<8192xf32> to vector<1x8192xf32>
    %reduce_sum3A_31 = arith.constant dense<0.000000e+00> : vector<1xf32>
    %reduce_sum3A_32 = vector.multi_reduction <add>, %reduce_sum3A_30, %reduce_sum3A_31 [1] : vector<1x8192xf32> to vector<1xf32>
    %reduce_sum3A_33 = vector.shape_cast %reduce_sum3A_32 : vector<1xf32> to vector<1x1xf32>
    %reduce_sum3A_34 = vector.extract %reduce_sum3A_33[0, 0] : f32 from vector<1x1xf32>
    %neg3A = arith.constant 0.000000e+00 : f32
    %neg3A_35 = arith.subf %neg3A, %reduce_sum3A_34 : f32
    %exp3A = math.exp %neg3A_35 : f32
    %broadcast_in_dim3A_36 = vector.broadcast %exp3A : f32 to vector<1x1xf32>
    %swap3A_37 = arith.constant 0 : index
    %swap3A_38 = arith.constant 0 : index
    %swap3A_39 = vector.load %arg5[%swap3A_37, %swap3A_38] : memref<1x1xf32, #tpu.memory_space<vmem>>, vector<1x1xf32>
    tpu.vector_store %arg5[%swap3A_37, %swap3A_38], %broadcast_in_dim3A_36 {strides = array<i32>} : memref<1x1xf32, #tpu.memory_space<vmem>>, vector<1x1xf32>,
    return
  }
}

</mosaic_0001>

<sc_bundles>
// kernel: kernel.6.cloned.1.call-start
scs
__scs_entry_jumppad:
0x0: {  	(pc) =	sbr.rel $0x88, $3  }
0x1: {  	(tag) =	ssettag $0x0;
	lr =	simm.s32 $0x1  }
0x2: {  	[smem:$0x3F8F] =	sst lr;
	_ =	strace $0xD0000000  }
0x3: {  	_ = 	snop  }
0x4: {  	_ = 	snop  }
0x5: {  	_ = 	snop  }
0x6: {  	_ = 	snop  }
0x7: {  	_ = 	snop  }
__scs_overlays_trampoline_lowered:
0x8: {  	[smem:$0x3F9E] =	sst s0  }
0x9: {  	[smem:$0x3F9F] =	sst s1  }
0xa: {  	[smem:$0x3FA0] =	sst s2  }
0xb: {  	[smem:$0x3FA1] =	sst s3  }
0xc: {  	[smem:$0x3FA2] =	sst s4  }
0xd: {  	[smem:$0x3FA3] =	sst s5  }
0xe: {  	[smem:$0x3FA4] =	sst s6  }
0xf: {  	[smem:$0x3FA5] =	sst s7  }
0x10: {  	[smem:$0x3FA6] =	sst s8  }
0x11: {  	[smem:$0x3FA7] =	sst s9;
	s0 =	simm.s32 @!p0 $0x0  }
0x12: {  	s1 =	sld [smem:$0x3F8D];
	s0 =	simm.s32 @p0 $0x1  }
0x13: {  	[smem:$0x3FA8] =	sst s0;
	s0 =	simm.s32 @!p1 $0x0  }
0x14: {  	s2 =	sld [smem:$0x3F8C];
	s0 =	simm.s32 @p1 $0x1  }
0x15: {  	[smem:$0x3FA9] =	sst s0;
	s0 =	simm.s32 @!p2 $0x0  }
0x16: {  	s3 =	sld [smem:$0x3FDB];
	s0 =	simm.s32 @p2 $0x1  }
0x17: {  	s4 =	simm.s32 $0x1BF5;
	[smem:$0x3FAB] =	sst s0  }
0x18: {  	s0 =	sld [smem:$0x3F8E];
	_ =	swait.ge [sflag:s4], $0x0  }
0x19: {  	s7 =	sld [smem:$0x3F8F]  }
0x1a: {  	s8 =	sadd.s32 $0xFFFFE003, lr  }
0x1b: {  	s9 =	sadd.s32 $0xFFFFFEF7, lr;
	s5 =	simm.s32 $0xFFFFFFFF;
	p2 =	slt.u32 s8, $0xFFFFF086  }
0x1c: {  	p1 =	slt.u32 s9, $0xF7A;
	s5 =	simm.s32 @!p2 $0x0  }
0x1d: {  	s5 =	simm.s32 @p1 $0x1;
	p0 =	seq.s32 s7, s2  }
0x1e: {  	s7 =	smul.u32 @!p0 $0xF7A, s2;
	p2 =	seq.s32 @!p0 s5, $0x0  }
0x1f: {  	s9 =	smul.u32 $0xF7A, s1;
	s8 =	simm.s32 @!p0 $0x1BF5;
	p2 =	por !p2, p0  }
0x20: {  	[sflag:s8] =	ssyncset.s32 @!p0 $0xFFFFF086;
	s6 =	sadd.s32 @!p0 s3, s7;
	s7 =	simm.s32 @!p0 $0x108  }
0x21: {  	s3 =	sadd.s32 s3, s9;
	s6 =	sadd.s32 @!p0 $0x88, s6;
	s7 =	simm.s32 @p2 $0x1082  }
0x22: {  	[simem:s7], [sflag:s8] =	dma.local @!p0 [hbm:s6], $0xF7A  }
0x23: {  	s9 =	sor.u32 $0xD0000000, s2;
	s6 =	simm.s32 $0x108;
	_ =	swait.ge @!p0 [sflag:s8], $0x0  }
0x24: {  	s3 =	sadd.s32 $0x88, s3;
	s6 =	simm.s32 @!p1 $0x1082;
	[sflag:s4] =	ssyncset.s32 $0xFFFFF086  }
0x25: {  	[simem:s6], [sflag:s4] =	dma.local [hbm:s3], $0xF7A  }
0x26: {  	[smem:$0x3F8F] =	sst s1;
	(tag) =	ssettag s2;
	_ =	strace s9  }
0x27: {  	s1 =	sld [smem:$0x3F9F]  }
0x28: {  	s2 =	sld [smem:$0x3FA0]  }
0x29: {  	s4 =	sld [smem:$0x3FA2]  }
0x2a: {  	p0 =	seq.s32 s5, $0x0;
	s5 =	sld [smem:$0x3FA3]  }
0x2b: {  	s6 =	sld [smem:$0x3FA4]  }
0x2c: {  	s7 =	sld [smem:$0x3FA5]  }
0x2d: {  	s3 =	simm.s32 $0x108;
	s8 =	sld [smem:$0x3FA6]  }
0x2e: {  	s3 =	simm.s32 @!p0 $0x1082;
	s9 =	sld [smem:$0x3FA7]  }
0x2f: {  	lr =	sadd.s32 s0, s3;
	s0 =	sld [smem:$0x3F9E]  }
0x30: {  	s3 =	sld [smem:$0x3FA1]  }
0x31: {  	[smem:$0x3FAA] =	sst s10  }
0x32: {  	s10 =	sld [smem:$0x3FA8];
	_ =	sdelay $0x3  }
0x33: {  	p0 =	seq.s32 s10, $0x1;
	s10 =	sld [smem:$0x3FAA];
	_ =	sdelay $0x3  }
0x34: {  	[smem:$0x3FAA] =	sst s10  }
0x35: {  	s10 =	sld [smem:$0x3FA9];
	_ =	sdelay $0x3  }
0x36: {  	p1 =	seq.s32 s10, $0x1;
	s10 =	sld [smem:$0x3FAA];
	_ =	sdelay $0x3  }
0x37: {  	[smem:$0x3FAA] =	sst s10  }
0x38: {  	s10 =	sld [smem:$0x3FAB]  }
0x39: {  	_ = 	snop;
	(pc) =	sbr.ind lr, $3  }
0x3a: {  	_ = 	snop  }
0x3b: {  	_ = 	snop  }
0x3c: {  	p2 =	seq.s32 s10, $0x1;
	s10 =	sld [smem:$0x3FAA]  }
0x3d: {  	_ =	shalt  }
0x3e: {  	_ =	shalt  }
0x3f: {  	_ =	shalt  }
0x40: {  	_ =	shalt  }
0x41: {  	_ =	shalt  }
0x42: {  	_ =	shalt  }
0x43: {  	_ =	shalt  }
0x44: {  	_ =	shalt  }
0x45: {  	_ =	shalt  }
0x46: {  	_ =	shalt  }
0x47: {  	_ =	shalt  }
0x48: {  	_ =	shalt  }
0x49: {  	_ =	shalt  }
0x4a: {  	_ =	shalt  }
0x4b: {  	_ =	shalt  }
0x4c: {  	_ =	shalt  }
0x4d: {  	_ =	shalt  }
0x4e: {  	_ =	shalt  }
0x4f: {  	_ =	shalt  }
0x50: {  	_ =	shalt  }
0x51: {  	_ =	shalt  }
0x52: {  	_ =	shalt  }
0x53: {  	_ =	shalt  }
0x54: {  	_ =	shalt  }
0x55: {  	_ =	shalt  }
0x56: {  	_ =	shalt  }
0x57: {  	_ =	shalt  }
0x58: {  	_ =	shalt  }
0x59: {  	_ =	shalt  }
0x5a: {  	_ =	shalt  }
0x5b: {  	_ =	shalt  }
0x5c: {  	_ =	shalt  }
0x5d: {  	_ =	shalt  }
0x5e: {  	_ =	shalt  }
0x5f: {  	_ =	shalt  }
0x60: {  	_ =	shalt  }
0x61: {  	_ =	shalt  }
0x62: {  	_ =	shalt  }
0x63: {  	_ =	shalt  }
0x64: {  	_ =	shalt  }
0x65: {  	_ =	shalt  }
0x66: {  	_ =	shalt  }
0x67: {  	_ =	shalt  }
0x68: {  	_ =	shalt  }
0x69: {  	_ =	shalt  }
0x6a: {  	_ =	shalt  }
0x6b: {  	_ =	shalt  }
0x6c: {  	_ =	shalt  }
0x6d: {  	_ =	shalt  }
0x6e: {  	_ =	shalt  }
0x6f: {  	_ =	shalt  }
0x70: {  	_ =	shalt  }
0x71: {  	_ =	shalt  }
0x72: {  	_ =	shalt  }
0x73: {  	_ =	shalt  }
0x74: {  	_ =	shalt  }
0x75: {  	_ =	shalt  }
0x76: {  	_ =	shalt  }
0x77: {  	_ =	shalt  }
0x78: {  	_ =	shalt  }
0x79: {  	_ =	shalt  }
0x7a: {  	_ =	shalt  }
0x7b: {  	_ =	shalt  }
0x7c: {  	_ =	shalt  }
0x7d: {  	_ =	shalt  }
0x7e: {  	_ =	shalt  }
0x7f: {  	_ =	shalt  }
0x80: {  	_ =	shalt  }
0x81: {  	_ =	shalt  }
0x82: {  	_ =	shalt  }
0x83: {  	_ =	shalt  }
0x84: {  	_ =	shalt  }
0x85: {  	_ =	shalt  }
0x86: {  	_ =	shalt  }
0x87: {  	_ =	shalt  }
.Lfunc_end0:
.L_simem_size_0:
called_computation_lowered:
.L_overlay_start_0:
0x88: {  	s2 =	sld [smem:$0x3FD9]  }
0x89: {  	s3 =	sld [smem:$0x3FFE];
	_ =	sdelay $0x1  }
0x8a: {  	s1 =	srdreg.scid  }
0x8b: {  	s0 =	sand.u32 $0x1, s1  }
0x8c: {  	s14 =	sshll.u32 s0, $0xA;
	s2 =	sadd.s32 s3, s2  }
0x8d: {  	s2 =	sadd.s32 s2, s14  }
0x8e: {  	[smem:$0x3FB6] =	sst s2  }
0x8f: {  	_ = 	snop  }
0x90: {  	s2 =	sld [smem:$0x3FD0];
	_ =	sdelay $0x2  }
0x91: {  	s15 =	simm.s32 $0xA;
	s4 =	simm.s32 $0x10  }
0x92: {  	[smem:s4], [sflag:s15] =	dma.local [hbm:s2], $0x1  }
0x93: {  	_ =	swait.eq [sflag:s15], $0x1  }
0x94: {  	[sflag:s15] =	ssyncset.done $0x0  }
0x95: {  	[sflag:s15] =	ssyncadd.s32 $0xFFFFFFFF  }
0x96: {  	s16 =	sld [smem:$0x13];
	(tm) =	ssettm $0x1  }
0x97: {  	s17 =	sld [smem:$0x3FFB];
	_ =	sdelay $0x3  }
0x98: {  	_ =	strace s17  }
0x99: {  	s3 =	sld [smem:$0x3FFC];
	_ =	sdelay $0x3  }
0x9a: {  	_ =	strace s3  }
0x9b: {  	s3 =	sld [smem:$0x3FFD];
	_ =	sdelay $0x3  }
0x9c: {  	_ =	strace s3  }
0x9d: {  	_ =	strace $0x8FFFFFFF  }
0x9e: {  	s18 =	sld [smem:$0x3FDB];
	_ =	sdelay $0x1  }
0x9f: {  	s19 =	simm.s32 $_scs_section_size  }
0xa0: {  	s5 =	simm.s32 $_size__tile_overlayer_lowered;
	s6 =	simm.s32 $_tile_overlayer_lowered  }
0xa1: {  	s22 =	simm.s32 $0x1BFF;
	s21 =	sshll.u32 s6, $0x1;
	s3 =	sadd.s32 s19, s18  }
0xa2: {  	s7 =	simm.s32 $0x0;
	s20 =	sshll.u32 s5, $0x1;
	s5 =	sadd.s32 s21, s3  }
0xa3: {  	[timem:s7], [sflag:s22] =	dma.local [hbm:s5], s20  }
0xa4: {  	_ =	swait.ge [sflag:s22], s20  }
0xa5: {  	s4 =	ssub.s32 $0x0, s20;
	[sflag:s22] =	ssyncset.done $0x0  }
0xa6: {  	[sflag:s22] =	ssyncadd.s32 s4;
	_ =	sdelay $0x1  }
0xa7: {  	s23 =	simm.s32 $0x1B8B  }
0xa8: {  	_ =	swait.ge [sflag:s23], $0x1  }
0xa9: {  	[sflag:s23] =	ssyncset.done $0x0  }
0xaa: {  	s25 =	simm.s32 $0x1B8E;
	s24 =	sld [smem:$0x3FFE];
	[sflag:s23] =	ssyncadd.s32 $0xFFFFFFFF  }
0xab: {  	s26 =	simm.s32 $execute0_lowered;
	[smem:$0x3FD2] =	sst s25  }
0xac: {  	s5 =	sshll.u32 s26, $0x1;
	_ =	strace $0x80000046;
	[dreg:$0x1] =	wrdreg $0xFFFFFFFF  }
0xad: {  	s28 =	simm.s32 $_size_execute0_lowered;
	s3 =	sadd.s32 s3, s5;
	[dreg:$0x0] =	wrdreg $0x0  }
0xae: {  	s5 =	sshll.u32 s28, $0x1;
	[dreg:$0x2] =	wrdreg s3  }
0xaf: {  	[dreg:$0x3] =	wrdreg s5  }
0xb0: {  	[dreg:$0x4] =	wrdreg $0xC0  }
0xb1: {  	_ =	task [dreg:s7], $0x5FFFF  }
0xb2: {  	[dreg:$0x1] =	wrdreg $0xFFFFFFFF  }
0xb3: {  	[dreg:$0x0] =	wrdreg $0x60  }
0xb4: {  	[dreg:$0x2] =	wrdreg s24  }
0xb5: {  	[dreg:$0x3] =	wrdreg s16  }
0xb6: {  	[dreg:$0x4] =	wrdreg $0x9  }
0xb7: {  	_ =	task.clear_ibuf [dreg:s7], $0x5FFFF;
	_ =	strace $0x90000046  }
0xb8: {  	s29 =	simm.s32 $0x9;
	_ =	strace $0x80000048  }
0xb9: {  	_ =	swait.ge [sflag:s29], $0x1  }
0xba: {  	[sflag:s29] =	ssyncadd.s32 $0xFFFFFFFF  }
0xbb: {  	_ =	strace $0x90000048  }
0xbc: {  	_ =	sfence  }
0xbd: {  	s30 =	sld [smem:$0x0];
	_ =	sdelay $0x2  }
0xbe: {  	s31 =	sshll.u32 s1, $0xD;
	s1 =	sshrl.u32 s1, $0x2  }
0xbf: {  	s3 =	sand.u32 $0x4000, s31;
	s1 =	sadd.s32 s1, s30  }
0xc0: {  	s0 =	sor.u32 s3, s0;
	s1 =	sshll.u32 s1, $0x11  }
0xc1: {  	s0 =	sor.u32 s1, s0  }
0xc2: {  	s0 =	sadd.s32 $0x8F2B, s0  }
0xc3: {  	[sflag:s0] =	ssyncadd.remote.s32 $0x1  }
0xc4: {  	_ =	sfence.sel $0xFFFF  }
0xc5: {  	[dreg:$0x0] =	wrdreg $0xFFFFFFFF;
	(pc) =	sbr.abs _section_cstart, $3  }
0xc6: {  	[dreg:$0x1] =	wrdreg $0xFFFFFFFF  }
0xc7: {  	_ =	task.clear_ibuf [dreg:s7], $0x2FFFF;
	_ =	strace $0x9FFFFFFF  }
0xc8: {  	(tm) =	ssettm $0x7FFFFFFF  }
0xc9: {  	_ =	shalt  }
tec
execute0_lowered:
.L_overlay_start_1:
0x0: {  	(tag) =	ssettag $0x1  }
0x1: {  	s1 =	srdreg.scid  }
0x2: {  	s11 =	rddreg [dreg:$0x0];
	s0 =	stileid.u32;
	s12 =	sand.u32 $0x1, s1  }
0x3: {  	s3 =	rddreg [dreg:$0x1];
	s4 =	sshll.u32 s0, $0x9;
	s5 =	sshll.u32 s12, $0x8  }
0x4: {  	s2 =	simm.s32 $0x0;
	s1 =	rddreg [dreg:$0x2];
	s13 =	sor.u32 s5, s4  }
0x5: {  	[smem:$0x7FF] =	sst s2;
	s4 =	sshrl.u32 s13, $0x3  }
0x6: {  	_ =	strace $0x80000047;
	s4 =	sadd.s32 s3, s4;
	s3 =	simm.s32 $0x2  }
0x7: {  	[tilespmem:s2], [sflag:$0x2] =	stream.linear.gather [hbm4b:s4+s2], $0x80, $0x38;
	[tilespmem:$0x8100] =	vst v63  }
0x8: {  	_ =	swait.ge [sflag:s3], $0x80  }
0x9: {  	[sflag:s3] =	ssyncset.done $0x0  }
0xa: {  	s6 =	simm.s32 $0x80;
	s5 =	sadd.s32 $0x10, s4;
	[sflag:s3] =	ssyncadd.s32 $0xFFFFFF80  }
0xb: {  	[tilespmem:s6], [sflag:$0x2] =	stream.linear.gather [hbm4b:s5+s2], $0x80, $0x38;
	[tilespmem:$0x8100] =	vst v63  }
0xc: {  	_ =	swait.ge [sflag:s3], $0x80  }
0xd: {  	[sflag:s3] =	ssyncset.done $0x0  }
0xe: {  	s8 =	simm.s32 $0x100;
	s7 =	sadd.s32 $0x2C00, s11;
	[sflag:s3] =	ssyncadd.s32 $0xFFFFFF80  }
0xf: {  	[tilespmem:s8], [sflag:$0x1] =	stream.indirect.gather [hbm4b:s7+s6], $0x80, s2, s6, $0xb8;
	[tilespmem:$0x8100] =	vst v63  }
0x10: {  	s9 =	simm.s32 $0x4100;
	s10 =	simm.s32 $0x1;
	s12 =	ssub.s32 $0x2, s12  }
0x11: {  	[tilespmem:s9], [sflag:$0x1] =	stream.indirect.gather [hbm4b:s7+s6], $0x80, s6, s6, $0xb8;
	[tilespmem:$0x8100] =	vst v63  }
0x12: {  	s14 =	sshrl.u32 s12, $0x1;
	_ =	swait.ge [sflag:s10], $0x4000  }
0x13: {  	s12 =	ssub.s32 s12, s14;
	[sflag:s10] =	ssyncset.done $0x0  }
0x14: {  	s12 =	smax.u32 s12, $0x1;
	[sflag:s10] =	ssyncadd.s32 $0xFFFFC000  }
0x15: {  	s13 =	sshll.u32 s13, $0x4;
	p0 =	sne.s32 s12, $0x1;
	_ =	swait.ge [sflag:s10], $0x4000  }
.Ltmp0:
0x16: {  	s11 =	sadd.s32 s13, s11;
	[sflag:s10] =	ssyncset.done $0x0;
	(pc) =	sbr.rel @!p0 .LBB2_2-.Ltmp0, $4  }
0x17: {  	s11 =	sadd.s32 $0x22C00, s11;
	[sflag:s10] =	ssyncadd.s32 $0xFFFFC000  }
0x18: {  	[hbm4b:s11+s2] =	stream.linear.scatter [tilespmem:s8], [sflag:$0x2], $0x8000, $0x38;
	[tilespmem:$0x8100] =	vst v63  }
0x19: {  	_ =	swait.ge [sflag:s3], $0x8000  }
0x1a: {  	s12 =	sadd.s32 $0xFFFFFFFF, s12;
	[sflag:s3] =	ssyncset.done $0x0  }
.LBB2_1:
0x1b: {  	p0 =	sne.s32 s12, $0x1;
	s12 =	sadd.s32 $0xFFFFFFFF, s12;
	[sflag:s3] =	ssyncadd.s32 $0xFFFF8000  }
0x1c: {  	[tilespmem:s2], [sflag:$0x2] =	stream.linear.gather [hbm4b:s4+s2], $0x80, $0x38;
	[tilespmem:$0x8100] =	vst v63  }
0x1d: {  	_ =	swait.ge [sflag:s3], $0x80  }
0x1e: {  	[sflag:s3] =	ssyncset.done $0x0  }
0x1f: {  	[sflag:s3] =	ssyncadd.s32 $0xFFFFFF80  }
0x20: {  	[tilespmem:s6], [sflag:$0x2] =	stream.linear.gather [hbm4b:s5+s2], $0x80, $0x38;
	[tilespmem:$0x8100] =	vst v63  }
0x21: {  	_ =	swait.ge [sflag:s3], $0x80  }
0x22: {  	[sflag:s3] =	ssyncset.done $0x0  }
0x23: {  	[sflag:s3] =	ssyncadd.s32 $0xFFFFFF80  }
0x24: {  	[tilespmem:s8], [sflag:$0x1] =	stream.indirect.gather [hbm4b:s7+s6], $0x80, s2, s6, $0xb8;
	[tilespmem:$0x8100] =	vst v63  }
0x25: {  	_ = 	snop  }
0x26: {  	[tilespmem:s9], [sflag:$0x1] =	stream.indirect.gather [hbm4b:s7+s6], $0x80, s6, s6, $0xb8;
	[tilespmem:$0x8100] =	vst v63  }
0x27: {  	_ =	swait.ge [sflag:s10], $0x4000  }
0x28: {  	[sflag:s10] =	ssyncset.done $0x0  }
0x29: {  	[sflag:s10] =	ssyncadd.s32 $0xFFFFC000  }
0x2a: {  	_ =	swait.ge [sflag:s10], $0x4000  }
.Ltmp1:
0x2b: {  	[sflag:s10] =	ssyncset.done $0x0;
	(pc) =	sbr.rel @p0 .LBB2_1-.Ltmp1, $4  }
0x2c: {  	[sflag:s10] =	ssyncadd.s32 $0xFFFFC000  }
0x2d: {  	[hbm4b:s11+s2] =	stream.linear.scatter [tilespmem:s8], [sflag:$0x2], $0x8000, $0x38;
	[tilespmem:$0x8100] =	vst v63  }
0x2e: {  	_ =	swait.ge [sflag:s3], $0x8000  }
0x2f: {  	[sflag:s3] =	ssyncset.done $0x0  }
.LBB2_2:
0x30: {  	[sflag:s3] =	ssyncadd.s32 $0xFFFF8000  }
0x31: {  	_ =	sfence.sel $0x180000  }
0x32: {  	[bflag:$0x0] =	sbarrier.arrive $0xFFFF  }
0x33: {  	p0 =	sne.s32 s0, $0x0;
	_ =	strace $0x90000047  }
0x34: {  	s0 =	sadd.s32 @!p0 $0x100000, s1;
	[bflag:$0x2] =	sbarrier.arrive $0xFFFF  }
0x35: {  	[sflag:s0] =	ssyncadd.tile.s32 @!p0 $0x1;
	_ =	shalt  }
.Lfunc_end2:
_tile_overlayer_lowered:
.L_overlay_start_2:
0x36: {  	(tag) =	ssettag $0x2  }
0x37: {  	s0 =	rddreg [dreg:$0x0];
	s2 =	stileid.u32  }
0x38: {  	s1 =	rddreg [dreg:$0x1];
	p0 =	sne.s32 s2, $0x0  }
0x39: {  	s3 =	rddreg [dreg:$0x2];
	[bflag:$0x3] =	sbarrier.arrive $0xFFFF;
	s2 =	simm.s32 @!p0 $0x1C02  }
0x3a: {  	[timem:s3], [sflag:s2] =	dma.local @!p0 [hbm:s0], s1  }
0x3b: {  	s0 =	simm.s32 @!p0 $0x2  }
0x3c: {  	_ =	swait.ge @!p0 [sflag:s0], s1  }
0x3d: {  	s1 =	ssub.s32 @!p0 $0x0, s1;
	[sflag:s0] =	ssyncset.done @!p0 $0x0  }
0x3e: {  	[sflag:s0] =	ssyncadd.s32 @!p0 s1  }
0x3f: {  	[bflag:$0x3] =	sbarrier.arrive $0xFFFF  }
0x40: {  	_ =	shalt  }

</sc_bundles>
